<compile_context>
chip_gen: v7x
topology: tpu7x:2x2x1
jax: 0.10.2.dev20260603
libtpu: 0.0.44.dev20260713+nightly
codegen_flags: <defaults>
</compile_context>

<pallas_src>
import functools

import jax
import jax.numpy as jnp
from jax import lax
from jax.experimental import pallas as pl
from jax.experimental.pallas import tpu as pltpu
from jax.experimental.pallas import tpu_sc as plsc

_NU = 0.01
_N = 100000
_E = 1600000
_NP = 102400
_NW = 32
_EPT = _E // _NW
_CHUNK = 1000
_NCH = _EPT // _CHUNK
_ZROWS = 3200
_TROWS = _NP // 16


def _make_edge_pass(with_ev: bool):
    outs = [jax.ShapeDtypeStruct((2, _NP, 8), jnp.float32)]
    scratch = [pltpu.VMEM_SHARED((_NP, 8), jnp.float32)]
    scratch += [
        pltpu.VMEM((_ZROWS, 8), jnp.float32),
        pltpu.VMEM((2, _CHUNK), jnp.int32),
        pltpu.VMEM((2, _CHUNK), jnp.int32),
        pltpu.VMEM((2, _CHUNK, 8), jnp.float32),
    ]
    if with_ev:
        scratch.append(pltpu.VMEM((2, _CHUNK, 8), jnp.float32))
    scratch += [pltpu.SemaphoreType.DMA, pltpu.SemaphoreType.DMA,
                pltpu.SemaphoreType.DMA, pltpu.SemaphoreType.DMA]
    mesh = plsc.VectorSubcoreMesh(core_axis_name="c", subcore_axis_name="s")

    def body(*refs):
        if with_ev:
            (tab, srcr, dstr, ear, zeros_h, out_a,
             acc_a, zbuf, src_v, dst_v, rows_v, ev_v,
             ls0, ls1, gs0, gs1) = refs
        else:
            (tab, srcr, dstr, zeros_h, out_a,
             acc_a, zbuf, src_v, dst_v, rows_v,
             ls0, ls1, gs0, gs1) = refs
            ear = ev_v = None
        lsem = (ls0, ls1)
        gsem = (gs0, gs1)
        cid = lax.axis_index("c")
        sid = lax.axis_index("s")
        wid = sid * 2 + cid

        pltpu.sync_copy(zeros_h, zbuf)
        zb = sid * _TROWS
        for j in range(_TROWS // _ZROWS):
            pltpu.sync_copy(zbuf, acc_a.at[pl.ds(zb + j * _ZROWS, _ZROWS)])
        plsc.subcore_barrier()

        ebase = wid * _EPT

        def lin_start(t, b):
            off = pl.multiple_of(ebase + t * _CHUNK, 8)
            pltpu.async_copy(srcr.at[pl.ds(off, _CHUNK)], src_v.at[b],
                             lsem[b])
            pltpu.async_copy(dstr.at[pl.ds(off, _CHUNK)], dst_v.at[b],
                             lsem[b])
            if with_ev:
                pltpu.async_copy(ear.at[pl.ds(off, _CHUNK)], ev_v.at[b],
                                 lsem[b])

        def lin_wait(b):
            pltpu.make_async_copy(srcr.at[pl.ds(0, _CHUNK)], src_v.at[b],
                                  lsem[b]).wait()
            pltpu.make_async_copy(dstr.at[pl.ds(0, _CHUNK)], dst_v.at[b],
                                  lsem[b]).wait()
            if with_ev:
                pltpu.make_async_copy(ear.at[pl.ds(0, _CHUNK)], ev_v.at[b],
                                      lsem[b]).wait()

        def gather_start(b):
            pltpu.async_copy(tab.at[src_v.at[b]], rows_v.at[b], gsem[b])

        def gather_wait(b):
            pltpu.make_async_copy(tab.at[src_v.at[b]], rows_v.at[b],
                                  gsem[b]).wait()

        lin_start(0, 0)
        lin_wait(0)
        gather_start(0)
        lin_start(1, 1)

        def pair(tp, carry):
            for b in (0, 1):
                t = tp * 2 + b
                gather_wait(b)

                @pl.when(t + 1 < _NCH)
                def _():
                    lin_wait(1 - b)
                    gather_start(1 - b)

                pltpu.sync_copy(rows_v.at[b], acc_a.at[dst_v.at[b]],
                                add=True)
                if with_ev:
                    pltpu.sync_copy(ev_v.at[b], acc_a.at[dst_v.at[b]],
                                    add=True)

                @pl.when(t + 2 < _NCH)
                def _():
                    lin_start(t + 2, b)
            return carry

        lax.fori_loop(0, _NCH // 2, pair, 0)
        plsc.subcore_barrier()

        for j in range(_TROWS // _ZROWS):
            r0 = zb + j * _ZROWS
            pltpu.sync_copy(acc_a.at[pl.ds(r0, _ZROWS)], zbuf)
            pltpu.sync_copy(zbuf, out_a.at[cid, pl.ds(r0, _ZROWS)])

    return functools.partial(
        pl.kernel, body, out_type=outs, mesh=mesh, scratch_types=scratch,
        compiler_params=pltpu.CompilerParams(use_tc_tiling_on_sc=False, needs_layout_passes=False))()


import numpy as np

_NR = _NP // 16
_BR = 1600
_LANE8 = np.arange(128) % 8

_SA2 = list(range(-2, 7))
_ST2 = list(range(-2, 4))
_SA4 = list(range(0, 6))
_ST4 = list(range(-2, 3))
_SG4 = [-1, 0, 1, 3]
_SP4 = [-1, 0, 1]


def _mask(o):
    return jnp.asarray((_LANE8 == o).astype(np.float32))


def _build_pat(spec, shifts):
    rows = []
    for s in shifts:
        terms = [w * _mask(o) for (ss, o, w) in spec if ss == s]
        rows.append(sum(terms) if terms
                    else jnp.zeros((128,), jnp.float32))
    return jnp.stack(rows)


def _rollsum(x, coefs, shifts):
    acc = None
    for i, s in enumerate(shifts):
        r = x if s == 0 else pltpu.roll(x, (-s) % 128, axis=1)
        t = coefs[i:i + 1, :] * r
        acc = t if acc is None else acc + t
    return acc


def _s2_body(pa, t1, ca, cbc, ct, cbd, bdc, out):
    a = pa[0] + pa[1]
    lin_a = _rollsum(a, ca[...], _SA2)
    bc = _rollsum(a, cbc[...], _SA2)
    lin_t = _rollsum(t1[...], ct[...], _ST2)
    bd = _rollsum(t1[...], cbd[...], _ST2) + bdc[...]
    out[...] = (lin_a + bc * lin_t) / bd


def _s4_body(pa, pt, t1r, t2r, ca4, cbc4, cbu, cbv, cbd4, ct4, bdc4,
             ccont, cgu, cgv, cgw, cp, out):
    a = pa[0] + pa[1]
    p2 = pt[0] + pt[1]
    t1 = t1r[...]
    t2 = t2r[...]
    lin_a = _rollsum(a, ca4[...], _SA4)
    bc = _rollsum(a, cbc4[...], _SA4)
    bu = _rollsum(t1, cbu[...], _ST4)
    bv = _rollsum(t1, cbv[...], _ST4)
    bd = _rollsum(t1, cbd4[...], _ST4) + bdc4[...]
    lin_t = _rollsum(t1, ct4[...], _ST4)
    cont = _rollsum(t2, ccont[...], _SG4)
    gu = _rollsum(t2, cgu[...], _SG4)
    gv = _rollsum(t2, cgv[...], _SG4)
    gw = _rollsum(t2, cgw[...], _SG4)
    lp = _rollsum(p2, cp[...], _SP4)
    out[...] = (cont + bu * gu + bv * gv
                + (lin_a + lp + bc * (lin_t + gw)) / bd)


def kernel(fields, edge_attr, W_msg, b_msg, degrees, edge_index):
    src = edge_index[0]
    dst = edge_index[1]
    deg = degrees
    W = W_msg
    b = b_msg

    tab1 = jnp.zeros((_NP, 8), jnp.float32).at[:_N, :4].set(
        jnp.concatenate([fields, deg[:, None]], axis=1))
    zeros_h = jnp.zeros((_ZROWS, 8), jnp.float32)
    m4 = jnp.asarray((np.arange(8) == 4).astype(np.float32))
    m5 = jnp.asarray((np.arange(8) == 5).astype(np.float32))
    m6 = jnp.asarray((np.arange(8) == 6).astype(np.float32))
    ev = (edge_attr[:, 0:1] * m4[None, :] + edge_attr[:, 1:2] * m5[None, :]
          + m6[None, :])

    (pa,) = _make_edge_pass(True)(tab1, src, dst, ev, zeros_h)

    oj = [(0, 0, 0), (1, 0, 1), (2, 1, 0), (3, 1, 1)]
    ca_spec = []
    cbc_spec = []
    ct_spec = []
    cbd_spec = []
    for o, acol, j in oj:
        ca_spec += [(acol - o, o, W[0, j]), (3 - o, o, W[1, j]),
                    (4 - o, o, W[4, j]), (5 - o, o, W[5, j]),
                    (6 - o, o, b[j])]
        cbc_spec += [(6 - o, o, 1.0)]
        ct_spec += [(acol - o, o, W[2, j]), (3 - o, o, W[3, j])]
        cbd_spec += [(3 - o, o, 1.0)]
    bdc = (1.0 - sum(_mask(o) for o in range(4)))[None, :]

    pav = pa.reshape(2, _NR, 128)
    t1v = tab1.reshape(_NR, 128)
    grid = _NR // _BR
    coef_spec = lambda n: pl.BlockSpec((n, 128), lambda i: (0, 0))
    tab2v = pl.pallas_call(
        _s2_body,
        grid=(grid,),
        in_specs=[pl.BlockSpec((2, _BR, 128), lambda i: (0, i, 0)),
                  pl.BlockSpec((_BR, 128), lambda i: (i, 0)),
                  coef_spec(len(_SA2)), coef_spec(len(_SA2)),
                  coef_spec(len(_ST2)), coef_spec(len(_ST2)),
                  coef_spec(1)],
        out_specs=pl.BlockSpec((_BR, 128), lambda i: (i, 0)),
        out_shape=jax.ShapeDtypeStruct((_NR, 128), jnp.float32),
    )(pav, t1v,
      _build_pat(ca_spec, _SA2), _build_pat(cbc_spec, _SA2),
      _build_pat(ct_spec, _ST2), _build_pat(cbd_spec, _ST2), bdc)
    tab2 = tab2v.reshape(_NP, 8)

    (pt,) = _make_edge_pass(False)(tab2, src, dst, zeros_h)

    nu = _NU
    qsum = {3: (W[1, 0] + W[1, 1]), 4: (W[4, 0] + W[4, 1]),
            5: (W[5, 0] + W[5, 1]), 6: (b[0] + b[1])}
    qone = {3: (W[1, 0], W[1, 1]), 4: (W[4, 0], W[4, 1]),
            5: (W[5, 0], W[5, 1]), 6: (b[0], b[1])}
    ca4_spec = [(1, 1, W[0, 0]), (0, 2, W[0, 1])]
    for col in (3, 4, 5, 6):
        ca4_spec += [(col - 1, 1, qone[col][0] - nu * qsum[col]),
                     (col - 2, 2, qone[col][1] - nu * qsum[col])]
    cbc4_spec = [(5, 1, 1.0), (4, 2, 1.0)]
    dsum = W[3, 0] + W[3, 1]
    ct4_spec = [(1, 1, W[2, 0]), (0, 2, W[2, 1]),
                (2, 1, W[3, 0] - nu * dsum), (1, 2, W[3, 1] - nu * dsum)]
    cbu_spec = [(-1, 1, 1.0), (-2, 2, 1.0)]
    cbv_spec = [(0, 1, 1.0), (-1, 2, 1.0)]
    cbd4_spec = [(2, 1, 1.0), (1, 2, 1.0)]
    bdc4 = (1.0 - _mask(1) - _mask(2))[None, :]
    ccont_spec = [(0, 0, 1.0), (3, 0, 1.0)]
    cgu_spec = [(-1, 1, 1.0), (0, 2, 1.0)]
    cgv_spec = [(0, 1, 1.0), (1, 2, 1.0)]
    cgw_spec = [(-1, 1, -nu * W[2, 0]), (0, 1, -nu * W[2, 1]),
                (0, 2, -nu * W[2, 0]), (1, 2, -nu * W[2, 1])]
    cp_spec = [(-1, 1, -nu * W[0, 0]), (0, 1, -nu * W[0, 1]),
               (0, 2, -nu * W[0, 0]), (1, 2, -nu * W[0, 1])]

    ptv = pt.reshape(2, _NR, 128)
    outv = pl.pallas_call(
        _s4_body,
        grid=(grid,),
        in_specs=[pl.BlockSpec((2, _BR, 128), lambda i: (0, i, 0)),
                  pl.BlockSpec((2, _BR, 128), lambda i: (0, i, 0)),
                  pl.BlockSpec((_BR, 128), lambda i: (i, 0)),
                  pl.BlockSpec((_BR, 128), lambda i: (i, 0)),
                  coef_spec(len(_SA4)), coef_spec(len(_SA4)),
                  coef_spec(len(_ST4)), coef_spec(len(_ST4)),
                  coef_spec(len(_ST4)), coef_spec(len(_ST4)),
                  coef_spec(1),
                  coef_spec(len(_SG4)), coef_spec(len(_SG4)),
                  coef_spec(len(_SG4)), coef_spec(len(_SG4)),
                  coef_spec(len(_SP4))],
        out_specs=pl.BlockSpec((_BR, 128), lambda i: (i, 0)),
        out_shape=jax.ShapeDtypeStruct((_NR, 128), jnp.float32),
    )(pav, ptv, t1v, tab2v,
      _build_pat(ca4_spec, _SA4), _build_pat(cbc4_spec, _SA4),
      _build_pat(cbu_spec, _ST4), _build_pat(cbv_spec, _ST4),
      _build_pat(cbd4_spec, _ST4), _build_pat(ct4_spec, _ST4), bdc4,
      _build_pat(ccont_spec, _SG4), _build_pat(cgu_spec, _SG4),
      _build_pat(cgv_spec, _SG4), _build_pat(cgw_spec, _SG4),
      _build_pat(cp_spec, _SP4))
    return outv.reshape(_NP, 8)[:_N, :3]

# --- scband reference (transcript-rebuilt; emitter-appended) ---
"""Pipeline reference for scband-solver-47218870453037 (READ-ONLY COPY).

The authoritative reference and input builder live on the scoring server;
editing this copy changes nothing except your own understanding.
"""

import jax, jax.numpy as jnp
import numpy as np

N = 100000
E = 1600000
NU = 0.01


def setup_inputs(seed: int = 0) -> dict:
    key = jax.random.key(seed)
    k1, k2, k3, k4 = jax.random.split(key, 4)
    fields = jax.random.normal(k1, (N, 3), dtype=jnp.float32)
    edge_index = jax.random.randint(k2, (2, E), 0, N, dtype=jnp.int32)
    edge_attr = jax.random.normal(k3, (E, 2), dtype=jnp.float32) * 0.1
    deg = jnp.bincount(edge_index[1], length=N).astype(jnp.float32)
    degrees = jnp.maximum(deg, 1.0)
    W_msg = jax.random.normal(k4, (6, 2), dtype=jnp.float32) * 0.1
    b_msg = jnp.zeros((2,), dtype=jnp.float32)
    return {"fields": fields, "edge_attr": edge_attr, "W_msg": W_msg,
            "b_msg": b_msg, "degrees": degrees, "edge_index": edge_index}


def _model(scalar, degrees, edge_index, edge_attr, W, b):
    # GNN gradient estimator: message = linear([x_src, x_dst, edge_attr]) -> 2,
    # scatter-add at dst, mean-normalize by degree. Returns estimated (d/dx, d/dy).
    x2 = jnp.stack([scalar, degrees], axis=1)           # [N, 2]
    src = edge_index[0]
    dst = edge_index[1]
    feat = jnp.concatenate([x2[src], x2[dst], edge_attr], axis=1)  # [E, 6] (gather)
    msg = feat @ W + b                                   # [E, 2]
    agg = jax.ops.segment_sum(msg, dst, num_segments=N)  # [N, 2] (scatter-add)
    return agg / degrees[:, None]


def reference(fields, edge_attr, W_msg, b_msg, degrees, edge_index):
    u = fields[:, 0]
    v = fields[:, 1]
    p = fields[:, 2]
    grad_u = _model(u, degrees, edge_index, edge_attr, W_msg, b_msg)
    grad_v = _model(v, degrees, edge_index, edge_attr, W_msg, b_msg)
    grad_p = _model(p, degrees, edge_index, edge_attr, W_msg, b_msg)
    grad_ux = _model(grad_u[:, 0], degrees, edge_index, edge_attr, W_msg, b_msg)
    grad_uy = _model(grad_u[:, 1], degrees, edge_index, edge_attr, W_msg, b_msg)
    grad_vx = _model(grad_v[:, 0], degrees, edge_index, edge_attr, W_msg, b_msg)
    grad_vy = _model(grad_v[:, 1], degrees, edge_index, edge_attr, W_msg, b_msg)
    lap_u = grad_ux[:, 0] + grad_uy[:, 1]
    lap_v = grad_vx[:, 0] + grad_vy[:, 1]
    continuity = grad_u[:, 0] + grad_v[:, 1]
    momentum_x = u * grad_u[:, 0] + v * grad_u[:, 1] + grad_p[:, 0] - NU * lap_u
    momentum_y = u * grad_v[:, 0] + v * grad_v[:, 1] + grad_p[:, 1] - NU * lap_v
    return jnp.stack([continuity, momentum_x, momentum_y], axis=1)

if __name__ == "__main__":
    import jax
    _d = setup_inputs()
    print(jax.jit(kernel)(*tuple(_d.values())))

</pallas_src>

<mosaic_0001>
#map = affine_map<(d0, d1) -> (0, 0)>
#map1 = affine_map<(d0, d1) -> (0)>
#map2 = affine_map<(d0, d1) -> (0, 0, 0)>
module attributes {stable_mosaic.version = 14 : i64} {
  func.func @body(%arg0: i32, %arg1: i32, %arg2: memref<102400x8xf32, #tpu.memory_space<hbm>>, %arg3: memref<1600000xi32, #tpu.memory_space<hbm>>, %arg4: memref<1600000xi32, #tpu.memory_space<hbm>>, %arg5: memref<3200x8xf32, #tpu.memory_space<hbm>>, %arg6: memref<2x102400x8xf32, #tpu.memory_space<hbm>>, %arg7: memref<102400x8xf32, #tpu.memory_space<vmem_shared>>, %arg8: memref<3200x8xf32, #tpu.memory_space<vmem>>, %arg9: memref<2x1000xi32, #tpu.memory_space<vmem>>, %arg10: memref<2x1000xi32, #tpu.memory_space<vmem>>, %arg11: memref<2x1000x8xf32, #tpu.memory_space<vmem>>, %arg12: memref<!tpu.dma_semaphore, #tpu.memory_space<semaphore_mem>>, %arg13: memref<!tpu.dma_semaphore, #tpu.memory_space<semaphore_mem>>, %arg14: memref<!tpu.dma_semaphore, #tpu.memory_space<semaphore_mem>>, %arg15: memref<!tpu.dma_semaphore, #tpu.memory_space<semaphore_mem>>) attributes {dimension_semantics = [#tpu.dimension_semantics<core_parallel>, #tpu.dimension_semantics<subcore_parallel>], iteration_bounds = array<i64: 2, 16>, scalar_prefetch = 0 : i64, scratch_operands = 9 : i64, tpu.core_type = #tpu.core_type<sc_vector_subcore>, window_params = [{transform_indices = #map}, {transform_indices = #map1}, {transform_indices = #map1}, {transform_indices = #map}, {transform_indices = #map2}]} {
    %mul3A = arith.constant 2 : i32
    %mul3A_0 = arith.muli %arg1, %mul3A : i32
    %add3A = arith.addi %mul3A_0, %arg0 : i32
    "tpu.region"() ({
      %run_scoped3A = tpu.sem_alloc : memref<!tpu.dma_semaphore, #tpu.memory_space<semaphore_mem>>
      tpu.enqueue_dma source(%arg5 : memref<3200x8xf32, #tpu.memory_space<hbm>>) target(%arg8 : memref<3200x8xf32, #tpu.memory_space<vmem>>) target_semaphore(%run_scoped3A : memref<!tpu.dma_semaphore, #tpu.memory_space<semaphore_mem>>)
      tpu.wait_dma2 semaphore(%run_scoped3A : memref<!tpu.dma_semaphore, #tpu.memory_space<semaphore_mem>>) src(%arg5 : memref<3200x8xf32, #tpu.memory_space<hbm>>) dst(%arg8 : memref<3200x8xf32, #tpu.memory_space<vmem>>)
      tpu.yield
    }) : () -> ()
    %mul3A_1 = arith.constant 6400 : i32
    %mul3A_2 = arith.muli %arg1, %mul3A_1 : i32
    %add3A_3 = arith.constant 0 : i32
    %add3A_4 = arith.addi %mul3A_2, %add3A_3 : i32
    "tpu.region"() ({
      %run_scoped3A = tpu.sem_alloc : memref<!tpu.dma_semaphore, #tpu.memory_space<semaphore_mem>>
      %dma_start3A_92 = arith.constant 0 : i32
      %dma_start3A_93 = tpu.memref_slice %arg7[%add3A_4, %dma_start3A_92] : memref<102400x8xf32, #tpu.memory_space<vmem_shared>> -> memref<3200x8xf32, #tpu.memory_space<vmem_shared>>
      %dma_start3A_94 = arith.constant 0 : i32
      %dma_start3A_95 = tpu.memref_slice %arg7[%add3A_4, %dma_start3A_94] : memref<102400x8xf32, #tpu.memory_space<vmem_shared>> -> memref<3200x8xf32, #tpu.memory_space<vmem_shared>>
      tpu.enqueue_dma source(%arg8 : memref<3200x8xf32, #tpu.memory_space<vmem>>) target(%dma_start3A_95 : memref<3200x8xf32, #tpu.memory_space<vmem_shared>>) target_semaphore(%run_scoped3A : memref<!tpu.dma_semaphore, #tpu.memory_space<semaphore_mem>>)
      %dma_wait3A_96 = arith.constant 0 : i32
      %dma_wait3A_97 = tpu.memref_slice %arg7[%add3A_4, %dma_wait3A_96] : memref<102400x8xf32, #tpu.memory_space<vmem_shared>> -> memref<3200x8xf32, #tpu.memory_space<vmem_shared>>
      %dma_wait3A_98 = arith.constant 0 : i32
      %dma_wait3A_99 = tpu.memref_slice %arg7[%add3A_4, %dma_wait3A_98] : memref<102400x8xf32, #tpu.memory_space<vmem_shared>> -> memref<3200x8xf32, #tpu.memory_space<vmem_shared>>
      tpu.wait_dma2 semaphore(%run_scoped3A : memref<!tpu.dma_semaphore, #tpu.memory_space<semaphore_mem>>) src(%arg8 : memref<3200x8xf32, #tpu.memory_space<vmem>>) dst(%dma_wait3A_99 : memref<3200x8xf32, #tpu.memory_space<vmem_shared>>)
      tpu.yield
    }) : () -> ()
    %add3A_5 = arith.constant 3200 : i32
    %add3A_6 = arith.addi %mul3A_2, %add3A_5 : i32
    "tpu.region"() ({
      %run_scoped3A = tpu.sem_alloc : memref<!tpu.dma_semaphore, #tpu.memory_space<semaphore_mem>>
      %dma_start3A_92 = arith.constant 0 : i32
      %dma_start3A_93 = tpu.memref_slice %arg7[%add3A_6, %dma_start3A_92] : memref<102400x8xf32, #tpu.memory_space<vmem_shared>> -> memref<3200x8xf32, #tpu.memory_space<vmem_shared>>
      %dma_start3A_94 = arith.constant 0 : i32
      %dma_start3A_95 = tpu.memref_slice %arg7[%add3A_6, %dma_start3A_94] : memref<102400x8xf32, #tpu.memory_space<vmem_shared>> -> memref<3200x8xf32, #tpu.memory_space<vmem_shared>>
      tpu.enqueue_dma source(%arg8 : memref<3200x8xf32, #tpu.memory_space<vmem>>) target(%dma_start3A_95 : memref<3200x8xf32, #tpu.memory_space<vmem_shared>>) target_semaphore(%run_scoped3A : memref<!tpu.dma_semaphore, #tpu.memory_space<semaphore_mem>>)
      %dma_wait3A_96 = arith.constant 0 : i32
      %dma_wait3A_97 = tpu.memref_slice %arg7[%add3A_6, %dma_wait3A_96] : memref<102400x8xf32, #tpu.memory_space<vmem_shared>> -> memref<3200x8xf32, #tpu.memory_space<vmem_shared>>
      %dma_wait3A_98 = arith.constant 0 : i32
      %dma_wait3A_99 = tpu.memref_slice %arg7[%add3A_6, %dma_wait3A_98] : memref<102400x8xf32, #tpu.memory_space<vmem_shared>> -> memref<3200x8xf32, #tpu.memory_space<vmem_shared>>
      tpu.wait_dma2 semaphore(%run_scoped3A : memref<!tpu.dma_semaphore, #tpu.memory_space<semaphore_mem>>) src(%arg8 : memref<3200x8xf32, #tpu.memory_space<vmem>>) dst(%dma_wait3A_99 : memref<3200x8xf32, #tpu.memory_space<vmem_shared>>)
      tpu.yield
    }) : () -> ()
    %barrier3A = arith.constant 0 : index
    tpu.barrier barrier_id(%barrier3A)
    %mul3A_7 = arith.constant 50000 : i32
    %mul3A_8 = arith.muli %add3A, %mul3A_7 : i32
    %add3A_9 = arith.constant 0 : i32
    %add3A_10 = arith.addi %mul3A_8, %add3A_9 : i32
    %multiple_of3A = tpu.assume_multiple %add3A_10, 8 : i32
    %dma_start3A = arith.constant 0 : i32
    %dma_start3A_11 = arith.constant 0 : i32
    %dma_start3A_12 = tpu.memref_slice %arg9[%dma_start3A, %dma_start3A_11] : memref<2x1000xi32, #tpu.memory_space<vmem>> -> memref<1x1000xi32, #tpu.memory_space<vmem>>
    %dma_start3A_13 = tpu.memref_squeeze %dma_start3A_12 : memref<1x1000xi32, #tpu.memory_space<vmem>> -> memref<1000xi32, #tpu.memory_space<vmem>>
    %dma_start3A_14 = tpu.memref_slice %arg3[%multiple_of3A] : memref<1600000xi32, #tpu.memory_space<hbm>> -> memref<1000xi32, #tpu.memory_space<hbm>>
    %dma_start3A_15 = arith.constant 0 : i32
    %dma_start3A_16 = tpu.memref_slice %arg9[%dma_start3A, %dma_start3A_15] : memref<2x1000xi32, #tpu.memory_space<vmem>> -> memref<1x1000xi32, #tpu.memory_space<vmem>>
    %dma_start3A_17 = tpu.memref_squeeze %dma_start3A_16 : memref<1x1000xi32, #tpu.memory_space<vmem>> -> memref<1000xi32, #tpu.memory_space<vmem>>
    %dma_start3A_18 = tpu.memref_slice %arg3[%multiple_of3A] : memref<1600000xi32, #tpu.memory_space<hbm>> -> memref<1000xi32, #tpu.memory_space<hbm>>
    tpu.enqueue_dma source(%dma_start3A_18 : memref<1000xi32, #tpu.memory_space<hbm>>) target(%dma_start3A_17 : memref<1000xi32, #tpu.memory_space<vmem>>) target_semaphore(%arg12 : memref<!tpu.dma_semaphore, #tpu.memory_space<semaphore_mem>>)
    %dma_start3A_19 = arith.constant 0 : i32
    %dma_start3A_20 = arith.constant 0 : i32
    %dma_start3A_21 = tpu.memref_slice %arg10[%dma_start3A_19, %dma_start3A_20] : memref<2x1000xi32, #tpu.memory_space<vmem>> -> memref<1x1000xi32, #tpu.memory_space<vmem>>
    %dma_start3A_22 = tpu.memref_squeeze %dma_start3A_21 : memref<1x1000xi32, #tpu.memory_space<vmem>> -> memref<1000xi32, #tpu.memory_space<vmem>>
    %dma_start3A_23 = tpu.memref_slice %arg4[%multiple_of3A] : memref<1600000xi32, #tpu.memory_space<hbm>> -> memref<1000xi32, #tpu.memory_space<hbm>>
    %dma_start3A_24 = arith.constant 0 : i32
    %dma_start3A_25 = tpu.memref_slice %arg10[%dma_start3A_19, %dma_start3A_24] : memref<2x1000xi32, #tpu.memory_space<vmem>> -> memref<1x1000xi32, #tpu.memory_space<vmem>>
    %dma_start3A_26 = tpu.memref_squeeze %dma_start3A_25 : memref<1x1000xi32, #tpu.memory_space<vmem>> -> memref<1000xi32, #tpu.memory_space<vmem>>
    %dma_start3A_27 = tpu.memref_slice %arg4[%multiple_of3A] : memref<1600000xi32, #tpu.memory_space<hbm>> -> memref<1000xi32, #tpu.memory_space<hbm>>
    tpu.enqueue_dma source(%dma_start3A_27 : memref<1000xi32, #tpu.memory_space<hbm>>) target(%dma_start3A_26 : memref<1000xi32, #tpu.memory_space<vmem>>) target_semaphore(%arg12 : memref<!tpu.dma_semaphore, #tpu.memory_space<semaphore_mem>>)
    %dma_wait3A = arith.constant 0 : i32
    %dma_wait3A_28 = arith.constant 0 : i32
    %dma_wait3A_29 = tpu.memref_slice %arg9[%dma_wait3A, %dma_wait3A_28] : memref<2x1000xi32, #tpu.memory_space<vmem>> -> memref<1x1000xi32, #tpu.memory_space<vmem>>
    %dma_wait3A_30 = tpu.memref_squeeze %dma_wait3A_29 : memref<1x1000xi32, #tpu.memory_space<vmem>> -> memref<1000xi32, #tpu.memory_space<vmem>>
    %dma_wait3A_31 = arith.constant 0 : i32
    %dma_wait3A_32 = tpu.memref_slice %arg3[%dma_wait3A_31] : memref<1600000xi32, #tpu.memory_space<hbm>> -> memref<1000xi32, #tpu.memory_space<hbm>>
    %dma_wait3A_33 = arith.constant 0 : i32
    %dma_wait3A_34 = tpu.memref_slice %arg9[%dma_wait3A, %dma_wait3A_33] : memref<2x1000xi32, #tpu.memory_space<vmem>> -> memref<1x1000xi32, #tpu.memory_space<vmem>>
    %dma_wait3A_35 = tpu.memref_squeeze %dma_wait3A_34 : memref<1x1000xi32, #tpu.memory_space<vmem>> -> memref<1000xi32, #tpu.memory_space<vmem>>
    %dma_wait3A_36 = arith.constant 0 : i32
    %dma_wait3A_37 = tpu.memref_slice %arg3[%dma_wait3A_36] : memref<1600000xi32, #tpu.memory_space<hbm>> -> memref<1000xi32, #tpu.memory_space<hbm>>
    tpu.wait_dma2 semaphore(%arg12 : memref<!tpu.dma_semaphore, #tpu.memory_space<semaphore_mem>>) src(%dma_wait3A_37 : memref<1000xi32, #tpu.memory_space<hbm>>) dst(%dma_wait3A_35 : memref<1000xi32, #tpu.memory_space<vmem>>)
    %dma_wait3A_38 = arith.constant 0 : i32
    %dma_wait3A_39 = arith.constant 0 : i32
    %dma_wait3A_40 = tpu.memref_slice %arg10[%dma_wait3A_38, %dma_wait3A_39] : memref<2x1000xi32, #tpu.memory_space<vmem>> -> memref<1x1000xi32, #tpu.memory_space<vmem>>
    %dma_wait3A_41 = tpu.memref_squeeze %dma_wait3A_40 : memref<1x1000xi32, #tpu.memory_space<vmem>> -> memref<1000xi32, #tpu.memory_space<vmem>>
    %dma_wait3A_42 = arith.constant 0 : i32
    %dma_wait3A_43 = tpu.memref_slice %arg4[%dma_wait3A_42] : memref<1600000xi32, #tpu.memory_space<hbm>> -> memref<1000xi32, #tpu.memory_space<hbm>>
    %dma_wait3A_44 = arith.constant 0 : i32
    %dma_wait3A_45 = tpu.memref_slice %arg10[%dma_wait3A_38, %dma_wait3A_44] : memref<2x1000xi32, #tpu.memory_space<vmem>> -> memref<1x1000xi32, #tpu.memory_space<vmem>>
    %dma_wait3A_46 = tpu.memref_squeeze %dma_wait3A_45 : memref<1x1000xi32, #tpu.memory_space<vmem>> -> memref<1000xi32, #tpu.memory_space<vmem>>
    %dma_wait3A_47 = arith.constant 0 : i32
    %dma_wait3A_48 = tpu.memref_slice %arg4[%dma_wait3A_47] : memref<1600000xi32, #tpu.memory_space<hbm>> -> memref<1000xi32, #tpu.memory_space<hbm>>
    tpu.wait_dma2 semaphore(%arg12 : memref<!tpu.dma_semaphore, #tpu.memory_space<semaphore_mem>>) src(%dma_wait3A_48 : memref<1000xi32, #tpu.memory_space<hbm>>) dst(%dma_wait3A_46 : memref<1000xi32, #tpu.memory_space<vmem>>)
    %dma_start3A_49 = arith.constant 0 : i32
    %dma_start3A_50 = arith.constant 0 : i32
    %dma_start3A_51 = arith.constant 0 : i32
    %dma_start3A_52 = arith.constant 0 : i32
    %dma_start3A_53 = tpu.memref_slice %arg11[%dma_start3A_50, %dma_start3A_51, %dma_start3A_52] : memref<2x1000x8xf32, #tpu.memory_space<vmem>> -> memref<1x1000x8xf32, #tpu.memory_space<vmem>>
    %dma_start3A_54 = tpu.memref_squeeze %dma_start3A_53 : memref<1x1000x8xf32, #tpu.memory_space<vmem>> -> memref<1000x8xf32, #tpu.memory_space<vmem>>
    %dma_start3A_55 = arith.constant 0 : i32
    %dma_start3A_56 = tpu.memref_slice %arg9[%dma_start3A_49, %dma_start3A_55] : memref<2x1000xi32, #tpu.memory_space<vmem>> -> memref<1x1000xi32, #tpu.memory_space<vmem>>
    %dma_start3A_57 = tpu.memref_squeeze %dma_start3A_56 : memref<1x1000xi32, #tpu.memory_space<vmem>> -> memref<1000xi32, #tpu.memory_space<vmem>>
    %dma_start3A_58 = arith.constant 0 : i32
    %dma_start3A_59 = arith.constant 0 : i32
    %dma_start3A_60 = tpu.memref_slice %arg2[%dma_start3A_58, %dma_start3A_59] : memref<102400x8xf32, #tpu.memory_space<hbm>> -> memref<102400x8xf32, #tpu.memory_space<hbm>>
    tpu.enqueue_indirect_dma source(%dma_start3A_60 : memref<102400x8xf32, #tpu.memory_space<hbm>>) target(%dma_start3A_54 : memref<1000x8xf32, #tpu.memory_space<vmem>>) offsets(%dma_start3A_57 : memref<1000xi32, #tpu.memory_space<vmem>>) semaphore(%arg14 : memref<!tpu.dma_semaphore, #tpu.memory_space<semaphore_mem>>)
    %add3A_61 = arith.constant 1000 : i32
    %add3A_62 = arith.addi %mul3A_8, %add3A_61 : i32
    %multiple_of3A_63 = tpu.assume_multiple %add3A_62, 8 : i32
    %dma_start3A_64 = arith.constant 1 : i32
    %dma_start3A_65 = arith.constant 0 : i32
    %dma_start3A_66 = tpu.memref_slice %arg9[%dma_start3A_64, %dma_start3A_65] : memref<2x1000xi32, #tpu.memory_space<vmem>> -> memref<1x1000xi32, #tpu.memory_space<vmem>>
    %dma_start3A_67 = tpu.memref_squeeze %dma_start3A_66 : memref<1x1000xi32, #tpu.memory_space<vmem>> -> memref<1000xi32, #tpu.memory_space<vmem>>
    %dma_start3A_68 = tpu.memref_slice %arg3[%multiple_of3A_63] : memref<1600000xi32, #tpu.memory_space<hbm>> -> memref<1000xi32, #tpu.memory_space<hbm>>
    %dma_start3A_69 = arith.constant 0 : i32
    %dma_start3A_70 = tpu.memref_slice %arg9[%dma_start3A_64, %dma_start3A_69] : memref<2x1000xi32, #tpu.memory_space<vmem>> -> memref<1x1000xi32, #tpu.memory_space<vmem>>
    %dma_start3A_71 = tpu.memref_squeeze %dma_start3A_70 : memref<1x1000xi32, #tpu.memory_space<vmem>> -> memref<1000xi32, #tpu.memory_space<vmem>>
    %dma_start3A_72 = tpu.memref_slice %arg3[%multiple_of3A_63] : memref<1600000xi32, #tpu.memory_space<hbm>> -> memref<1000xi32, #tpu.memory_space<hbm>>
    tpu.enqueue_dma source(%dma_start3A_72 : memref<1000xi32, #tpu.memory_space<hbm>>) target(%dma_start3A_71 : memref<1000xi32, #tpu.memory_space<vmem>>) target_semaphore(%arg13 : memref<!tpu.dma_semaphore, #tpu.memory_space<semaphore_mem>>)
    %dma_start3A_73 = arith.constant 1 : i32
    %dma_start3A_74 = arith.constant 0 : i32
    %dma_start3A_75 = tpu.memref_slice %arg10[%dma_start3A_73, %dma_start3A_74] : memref<2x1000xi32, #tpu.memory_space<vmem>> -> memref<1x1000xi32, #tpu.memory_space<vmem>>
    %dma_start3A_76 = tpu.memref_squeeze %dma_start3A_75 : memref<1x1000xi32, #tpu.memory_space<vmem>> -> memref<1000xi32, #tpu.memory_space<vmem>>
    %dma_start3A_77 = tpu.memref_slice %arg4[%multiple_of3A_63] : memref<1600000xi32, #tpu.memory_space<hbm>> -> memref<1000xi32, #tpu.memory_space<hbm>>
    %dma_start3A_78 = arith.constant 0 : i32
    %dma_start3A_79 = tpu.memref_slice %arg10[%dma_start3A_73, %dma_start3A_78] : memref<2x1000xi32, #tpu.memory_space<vmem>> -> memref<1x1000xi32, #tpu.memory_space<vmem>>
    %dma_start3A_80 = tpu.memref_squeeze %dma_start3A_79 : memref<1x1000xi32, #tpu.memory_space<vmem>> -> memref<1000xi32, #tpu.memory_space<vmem>>
    %dma_start3A_81 = tpu.memref_slice %arg4[%multiple_of3A_63] : memref<1600000xi32, #tpu.memory_space<hbm>> -> memref<1000xi32, #tpu.memory_space<hbm>>
    tpu.enqueue_dma source(%dma_start3A_81 : memref<1000xi32, #tpu.memory_space<hbm>>) target(%dma_start3A_80 : memref<1000xi32, #tpu.memory_space<vmem>>) target_semaphore(%arg13 : memref<!tpu.dma_semaphore, #tpu.memory_space<semaphore_mem>>)
    %scan3A = arith.constant 0 : i32
    %scan3A_82 = arith.constant 0 : i32
    %scan3A_83 = arith.constant 25 : i32
    %scan3A_84 = arith.addi %scan3A_82, %scan3A_83 : i32
    %scan3A_85 = arith.constant 1 : i32
    scf.for %scan3A_92 = %scan3A_82 to %scan3A_84 step %scan3A_85  : i32 {
      %mul3A_93 = arith.constant 2 : i32
      %mul3A_94 = arith.muli %scan3A_92, %mul3A_93 : i32
      %add3A_95 = arith.constant 0 : i32
      %add3A_96 = arith.addi %mul3A_94, %add3A_95 : i32
      %dma_wait3A_97 = arith.constant 0 : i32
      %dma_wait3A_98 = arith.constant 0 : i32
      %dma_wait3A_99 = arith.constant 0 : i32
      %dma_wait3A_100 = arith.constant 0 : i32
      %dma_wait3A_101 = tpu.memref_slice %arg11[%dma_wait3A_98, %dma_wait3A_99, %dma_wait3A_100] : memref<2x1000x8xf32, #tpu.memory_space<vmem>> -> memref<1x1000x8xf32, #tpu.memory_space<vmem>>
      %dma_wait3A_102 = tpu.memref_squeeze %dma_wait3A_101 : memref<1x1000x8xf32, #tpu.memory_space<vmem>> -> memref<1000x8xf32, #tpu.memory_space<vmem>>
      %dma_wait3A_103 = arith.constant 0 : i32
      %dma_wait3A_104 = tpu.memref_slice %arg9[%dma_wait3A_97, %dma_wait3A_103] : memref<2x1000xi32, #tpu.memory_space<vmem>> -> memref<1x1000xi32, #tpu.memory_space<vmem>>
      %dma_wait3A_105 = tpu.memref_squeeze %dma_wait3A_104 : memref<1x1000xi32, #tpu.memory_space<vmem>> -> memref<1000xi32, #tpu.memory_space<vmem>>
      %dma_wait3A_106 = arith.constant 0 : i32
      %dma_wait3A_107 = arith.constant 0 : i32
      %dma_wait3A_108 = tpu.memref_slice %arg2[%dma_wait3A_106, %dma_wait3A_107] : memref<102400x8xf32, #tpu.memory_space<hbm>> -> memref<102400x8xf32, #tpu.memory_space<hbm>>
      tpu.wait_indirect_dma semaphore(%arg14 : memref<!tpu.dma_semaphore, #tpu.memory_space<semaphore_mem>>) src(%dma_wait3A_108 : memref<102400x8xf32, #tpu.memory_space<hbm>>) dst(%dma_wait3A_102 : memref<1000x8xf32, #tpu.memory_space<vmem>>)
      %add3A_109 = arith.constant 1 : i32
      %add3A_110 = arith.addi %add3A_96, %add3A_109 : i32
      %lt3A = arith.constant 50 : i32
      %lt3A_111 = arith.cmpi slt, %add3A_110, %lt3A : i32
      %convert_element_type3A = arith.extui %lt3A_111 : i1 to i32
      %cond3A = arith.constant 0 : i32
      %cond3A_112 = arith.cmpi ne, %convert_element_type3A, %cond3A : i32
      scf.if %cond3A_112 {
        %dma_wait3A_153 = arith.constant 1 : i32
        %dma_wait3A_154 = arith.constant 0 : i32
        %dma_wait3A_155 = tpu.memref_slice %arg9[%dma_wait3A_153, %dma_wait3A_154] : memref<2x1000xi32, #tpu.memory_space<vmem>> -> memref<1x1000xi32, #tpu.memory_space<vmem>>
        %dma_wait3A_156 = tpu.memref_squeeze %dma_wait3A_155 : memref<1x1000xi32, #tpu.memory_space<vmem>> -> memref<1000xi32, #tpu.memory_space<vmem>>
        %dma_wait3A_157 = arith.constant 0 : i32
        %dma_wait3A_158 = tpu.memref_slice %arg3[%dma_wait3A_157] : memref<1600000xi32, #tpu.memory_space<hbm>> -> memref<1000xi32, #tpu.memory_space<hbm>>
        %dma_wait3A_159 = arith.constant 0 : i32
        %dma_wait3A_160 = tpu.memref_slice %arg9[%dma_wait3A_153, %dma_wait3A_159] : memref<2x1000xi32, #tpu.memory_space<vmem>> -> memref<1x1000xi32, #tpu.memory_space<vmem>>
        %dma_wait3A_161 = tpu.memref_squeeze %dma_wait3A_160 : memref<1x1000xi32, #tpu.memory_space<vmem>> -> memref<1000xi32, #tpu.memory_space<vmem>>
        %dma_wait3A_162 = arith.constant 0 : i32
        %dma_wait3A_163 = tpu.memref_slice %arg3[%dma_wait3A_162] : memref<1600000xi32, #tpu.memory_space<hbm>> -> memref<1000xi32, #tpu.memory_space<hbm>>
        tpu.wait_dma2 semaphore(%arg13 : memref<!tpu.dma_semaphore, #tpu.memory_space<semaphore_mem>>) src(%dma_wait3A_163 : memref<1000xi32, #tpu.memory_space<hbm>>) dst(%dma_wait3A_161 : memref<1000xi32, #tpu.memory_space<vmem>>)
        %dma_wait3A_164 = arith.constant 1 : i32
        %dma_wait3A_165 = arith.constant 0 : i32
        %dma_wait3A_166 = tpu.memref_slice %arg10[%dma_wait3A_164, %dma_wait3A_165] : memref<2x1000xi32, #tpu.memory_space<vmem>> -> memref<1x1000xi32, #tpu.memory_space<vmem>>
        %dma_wait3A_167 = tpu.memref_squeeze %dma_wait3A_166 : memref<1x1000xi32, #tpu.memory_space<vmem>> -> memref<1000xi32, #tpu.memory_space<vmem>>
        %dma_wait3A_168 = arith.constant 0 : i32
        %dma_wait3A_169 = tpu.memref_slice %arg4[%dma_wait3A_168] : memref<1600000xi32, #tpu.memory_space<hbm>> -> memref<1000xi32, #tpu.memory_space<hbm>>
        %dma_wait3A_170 = arith.constant 0 : i32
        %dma_wait3A_171 = tpu.memref_slice %arg10[%dma_wait3A_164, %dma_wait3A_170] : memref<2x1000xi32, #tpu.memory_space<vmem>> -> memref<1x1000xi32, #tpu.memory_space<vmem>>
        %dma_wait3A_172 = tpu.memref_squeeze %dma_wait3A_171 : memref<1x1000xi32, #tpu.memory_space<vmem>> -> memref<1000xi32, #tpu.memory_space<vmem>>
        %dma_wait3A_173 = arith.constant 0 : i32
        %dma_wait3A_174 = tpu.memref_slice %arg4[%dma_wait3A_173] : memref<1600000xi32, #tpu.memory_space<hbm>> -> memref<1000xi32, #tpu.memory_space<hbm>>
        tpu.wait_dma2 semaphore(%arg13 : memref<!tpu.dma_semaphore, #tpu.memory_space<semaphore_mem>>) src(%dma_wait3A_174 : memref<1000xi32, #tpu.memory_space<hbm>>) dst(%dma_wait3A_172 : memref<1000xi32, #tpu.memory_space<vmem>>)
        %dma_start3A_175 = arith.constant 1 : i32
        %dma_start3A_176 = arith.constant 1 : i32
        %dma_start3A_177 = arith.constant 0 : i32
        %dma_start3A_178 = arith.constant 0 : i32
        %dma_start3A_179 = tpu.memref_slice %arg11[%dma_start3A_176, %dma_start3A_177, %dma_start3A_178] : memref<2x1000x8xf32, #tpu.memory_space<vmem>> -> memref<1x1000x8xf32, #tpu.memory_space<vmem>>
        %dma_start3A_180 = tpu.memref_squeeze %dma_start3A_179 : memref<1x1000x8xf32, #tpu.memory_space<vmem>> -> memref<1000x8xf32, #tpu.memory_space<vmem>>
        %dma_start3A_181 = arith.constant 0 : i32
        %dma_start3A_182 = tpu.memref_slice %arg9[%dma_start3A_175, %dma_start3A_181] : memref<2x1000xi32, #tpu.memory_space<vmem>> -> memref<1x1000xi32, #tpu.memory_space<vmem>>
        %dma_start3A_183 = tpu.memref_squeeze %dma_start3A_182 : memref<1x1000xi32, #tpu.memory_space<vmem>> -> memref<1000xi32, #tpu.memory_space<vmem>>
        %dma_start3A_184 = arith.constant 0 : i32
        %dma_start3A_185 = arith.constant 0 : i32
        %dma_start3A_186 = tpu.memref_slice %arg2[%dma_start3A_184, %dma_start3A_185] : memref<102400x8xf32, #tpu.memory_space<hbm>> -> memref<102400x8xf32, #tpu.memory_space<hbm>>
        tpu.enqueue_indirect_dma source(%dma_start3A_186 : memref<102400x8xf32, #tpu.memory_space<hbm>>) target(%dma_start3A_180 : memref<1000x8xf32, #tpu.memory_space<vmem>>) offsets(%dma_start3A_183 : memref<1000xi32, #tpu.memory_space<vmem>>) semaphore(%arg15 : memref<!tpu.dma_semaphore, #tpu.memory_space<semaphore_mem>>)
      } else {
      }
      %run_scoped3A = arith.constant 0 : i32
      %run_scoped3A_113 = arith.constant 0 : i32
      "tpu.region"() ({
        %run_scoped3A_153 = tpu.sem_alloc : memref<!tpu.dma_semaphore, #tpu.memory_space<semaphore_mem>>
        %dma_start3A_154 = arith.constant 0 : i32
        %dma_start3A_155 = arith.constant 0 : i32
        %dma_start3A_156 = tpu.memref_slice %arg11[%run_scoped3A, %dma_start3A_154, %dma_start3A_155] : memref<2x1000x8xf32, #tpu.memory_space<vmem>> -> memref<1x1000x8xf32, #tpu.memory_space<vmem>>
        %dma_start3A_157 = tpu.memref_squeeze %dma_start3A_156 : memref<1x1000x8xf32, #tpu.memory_space<vmem>> -> memref<1000x8xf32, #tpu.memory_space<vmem>>
        %dma_start3A_158 = arith.constant 0 : i32
        %dma_start3A_159 = tpu.memref_slice %arg10[%run_scoped3A_113, %dma_start3A_158] : memref<2x1000xi32, #tpu.memory_space<vmem>> -> memref<1x1000xi32, #tpu.memory_space<vmem>>
        %dma_start3A_160 = tpu.memref_squeeze %dma_start3A_159 : memref<1x1000xi32, #tpu.memory_space<vmem>> -> memref<1000xi32, #tpu.memory_space<vmem>>
        %dma_start3A_161 = arith.constant 0 : i32
        %dma_start3A_162 = arith.constant 0 : i32
        %dma_start3A_163 = tpu.memref_slice %arg7[%dma_start3A_161, %dma_start3A_162] : memref<102400x8xf32, #tpu.memory_space<vmem_shared>> -> memref<102400x8xf32, #tpu.memory_space<vmem_shared>>
        tpu.enqueue_indirect_dma source(%dma_start3A_157 : memref<1000x8xf32, #tpu.memory_space<vmem>>) target(%dma_start3A_163 : memref<102400x8xf32, #tpu.memory_space<vmem_shared>>) offsets(%dma_start3A_160 : memref<1000xi32, #tpu.memory_space<vmem>>) semaphore(%run_scoped3A_153 : memref<!tpu.dma_semaphore, #tpu.memory_space<semaphore_mem>>) {add = true}
        %dma_wait3A_164 = arith.constant 0 : i32
        %dma_wait3A_165 = arith.constant 0 : i32
        %dma_wait3A_166 = tpu.memref_slice %arg11[%run_scoped3A, %dma_wait3A_164, %dma_wait3A_165] : memref<2x1000x8xf32, #tpu.memory_space<vmem>> -> memref<1x1000x8xf32, #tpu.memory_space<vmem>>
        %dma_wait3A_167 = tpu.memref_squeeze %dma_wait3A_166 : memref<1x1000x8xf32, #tpu.memory_space<vmem>> -> memref<1000x8xf32, #tpu.memory_space<vmem>>
        %dma_wait3A_168 = arith.constant 0 : i32
        %dma_wait3A_169 = tpu.memref_slice %arg10[%run_scoped3A_113, %dma_wait3A_168] : memref<2x1000xi32, #tpu.memory_space<vmem>> -> memref<1x1000xi32, #tpu.memory_space<vmem>>
        %dma_wait3A_170 = tpu.memref_squeeze %dma_wait3A_169 : memref<1x1000xi32, #tpu.memory_space<vmem>> -> memref<1000xi32, #tpu.memory_space<vmem>>
        %dma_wait3A_171 = arith.constant 0 : i32
        %dma_wait3A_172 = arith.constant 0 : i32
        %dma_wait3A_173 = tpu.memref_slice %arg7[%dma_wait3A_171, %dma_wait3A_172] : memref<102400x8xf32, #tpu.memory_space<vmem_shared>> -> memref<102400x8xf32, #tpu.memory_space<vmem_shared>>
        tpu.wait_indirect_dma semaphore(%run_scoped3A_153 : memref<!tpu.dma_semaphore, #tpu.memory_space<semaphore_mem>>) src(%dma_wait3A_167 : memref<1000x8xf32, #tpu.memory_space<vmem>>) dst(%dma_wait3A_173 : memref<102400x8xf32, #tpu.memory_space<vmem_shared>>)
        tpu.yield
      }) : () -> ()
      %add3A_114 = arith.constant 2 : i32
      %add3A_115 = arith.addi %add3A_96, %add3A_114 : i32
      %lt3A_116 = arith.constant 50 : i32
      %lt3A_117 = arith.cmpi slt, %add3A_115, %lt3A_116 : i32
      %convert_element_type3A_118 = arith.extui %lt3A_117 : i1 to i32
      %cond3A_119 = arith.constant 0 : i32
      %cond3A_120 = arith.cmpi ne, %convert_element_type3A_118, %cond3A_119 : i32
      scf.if %cond3A_120 {
        %add3A_153 = arith.constant 2 : i32
        %add3A_154 = arith.addi %add3A_96, %add3A_153 : i32
        %mul3A_155 = arith.constant 1000 : i32
        %mul3A_156 = arith.muli %add3A_154, %mul3A_155 : i32
        %add3A_157 = arith.addi %mul3A_8, %mul3A_156 : i32
        %multiple_of3A_158 = tpu.assume_multiple %add3A_157, 8 : i32
        %dma_start3A_159 = arith.constant 0 : i32
        %dma_start3A_160 = arith.constant 0 : i32
        %dma_start3A_161 = tpu.memref_slice %arg9[%dma_start3A_159, %dma_start3A_160] : memref<2x1000xi32, #tpu.memory_space<vmem>> -> memref<1x1000xi32, #tpu.memory_space<vmem>>
        %dma_start3A_162 = tpu.memref_squeeze %dma_start3A_161 : memref<1x1000xi32, #tpu.memory_space<vmem>> -> memref<1000xi32, #tpu.memory_space<vmem>>
        %dma_start3A_163 = tpu.memref_slice %arg3[%multiple_of3A_158] : memref<1600000xi32, #tpu.memory_space<hbm>> -> memref<1000xi32, #tpu.memory_space<hbm>>
        %dma_start3A_164 = arith.constant 0 : i32
        %dma_start3A_165 = tpu.memref_slice %arg9[%dma_start3A_159, %dma_start3A_164] : memref<2x1000xi32, #tpu.memory_space<vmem>> -> memref<1x1000xi32, #tpu.memory_space<vmem>>
        %dma_start3A_166 = tpu.memref_squeeze %dma_start3A_165 : memref<1x1000xi32, #tpu.memory_space<vmem>> -> memref<1000xi32, #tpu.memory_space<vmem>>
        %dma_start3A_167 = tpu.memref_slice %arg3[%multiple_of3A_158] : memref<1600000xi32, #tpu.memory_space<hbm>> -> memref<1000xi32, #tpu.memory_space<hbm>>
        tpu.enqueue_dma source(%dma_start3A_167 : memref<1000xi32, #tpu.memory_space<hbm>>) target(%dma_start3A_166 : memref<1000xi32, #tpu.memory_space<vmem>>) target_semaphore(%arg12 : memref<!tpu.dma_semaphore, #tpu.memory_space<semaphore_mem>>)
        %dma_start3A_168 = arith.constant 0 : i32
        %dma_start3A_169 = arith.constant 0 : i32
        %dma_start3A_170 = tpu.memref_slice %arg10[%dma_start3A_168, %dma_start3A_169] : memref<2x1000xi32, #tpu.memory_space<vmem>> -> memref<1x1000xi32, #tpu.memory_space<vmem>>
        %dma_start3A_171 = tpu.memref_squeeze %dma_start3A_170 : memref<1x1000xi32, #tpu.memory_space<vmem>> -> memref<1000xi32, #tpu.memory_space<vmem>>
        %dma_start3A_172 = tpu.memref_slice %arg4[%multiple_of3A_158] : memref<1600000xi32, #tpu.memory_space<hbm>> -> memref<1000xi32, #tpu.memory_space<hbm>>
        %dma_start3A_173 = arith.constant 0 : i32
        %dma_start3A_174 = tpu.memref_slice %arg10[%dma_start3A_168, %dma_start3A_173] : memref<2x1000xi32, #tpu.memory_space<vmem>> -> memref<1x1000xi32, #tpu.memory_space<vmem>>
        %dma_start3A_175 = tpu.memref_squeeze %dma_start3A_174 : memref<1x1000xi32, #tpu.memory_space<vmem>> -> memref<1000xi32, #tpu.memory_space<vmem>>
        %dma_start3A_176 = tpu.memref_slice %arg4[%multiple_of3A_158] : memref<1600000xi32, #tpu.memory_space<hbm>> -> memref<1000xi32, #tpu.memory_space<hbm>>
        tpu.enqueue_dma source(%dma_start3A_176 : memref<1000xi32, #tpu.memory_space<hbm>>) target(%dma_start3A_175 : memref<1000xi32, #tpu.memory_space<vmem>>) target_semaphore(%arg12 : memref<!tpu.dma_semaphore, #tpu.memory_space<semaphore_mem>>)
      } else {
      }
      %mul3A_121 = arith.constant 2 : i32
      %mul3A_122 = arith.muli %scan3A_92, %mul3A_121 : i32
      %add3A_123 = arith.constant 1 : i32
      %add3A_124 = arith.addi %mul3A_122, %add3A_123 : i32
      %dma_wait3A_125 = arith.constant 1 : i32
      %dma_wait3A_126 = arith.constant 1 : i32
      %dma_wait3A_127 = arith.constant 0 : i32
      %dma_wait3A_128 = arith.constant 0 : i32
      %dma_wait3A_129 = tpu.memref_slice %arg11[%dma_wait3A_126, %dma_wait3A_127, %dma_wait3A_128] : memref<2x1000x8xf32, #tpu.memory_space<vmem>> -> memref<1x1000x8xf32, #tpu.memory_space<vmem>>
      %dma_wait3A_130 = tpu.memref_squeeze %dma_wait3A_129 : memref<1x1000x8xf32, #tpu.memory_space<vmem>> -> memref<1000x8xf32, #tpu.memory_space<vmem>>
      %dma_wait3A_131 = arith.constant 0 : i32
      %dma_wait3A_132 = tpu.memref_slice %arg9[%dma_wait3A_125, %dma_wait3A_131] : memref<2x1000xi32, #tpu.memory_space<vmem>> -> memref<1x1000xi32, #tpu.memory_space<vmem>>
      %dma_wait3A_133 = tpu.memref_squeeze %dma_wait3A_132 : memref<1x1000xi32, #tpu.memory_space<vmem>> -> memref<1000xi32, #tpu.memory_space<vmem>>
      %dma_wait3A_134 = arith.constant 0 : i32
      %dma_wait3A_135 = arith.constant 0 : i32
      %dma_wait3A_136 = tpu.memref_slice %arg2[%dma_wait3A_134, %dma_wait3A_135] : memref<102400x8xf32, #tpu.memory_space<hbm>> -> memref<102400x8xf32, #tpu.memory_space<hbm>>
      tpu.wait_indirect_dma semaphore(%arg15 : memref<!tpu.dma_semaphore, #tpu.memory_space<semaphore_mem>>) src(%dma_wait3A_136 : memref<102400x8xf32, #tpu.memory_space<hbm>>) dst(%dma_wait3A_130 : memref<1000x8xf32, #tpu.memory_space<vmem>>)
      %add3A_137 = arith.constant 1 : i32
      %add3A_138 = arith.addi %add3A_124, %add3A_137 : i32
      %lt3A_139 = arith.constant 50 : i32
      %lt3A_140 = arith.cmpi slt, %add3A_138, %lt3A_139 : i32
      %convert_element_type3A_141 = arith.extui %lt3A_140 : i1 to i32
      %cond3A_142 = arith.constant 0 : i32
      %cond3A_143 = arith.cmpi ne, %convert_element_type3A_141, %cond3A_142 : i32
      scf.if %cond3A_143 {
        %dma_wait3A_153 = arith.constant 0 : i32
        %dma_wait3A_154 = arith.constant 0 : i32
        %dma_wait3A_155 = tpu.memref_slice %arg9[%dma_wait3A_153, %dma_wait3A_154] : memref<2x1000xi32, #tpu.memory_space<vmem>> -> memref<1x1000xi32, #tpu.memory_space<vmem>>
        %dma_wait3A_156 = tpu.memref_squeeze %dma_wait3A_155 : memref<1x1000xi32, #tpu.memory_space<vmem>> -> memref<1000xi32, #tpu.memory_space<vmem>>
        %dma_wait3A_157 = arith.constant 0 : i32
        %dma_wait3A_158 = tpu.memref_slice %arg3[%dma_wait3A_157] : memref<1600000xi32, #tpu.memory_space<hbm>> -> memref<1000xi32, #tpu.memory_space<hbm>>
        %dma_wait3A_159 = arith.constant 0 : i32
        %dma_wait3A_160 = tpu.memref_slice %arg9[%dma_wait3A_153, %dma_wait3A_159] : memref<2x1000xi32, #tpu.memory_space<vmem>> -> memref<1x1000xi32, #tpu.memory_space<vmem>>
        %dma_wait3A_161 = tpu.memref_squeeze %dma_wait3A_160 : memref<1x1000xi32, #tpu.memory_space<vmem>> -> memref<1000xi32, #tpu.memory_space<vmem>>
        %dma_wait3A_162 = arith.constant 0 : i32
        %dma_wait3A_163 = tpu.memref_slice %arg3[%dma_wait3A_162] : memref<1600000xi32, #tpu.memory_space<hbm>> -> memref<1000xi32, #tpu.memory_space<hbm>>
        tpu.wait_dma2 semaphore(%arg12 : memref<!tpu.dma_semaphore, #tpu.memory_space<semaphore_mem>>) src(%dma_wait3A_163 : memref<1000xi32, #tpu.memory_space<hbm>>) dst(%dma_wait3A_161 : memref<1000xi32, #tpu.memory_space<vmem>>)
        %dma_wait3A_164 = arith.constant 0 : i32
        %dma_wait3A_165 = arith.constant 0 : i32
        %dma_wait3A_166 = tpu.memref_slice %arg10[%dma_wait3A_164, %dma_wait3A_165] : memref<2x1000xi32, #tpu.memory_space<vmem>> -> memref<1x1000xi32, #tpu.memory_space<vmem>>
        %dma_wait3A_167 = tpu.memref_squeeze %dma_wait3A_166 : memref<1x1000xi32, #tpu.memory_space<vmem>> -> memref<1000xi32, #tpu.memory_space<vmem>>
        %dma_wait3A_168 = arith.constant 0 : i32
        %dma_wait3A_169 = tpu.memref_slice %arg4[%dma_wait3A_168] : memref<1600000xi32, #tpu.memory_space<hbm>> -> memref<1000xi32, #tpu.memory_space<hbm>>
        %dma_wait3A_170 = arith.constant 0 : i32
        %dma_wait3A_171 = tpu.memref_slice %arg10[%dma_wait3A_164, %dma_wait3A_170] : memref<2x1000xi32, #tpu.memory_space<vmem>> -> memref<1x1000xi32, #tpu.memory_space<vmem>>
        %dma_wait3A_172 = tpu.memref_squeeze %dma_wait3A_171 : memref<1x1000xi32, #tpu.memory_space<vmem>> -> memref<1000xi32, #tpu.memory_space<vmem>>
        %dma_wait3A_173 = arith.constant 0 : i32
        %dma_wait3A_174 = tpu.memref_slice %arg4[%dma_wait3A_173] : memref<1600000xi32, #tpu.memory_space<hbm>> -> memref<1000xi32, #tpu.memory_space<hbm>>
        tpu.wait_dma2 semaphore(%arg12 : memref<!tpu.dma_semaphore, #tpu.memory_space<semaphore_mem>>) src(%dma_wait3A_174 : memref<1000xi32, #tpu.memory_space<hbm>>) dst(%dma_wait3A_172 : memref<1000xi32, #tpu.memory_space<vmem>>)
        %dma_start3A_175 = arith.constant 0 : i32
        %dma_start3A_176 = arith.constant 0 : i32
        %dma_start3A_177 = arith.constant 0 : i32
        %dma_start3A_178 = arith.constant 0 : i32
        %dma_start3A_179 = tpu.memref_slice %arg11[%dma_start3A_176, %dma_start3A_177, %dma_start3A_178] : memref<2x1000x8xf32, #tpu.memory_space<vmem>> -> memref<1x1000x8xf32, #tpu.memory_space<vmem>>
        %dma_start3A_180 = tpu.memref_squeeze %dma_start3A_179 : memref<1x1000x8xf32, #tpu.memory_space<vmem>> -> memref<1000x8xf32, #tpu.memory_space<vmem>>
        %dma_start3A_181 = arith.constant 0 : i32
        %dma_start3A_182 = tpu.memref_slice %arg9[%dma_start3A_175, %dma_start3A_181] : memref<2x1000xi32, #tpu.memory_space<vmem>> -> memref<1x1000xi32, #tpu.memory_space<vmem>>
        %dma_start3A_183 = tpu.memref_squeeze %dma_start3A_182 : memref<1x1000xi32, #tpu.memory_space<vmem>> -> memref<1000xi32, #tpu.memory_space<vmem>>
        %dma_start3A_184 = arith.constant 0 : i32
        %dma_start3A_185 = arith.constant 0 : i32
        %dma_start3A_186 = tpu.memref_slice %arg2[%dma_start3A_184, %dma_start3A_185] : memref<102400x8xf32, #tpu.memory_space<hbm>> -> memref<102400x8xf32, #tpu.memory_space<hbm>>
        tpu.enqueue_indirect_dma source(%dma_start3A_186 : memref<102400x8xf32, #tpu.memory_space<hbm>>) target(%dma_start3A_180 : memref<1000x8xf32, #tpu.memory_space<vmem>>) offsets(%dma_start3A_183 : memref<1000xi32, #tpu.memory_space<vmem>>) semaphore(%arg14 : memref<!tpu.dma_semaphore, #tpu.memory_space<semaphore_mem>>)
      } else {
      }
      %run_scoped3A_144 = arith.constant 1 : i32
      %run_scoped3A_145 = arith.constant 1 : i32
      "tpu.region"() ({
        %run_scoped3A_153 = tpu.sem_alloc : memref<!tpu.dma_semaphore, #tpu.memory_space<semaphore_mem>>
        %dma_start3A_154 = arith.constant 0 : i32
        %dma_start3A_155 = arith.constant 0 : i32
        %dma_start3A_156 = tpu.memref_slice %arg11[%run_scoped3A_144, %dma_start3A_154, %dma_start3A_155] : memref<2x1000x8xf32, #tpu.memory_space<vmem>> -> memref<1x1000x8xf32, #tpu.memory_space<vmem>>
        %dma_start3A_157 = tpu.memref_squeeze %dma_start3A_156 : memref<1x1000x8xf32, #tpu.memory_space<vmem>> -> memref<1000x8xf32, #tpu.memory_space<vmem>>
        %dma_start3A_158 = arith.constant 0 : i32
        %dma_start3A_159 = tpu.memref_slice %arg10[%run_scoped3A_145, %dma_start3A_158] : memref<2x1000xi32, #tpu.memory_space<vmem>> -> memref<1x1000xi32, #tpu.memory_space<vmem>>
        %dma_start3A_160 = tpu.memref_squeeze %dma_start3A_159 : memref<1x1000xi32, #tpu.memory_space<vmem>> -> memref<1000xi32, #tpu.memory_space<vmem>>
        %dma_start3A_161 = arith.constant 0 : i32
        %dma_start3A_162 = arith.constant 0 : i32
        %dma_start3A_163 = tpu.memref_slice %arg7[%dma_start3A_161, %dma_start3A_162] : memref<102400x8xf32, #tpu.memory_space<vmem_shared>> -> memref<102400x8xf32, #tpu.memory_space<vmem_shared>>
        tpu.enqueue_indirect_dma source(%dma_start3A_157 : memref<1000x8xf32, #tpu.memory_space<vmem>>) target(%dma_start3A_163 : memref<102400x8xf32, #tpu.memory_space<vmem_shared>>) offsets(%dma_start3A_160 : memref<1000xi32, #tpu.memory_space<vmem>>) semaphore(%run_scoped3A_153 : memref<!tpu.dma_semaphore, #tpu.memory_space<semaphore_mem>>) {add = true}
        %dma_wait3A_164 = arith.constant 0 : i32
        %dma_wait3A_165 = arith.constant 0 : i32
        %dma_wait3A_166 = tpu.memref_slice %arg11[%run_scoped3A_144, %dma_wait3A_164, %dma_wait3A_165] : memref<2x1000x8xf32, #tpu.memory_space<vmem>> -> memref<1x1000x8xf32, #tpu.memory_space<vmem>>
        %dma_wait3A_167 = tpu.memref_squeeze %dma_wait3A_166 : memref<1x1000x8xf32, #tpu.memory_space<vmem>> -> memref<1000x8xf32, #tpu.memory_space<vmem>>
        %dma_wait3A_168 = arith.constant 0 : i32
        %dma_wait3A_169 = tpu.memref_slice %arg10[%run_scoped3A_145, %dma_wait3A_168] : memref<2x1000xi32, #tpu.memory_space<vmem>> -> memref<1x1000xi32, #tpu.memory_space<vmem>>
        %dma_wait3A_170 = tpu.memref_squeeze %dma_wait3A_169 : memref<1x1000xi32, #tpu.memory_space<vmem>> -> memref<1000xi32, #tpu.memory_space<vmem>>
        %dma_wait3A_171 = arith.constant 0 : i32
        %dma_wait3A_172 = arith.constant 0 : i32
        %dma_wait3A_173 = tpu.memref_slice %arg7[%dma_wait3A_171, %dma_wait3A_172] : memref<102400x8xf32, #tpu.memory_space<vmem_shared>> -> memref<102400x8xf32, #tpu.memory_space<vmem_shared>>
        tpu.wait_indirect_dma semaphore(%run_scoped3A_153 : memref<!tpu.dma_semaphore, #tpu.memory_space<semaphore_mem>>) src(%dma_wait3A_167 : memref<1000x8xf32, #tpu.memory_space<vmem>>) dst(%dma_wait3A_173 : memref<102400x8xf32, #tpu.memory_space<vmem_shared>>)
        tpu.yield
      }) : () -> ()
      %add3A_146 = arith.constant 2 : i32
      %add3A_147 = arith.addi %add3A_124, %add3A_146 : i32
      %lt3A_148 = arith.constant 50 : i32
      %lt3A_149 = arith.cmpi slt, %add3A_147, %lt3A_148 : i32
      %convert_element_type3A_150 = arith.extui %lt3A_149 : i1 to i32
      %cond3A_151 = arith.constant 0 : i32
      %cond3A_152 = arith.cmpi ne, %convert_element_type3A_150, %cond3A_151 : i32
      scf.if %cond3A_152 {
        %add3A_153 = arith.constant 2 : i32
        %add3A_154 = arith.addi %add3A_124, %add3A_153 : i32
        %mul3A_155 = arith.constant 1000 : i32
        %mul3A_156 = arith.muli %add3A_154, %mul3A_155 : i32
        %add3A_157 = arith.addi %mul3A_8, %mul3A_156 : i32
        %multiple_of3A_158 = tpu.assume_multiple %add3A_157, 8 : i32
        %dma_start3A_159 = arith.constant 1 : i32
        %dma_start3A_160 = arith.constant 0 : i32
        %dma_start3A_161 = tpu.memref_slice %arg9[%dma_start3A_159, %dma_start3A_160] : memref<2x1000xi32, #tpu.memory_space<vmem>> -> memref<1x1000xi32, #tpu.memory_space<vmem>>
        %dma_start3A_162 = tpu.memref_squeeze %dma_start3A_161 : memref<1x1000xi32, #tpu.memory_space<vmem>> -> memref<1000xi32, #tpu.memory_space<vmem>>
        %dma_start3A_163 = tpu.memref_slice %arg3[%multiple_of3A_158] : memref<1600000xi32, #tpu.memory_space<hbm>> -> memref<1000xi32, #tpu.memory_space<hbm>>
        %dma_start3A_164 = arith.constant 0 : i32
        %dma_start3A_165 = tpu.memref_slice %arg9[%dma_start3A_159, %dma_start3A_164] : memref<2x1000xi32, #tpu.memory_space<vmem>> -> memref<1x1000xi32, #tpu.memory_space<vmem>>
        %dma_start3A_166 = tpu.memref_squeeze %dma_start3A_165 : memref<1x1000xi32, #tpu.memory_space<vmem>> -> memref<1000xi32, #tpu.memory_space<vmem>>
        %dma_start3A_167 = tpu.memref_slice %arg3[%multiple_of3A_158] : memref<1600000xi32, #tpu.memory_space<hbm>> -> memref<1000xi32, #tpu.memory_space<hbm>>
        tpu.enqueue_dma source(%dma_start3A_167 : memref<1000xi32, #tpu.memory_space<hbm>>) target(%dma_start3A_166 : memref<1000xi32, #tpu.memory_space<vmem>>) target_semaphore(%arg13 : memref<!tpu.dma_semaphore, #tpu.memory_space<semaphore_mem>>)
        %dma_start3A_168 = arith.constant 1 : i32
        %dma_start3A_169 = arith.constant 0 : i32
        %dma_start3A_170 = tpu.memref_slice %arg10[%dma_start3A_168, %dma_start3A_169] : memref<2x1000xi32, #tpu.memory_space<vmem>> -> memref<1x1000xi32, #tpu.memory_space<vmem>>
        %dma_start3A_171 = tpu.memref_squeeze %dma_start3A_170 : memref<1x1000xi32, #tpu.memory_space<vmem>> -> memref<1000xi32, #tpu.memory_space<vmem>>
        %dma_start3A_172 = tpu.memref_slice %arg4[%multiple_of3A_158] : memref<1600000xi32, #tpu.memory_space<hbm>> -> memref<1000xi32, #tpu.memory_space<hbm>>
        %dma_start3A_173 = arith.constant 0 : i32
        %dma_start3A_174 = tpu.memref_slice %arg10[%dma_start3A_168, %dma_start3A_173] : memref<2x1000xi32, #tpu.memory_space<vmem>> -> memref<1x1000xi32, #tpu.memory_space<vmem>>
        %dma_start3A_175 = tpu.memref_squeeze %dma_start3A_174 : memref<1x1000xi32, #tpu.memory_space<vmem>> -> memref<1000xi32, #tpu.memory_space<vmem>>
        %dma_start3A_176 = tpu.memref_slice %arg4[%multiple_of3A_158] : memref<1600000xi32, #tpu.memory_space<hbm>> -> memref<1000xi32, #tpu.memory_space<hbm>>
        tpu.enqueue_dma source(%dma_start3A_176 : memref<1000xi32, #tpu.memory_space<hbm>>) target(%dma_start3A_175 : memref<1000xi32, #tpu.memory_space<vmem>>) target_semaphore(%arg13 : memref<!tpu.dma_semaphore, #tpu.memory_space<semaphore_mem>>)
      } else {
      }
    }
    %scan3A_86 = arith.constant 25 : i32
    %barrier3A_87 = arith.constant 0 : index
    tpu.barrier barrier_id(%barrier3A_87)
    %add3A_88 = arith.constant 0 : i32
    %add3A_89 = arith.addi %mul3A_2, %add3A_88 : i32
    "tpu.region"() ({
      %run_scoped3A = tpu.sem_alloc : memref<!tpu.dma_semaphore, #tpu.memory_space<semaphore_mem>>
      %dma_start3A_92 = arith.constant 0 : i32
      %dma_start3A_93 = tpu.memref_slice %arg7[%add3A_89, %dma_start3A_92] : memref<102400x8xf32, #tpu.memory_space<vmem_shared>> -> memref<3200x8xf32, #tpu.memory_space<vmem_shared>>
      %dma_start3A_94 = arith.constant 0 : i32
      %dma_start3A_95 = tpu.memref_slice %arg7[%add3A_89, %dma_start3A_94] : memref<102400x8xf32, #tpu.memory_space<vmem_shared>> -> memref<3200x8xf32, #tpu.memory_space<vmem_shared>>
      tpu.enqueue_dma source(%dma_start3A_95 : memref<3200x8xf32, #tpu.memory_space<vmem_shared>>) target(%arg8 : memref<3200x8xf32, #tpu.memory_space<vmem>>) target_semaphore(%run_scoped3A : memref<!tpu.dma_semaphore, #tpu.memory_space<semaphore_mem>>)
      %dma_wait3A_96 = arith.constant 0 : i32
      %dma_wait3A_97 = tpu.memref_slice %arg7[%add3A_89, %dma_wait3A_96] : memref<102400x8xf32, #tpu.memory_space<vmem_shared>> -> memref<3200x8xf32, #tpu.memory_space<vmem_shared>>
      %dma_wait3A_98 = arith.constant 0 : i32
      %dma_wait3A_99 = tpu.memref_slice %arg7[%add3A_89, %dma_wait3A_98] : memref<102400x8xf32, #tpu.memory_space<vmem_shared>> -> memref<3200x8xf32, #tpu.memory_space<vmem_shared>>
      tpu.wait_dma2 semaphore(%run_scoped3A : memref<!tpu.dma_semaphore, #tpu.memory_space<semaphore_mem>>) src(%dma_wait3A_99 : memref<3200x8xf32, #tpu.memory_space<vmem_shared>>) dst(%arg8 : memref<3200x8xf32, #tpu.memory_space<vmem>>)
      tpu.yield
    }) : () -> ()
    "tpu.region"() ({
      %run_scoped3A = tpu.sem_alloc : memref<!tpu.dma_semaphore, #tpu.memory_space<semaphore_mem>>
      %dma_start3A_92 = arith.constant 0 : i32
      %dma_start3A_93 = tpu.memref_slice %arg6[%arg0, %add3A_89, %dma_start3A_92] : memref<2x102400x8xf32, #tpu.memory_space<hbm>> -> memref<1x3200x8xf32, #tpu.memory_space<hbm>>
      %dma_start3A_94 = tpu.memref_squeeze %dma_start3A_93 : memref<1x3200x8xf32, #tpu.memory_space<hbm>> -> memref<3200x8xf32, #tpu.memory_space<hbm>>
      %dma_start3A_95 = arith.constant 0 : i32
      %dma_start3A_96 = tpu.memref_slice %arg6[%arg0, %add3A_89, %dma_start3A_95] : memref<2x102400x8xf32, #tpu.memory_space<hbm>> -> memref<1x3200x8xf32, #tpu.memory_space<hbm>>
      %dma_start3A_97 = tpu.memref_squeeze %dma_start3A_96 : memref<1x3200x8xf32, #tpu.memory_space<hbm>> -> memref<3200x8xf32, #tpu.memory_space<hbm>>
      tpu.enqueue_dma source(%arg8 : memref<3200x8xf32, #tpu.memory_space<vmem>>) target(%dma_start3A_97 : memref<3200x8xf32, #tpu.memory_space<hbm>>) target_semaphore(%run_scoped3A : memref<!tpu.dma_semaphore, #tpu.memory_space<semaphore_mem>>)
      %dma_wait3A_98 = arith.constant 0 : i32
      %dma_wait3A_99 = tpu.memref_slice %arg6[%arg0, %add3A_89, %dma_wait3A_98] : memref<2x102400x8xf32, #tpu.memory_space<hbm>> -> memref<1x3200x8xf32, #tpu.memory_space<hbm>>
      %dma_wait3A_100 = tpu.memref_squeeze %dma_wait3A_99 : memref<1x3200x8xf32, #tpu.memory_space<hbm>> -> memref<3200x8xf32, #tpu.memory_space<hbm>>
      %dma_wait3A_101 = arith.constant 0 : i32
      %dma_wait3A_102 = tpu.memref_slice %arg6[%arg0, %add3A_89, %dma_wait3A_101] : memref<2x102400x8xf32, #tpu.memory_space<hbm>> -> memref<1x3200x8xf32, #tpu.memory_space<hbm>>
      %dma_wait3A_103 = tpu.memref_squeeze %dma_wait3A_102 : memref<1x3200x8xf32, #tpu.memory_space<hbm>> -> memref<3200x8xf32, #tpu.memory_space<hbm>>
      tpu.wait_dma2 semaphore(%run_scoped3A : memref<!tpu.dma_semaphore, #tpu.memory_space<semaphore_mem>>) src(%arg8 : memref<3200x8xf32, #tpu.memory_space<vmem>>) dst(%dma_wait3A_103 : memref<3200x8xf32, #tpu.memory_space<hbm>>)
      tpu.yield
    }) : () -> ()
    %add3A_90 = arith.constant 3200 : i32
    %add3A_91 = arith.addi %mul3A_2, %add3A_90 : i32
    "tpu.region"() ({
      %run_scoped3A = tpu.sem_alloc : memref<!tpu.dma_semaphore, #tpu.memory_space<semaphore_mem>>
      %dma_start3A_92 = arith.constant 0 : i32
      %dma_start3A_93 = tpu.memref_slice %arg7[%add3A_91, %dma_start3A_92] : memref<102400x8xf32, #tpu.memory_space<vmem_shared>> -> memref<3200x8xf32, #tpu.memory_space<vmem_shared>>
      %dma_start3A_94 = arith.constant 0 : i32
      %dma_start3A_95 = tpu.memref_slice %arg7[%add3A_91, %dma_start3A_94] : memref<102400x8xf32, #tpu.memory_space<vmem_shared>> -> memref<3200x8xf32, #tpu.memory_space<vmem_shared>>
      tpu.enqueue_dma source(%dma_start3A_95 : memref<3200x8xf32, #tpu.memory_space<vmem_shared>>) target(%arg8 : memref<3200x8xf32, #tpu.memory_space<vmem>>) target_semaphore(%run_scoped3A : memref<!tpu.dma_semaphore, #tpu.memory_space<semaphore_mem>>)
      %dma_wait3A_96 = arith.constant 0 : i32
      %dma_wait3A_97 = tpu.memref_slice %arg7[%add3A_91, %dma_wait3A_96] : memref<102400x8xf32, #tpu.memory_space<vmem_shared>> -> memref<3200x8xf32, #tpu.memory_space<vmem_shared>>
      %dma_wait3A_98 = arith.constant 0 : i32
      %dma_wait3A_99 = tpu.memref_slice %arg7[%add3A_91, %dma_wait3A_98] : memref<102400x8xf32, #tpu.memory_space<vmem_shared>> -> memref<3200x8xf32, #tpu.memory_space<vmem_shared>>
      tpu.wait_dma2 semaphore(%run_scoped3A : memref<!tpu.dma_semaphore, #tpu.memory_space<semaphore_mem>>) src(%dma_wait3A_99 : memref<3200x8xf32, #tpu.memory_space<vmem_shared>>) dst(%arg8 : memref<3200x8xf32, #tpu.memory_space<vmem>>)
      tpu.yield
    }) : () -> ()
    "tpu.region"() ({
      %run_scoped3A = tpu.sem_alloc : memref<!tpu.dma_semaphore, #tpu.memory_space<semaphore_mem>>
      %dma_start3A_92 = arith.constant 0 : i32
      %dma_start3A_93 = tpu.memref_slice %arg6[%arg0, %add3A_91, %dma_start3A_92] : memref<2x102400x8xf32, #tpu.memory_space<hbm>> -> memref<1x3200x8xf32, #tpu.memory_space<hbm>>
      %dma_start3A_94 = tpu.memref_squeeze %dma_start3A_93 : memref<1x3200x8xf32, #tpu.memory_space<hbm>> -> memref<3200x8xf32, #tpu.memory_space<hbm>>
      %dma_start3A_95 = arith.constant 0 : i32
      %dma_start3A_96 = tpu.memref_slice %arg6[%arg0, %add3A_91, %dma_start3A_95] : memref<2x102400x8xf32, #tpu.memory_space<hbm>> -> memref<1x3200x8xf32, #tpu.memory_space<hbm>>
      %dma_start3A_97 = tpu.memref_squeeze %dma_start3A_96 : memref<1x3200x8xf32, #tpu.memory_space<hbm>> -> memref<3200x8xf32, #tpu.memory_space<hbm>>
      tpu.enqueue_dma source(%arg8 : memref<3200x8xf32, #tpu.memory_space<vmem>>) target(%dma_start3A_97 : memref<3200x8xf32, #tpu.memory_space<hbm>>) target_semaphore(%run_scoped3A : memref<!tpu.dma_semaphore, #tpu.memory_space<semaphore_mem>>)
      %dma_wait3A_98 = arith.constant 0 : i32
      %dma_wait3A_99 = tpu.memref_slice %arg6[%arg0, %add3A_91, %dma_wait3A_98] : memref<2x102400x8xf32, #tpu.memory_space<hbm>> -> memref<1x3200x8xf32, #tpu.memory_space<hbm>>
      %dma_wait3A_100 = tpu.memref_squeeze %dma_wait3A_99 : memref<1x3200x8xf32, #tpu.memory_space<hbm>> -> memref<3200x8xf32, #tpu.memory_space<hbm>>
      %dma_wait3A_101 = arith.constant 0 : i32
      %dma_wait3A_102 = tpu.memref_slice %arg6[%arg0, %add3A_91, %dma_wait3A_101] : memref<2x102400x8xf32, #tpu.memory_space<hbm>> -> memref<1x3200x8xf32, #tpu.memory_space<hbm>>
      %dma_wait3A_103 = tpu.memref_squeeze %dma_wait3A_102 : memref<1x3200x8xf32, #tpu.memory_space<hbm>> -> memref<3200x8xf32, #tpu.memory_space<hbm>>
      tpu.wait_dma2 semaphore(%run_scoped3A : memref<!tpu.dma_semaphore, #tpu.memory_space<semaphore_mem>>) src(%arg8 : memref<3200x8xf32, #tpu.memory_space<vmem>>) dst(%dma_wait3A_103 : memref<3200x8xf32, #tpu.memory_space<hbm>>)
      tpu.yield
    }) : () -> ()
    return
  }
}

#map = affine_map<(d0, d1) -> (0, 0)>
#map1 = affine_map<(d0, d1) -> (0)>
#map2 = affine_map<(d0, d1) -> (0, 0, 0)>
module attributes {stable_mosaic.version = 14 : i64} {
  func.func @body(%arg0: i32, %arg1: i32, %arg2: memref<102400x8xf32, #tpu.memory_space<hbm>>, %arg3: memref<1600000xi32, #tpu.memory_space<hbm>>, %arg4: memref<1600000xi32, #tpu.memory_space<hbm>>, %arg5: memref<1600000x8xf32, #tpu.memory_space<hbm>>, %arg6: memref<3200x8xf32, #tpu.memory_space<hbm>>, %arg7: memref<2x102400x8xf32, #tpu.memory_space<hbm>>, %arg8: memref<102400x8xf32, #tpu.memory_space<vmem_shared>>, %arg9: memref<3200x8xf32, #tpu.memory_space<vmem>>, %arg10: memref<2x1000xi32, #tpu.memory_space<vmem>>, %arg11: memref<2x1000xi32, #tpu.memory_space<vmem>>, %arg12: memref<2x1000x8xf32, #tpu.memory_space<vmem>>, %arg13: memref<2x1000x8xf32, #tpu.memory_space<vmem>>, %arg14: memref<!tpu.dma_semaphore, #tpu.memory_space<semaphore_mem>>, %arg15: memref<!tpu.dma_semaphore, #tpu.memory_space<semaphore_mem>>, %arg16: memref<!tpu.dma_semaphore, #tpu.memory_space<semaphore_mem>>, %arg17: memref<!tpu.dma_semaphore, #tpu.memory_space<semaphore_mem>>) attributes {dimension_semantics = [#tpu.dimension_semantics<core_parallel>, #tpu.dimension_semantics<subcore_parallel>], iteration_bounds = array<i64: 2, 16>, scalar_prefetch = 0 : i64, scratch_operands = 10 : i64, tpu.core_type = #tpu.core_type<sc_vector_subcore>, window_params = [{transform_indices = #map}, {transform_indices = #map1}, {transform_indices = #map1}, {transform_indices = #map}, {transform_indices = #map}, {transform_indices = #map2}]} {
    %mul3A = arith.constant 2 : i32
    %mul3A_0 = arith.muli %arg1, %mul3A : i32
    %add3A = arith.addi %mul3A_0, %arg0 : i32
    "tpu.region"() ({
      %run_scoped3A = tpu.sem_alloc : memref<!tpu.dma_semaphore, #tpu.memory_space<semaphore_mem>>
      tpu.enqueue_dma source(%arg6 : memref<3200x8xf32, #tpu.memory_space<hbm>>) target(%arg9 : memref<3200x8xf32, #tpu.memory_space<vmem>>) target_semaphore(%run_scoped3A : memref<!tpu.dma_semaphore, #tpu.memory_space<semaphore_mem>>)
      tpu.wait_dma2 semaphore(%run_scoped3A : memref<!tpu.dma_semaphore, #tpu.memory_space<semaphore_mem>>) src(%arg6 : memref<3200x8xf32, #tpu.memory_space<hbm>>) dst(%arg9 : memref<3200x8xf32, #tpu.memory_space<vmem>>)
      tpu.yield
    }) : () -> ()
    %mul3A_1 = arith.constant 6400 : i32
    %mul3A_2 = arith.muli %arg1, %mul3A_1 : i32
    %add3A_3 = arith.constant 0 : i32
    %add3A_4 = arith.addi %mul3A_2, %add3A_3 : i32
    "tpu.region"() ({
      %run_scoped3A = tpu.sem_alloc : memref<!tpu.dma_semaphore, #tpu.memory_space<semaphore_mem>>
      %dma_start3A_133 = arith.constant 0 : i32
      %dma_start3A_134 = tpu.memref_slice %arg8[%add3A_4, %dma_start3A_133] : memref<102400x8xf32, #tpu.memory_space<vmem_shared>> -> memref<3200x8xf32, #tpu.memory_space<vmem_shared>>
      %dma_start3A_135 = arith.constant 0 : i32
      %dma_start3A_136 = tpu.memref_slice %arg8[%add3A_4, %dma_start3A_135] : memref<102400x8xf32, #tpu.memory_space<vmem_shared>> -> memref<3200x8xf32, #tpu.memory_space<vmem_shared>>
      tpu.enqueue_dma source(%arg9 : memref<3200x8xf32, #tpu.memory_space<vmem>>) target(%dma_start3A_136 : memref<3200x8xf32, #tpu.memory_space<vmem_shared>>) target_semaphore(%run_scoped3A : memref<!tpu.dma_semaphore, #tpu.memory_space<semaphore_mem>>)
      %dma_wait3A_137 = arith.constant 0 : i32
      %dma_wait3A_138 = tpu.memref_slice %arg8[%add3A_4, %dma_wait3A_137] : memref<102400x8xf32, #tpu.memory_space<vmem_shared>> -> memref<3200x8xf32, #tpu.memory_space<vmem_shared>>
      %dma_wait3A_139 = arith.constant 0 : i32
      %dma_wait3A_140 = tpu.memref_slice %arg8[%add3A_4, %dma_wait3A_139] : memref<102400x8xf32, #tpu.memory_space<vmem_shared>> -> memref<3200x8xf32, #tpu.memory_space<vmem_shared>>
      tpu.wait_dma2 semaphore(%run_scoped3A : memref<!tpu.dma_semaphore, #tpu.memory_space<semaphore_mem>>) src(%arg9 : memref<3200x8xf32, #tpu.memory_space<vmem>>) dst(%dma_wait3A_140 : memref<3200x8xf32, #tpu.memory_space<vmem_shared>>)
      tpu.yield
    }) : () -> ()
    %add3A_5 = arith.constant 3200 : i32
    %add3A_6 = arith.addi %mul3A_2, %add3A_5 : i32
    "tpu.region"() ({
      %run_scoped3A = tpu.sem_alloc : memref<!tpu.dma_semaphore, #tpu.memory_space<semaphore_mem>>
      %dma_start3A_133 = arith.constant 0 : i32
      %dma_start3A_134 = tpu.memref_slice %arg8[%add3A_6, %dma_start3A_133] : memref<102400x8xf32, #tpu.memory_space<vmem_shared>> -> memref<3200x8xf32, #tpu.memory_space<vmem_shared>>
      %dma_start3A_135 = arith.constant 0 : i32
      %dma_start3A_136 = tpu.memref_slice %arg8[%add3A_6, %dma_start3A_135] : memref<102400x8xf32, #tpu.memory_space<vmem_shared>> -> memref<3200x8xf32, #tpu.memory_space<vmem_shared>>
      tpu.enqueue_dma source(%arg9 : memref<3200x8xf32, #tpu.memory_space<vmem>>) target(%dma_start3A_136 : memref<3200x8xf32, #tpu.memory_space<vmem_shared>>) target_semaphore(%run_scoped3A : memref<!tpu.dma_semaphore, #tpu.memory_space<semaphore_mem>>)
      %dma_wait3A_137 = arith.constant 0 : i32
      %dma_wait3A_138 = tpu.memref_slice %arg8[%add3A_6, %dma_wait3A_137] : memref<102400x8xf32, #tpu.memory_space<vmem_shared>> -> memref<3200x8xf32, #tpu.memory_space<vmem_shared>>
      %dma_wait3A_139 = arith.constant 0 : i32
      %dma_wait3A_140 = tpu.memref_slice %arg8[%add3A_6, %dma_wait3A_139] : memref<102400x8xf32, #tpu.memory_space<vmem_shared>> -> memref<3200x8xf32, #tpu.memory_space<vmem_shared>>
      tpu.wait_dma2 semaphore(%run_scoped3A : memref<!tpu.dma_semaphore, #tpu.memory_space<semaphore_mem>>) src(%arg9 : memref<3200x8xf32, #tpu.memory_space<vmem>>) dst(%dma_wait3A_140 : memref<3200x8xf32, #tpu.memory_space<vmem_shared>>)
      tpu.yield
    }) : () -> ()
    %barrier3A = arith.constant 0 : index
    tpu.barrier barrier_id(%barrier3A)
    %mul3A_7 = arith.constant 50000 : i32
    %mul3A_8 = arith.muli %add3A, %mul3A_7 : i32
    %add3A_9 = arith.constant 0 : i32
    %add3A_10 = arith.addi %mul3A_8, %add3A_9 : i32
    %multiple_of3A = tpu.assume_multiple %add3A_10, 8 : i32
    %dma_start3A = arith.constant 0 : i32
    %dma_start3A_11 = arith.constant 0 : i32
    %dma_start3A_12 = tpu.memref_slice %arg10[%dma_start3A, %dma_start3A_11] : memref<2x1000xi32, #tpu.memory_space<vmem>> -> memref<1x1000xi32, #tpu.memory_space<vmem>>
    %dma_start3A_13 = tpu.memref_squeeze %dma_start3A_12 : memref<1x1000xi32, #tpu.memory_space<vmem>> -> memref<1000xi32, #tpu.memory_space<vmem>>
    %dma_start3A_14 = tpu.memref_slice %arg3[%multiple_of3A] : memref<1600000xi32, #tpu.memory_space<hbm>> -> memref<1000xi32, #tpu.memory_space<hbm>>
    %dma_start3A_15 = arith.constant 0 : i32
    %dma_start3A_16 = tpu.memref_slice %arg10[%dma_start3A, %dma_start3A_15] : memref<2x1000xi32, #tpu.memory_space<vmem>> -> memref<1x1000xi32, #tpu.memory_space<vmem>>
    %dma_start3A_17 = tpu.memref_squeeze %dma_start3A_16 : memref<1x1000xi32, #tpu.memory_space<vmem>> -> memref<1000xi32, #tpu.memory_space<vmem>>
    %dma_start3A_18 = tpu.memref_slice %arg3[%multiple_of3A] : memref<1600000xi32, #tpu.memory_space<hbm>> -> memref<1000xi32, #tpu.memory_space<hbm>>
    tpu.enqueue_dma source(%dma_start3A_18 : memref<1000xi32, #tpu.memory_space<hbm>>) target(%dma_start3A_17 : memref<1000xi32, #tpu.memory_space<vmem>>) target_semaphore(%arg14 : memref<!tpu.dma_semaphore, #tpu.memory_space<semaphore_mem>>)
    %dma_start3A_19 = arith.constant 0 : i32
    %dma_start3A_20 = arith.constant 0 : i32
    %dma_start3A_21 = tpu.memref_slice %arg11[%dma_start3A_19, %dma_start3A_20] : memref<2x1000xi32, #tpu.memory_space<vmem>> -> memref<1x1000xi32, #tpu.memory_space<vmem>>
    %dma_start3A_22 = tpu.memref_squeeze %dma_start3A_21 : memref<1x1000xi32, #tpu.memory_space<vmem>> -> memref<1000xi32, #tpu.memory_space<vmem>>
    %dma_start3A_23 = tpu.memref_slice %arg4[%multiple_of3A] : memref<1600000xi32, #tpu.memory_space<hbm>> -> memref<1000xi32, #tpu.memory_space<hbm>>
    %dma_start3A_24 = arith.constant 0 : i32
    %dma_start3A_25 = tpu.memref_slice %arg11[%dma_start3A_19, %dma_start3A_24] : memref<2x1000xi32, #tpu.memory_space<vmem>> -> memref<1x1000xi32, #tpu.memory_space<vmem>>
    %dma_start3A_26 = tpu.memref_squeeze %dma_start3A_25 : memref<1x1000xi32, #tpu.memory_space<vmem>> -> memref<1000xi32, #tpu.memory_space<vmem>>
    %dma_start3A_27 = tpu.memref_slice %arg4[%multiple_of3A] : memref<1600000xi32, #tpu.memory_space<hbm>> -> memref<1000xi32, #tpu.memory_space<hbm>>
    tpu.enqueue_dma source(%dma_start3A_27 : memref<1000xi32, #tpu.memory_space<hbm>>) target(%dma_start3A_26 : memref<1000xi32, #tpu.memory_space<vmem>>) target_semaphore(%arg14 : memref<!tpu.dma_semaphore, #tpu.memory_space<semaphore_mem>>)
    %dma_start3A_28 = arith.constant 0 : i32
    %dma_start3A_29 = arith.constant 0 : i32
    %dma_start3A_30 = arith.constant 0 : i32
    %dma_start3A_31 = tpu.memref_slice %arg13[%dma_start3A_28, %dma_start3A_29, %dma_start3A_30] : memref<2x1000x8xf32, #tpu.memory_space<vmem>> -> memref<1x1000x8xf32, #tpu.memory_space<vmem>>
    %dma_start3A_32 = tpu.memref_squeeze %dma_start3A_31 : memref<1x1000x8xf32, #tpu.memory_space<vmem>> -> memref<1000x8xf32, #tpu.memory_space<vmem>>
    %dma_start3A_33 = arith.constant 0 : i32
    %dma_start3A_34 = tpu.memref_slice %arg5[%multiple_of3A, %dma_start3A_33] : memref<1600000x8xf32, #tpu.memory_space<hbm>> -> memref<1000x8xf32, #tpu.memory_space<hbm>>
    %dma_start3A_35 = arith.constant 0 : i32
    %dma_start3A_36 = arith.constant 0 : i32
    %dma_start3A_37 = tpu.memref_slice %arg13[%dma_start3A_28, %dma_start3A_35, %dma_start3A_36] : memref<2x1000x8xf32, #tpu.memory_space<vmem>> -> memref<1x1000x8xf32, #tpu.memory_space<vmem>>
    %dma_start3A_38 = tpu.memref_squeeze %dma_start3A_37 : memref<1x1000x8xf32, #tpu.memory_space<vmem>> -> memref<1000x8xf32, #tpu.memory_space<vmem>>
    %dma_start3A_39 = arith.constant 0 : i32
    %dma_start3A_40 = tpu.memref_slice %arg5[%multiple_of3A, %dma_start3A_39] : memref<1600000x8xf32, #tpu.memory_space<hbm>> -> memref<1000x8xf32, #tpu.memory_space<hbm>>
    tpu.enqueue_dma source(%dma_start3A_40 : memref<1000x8xf32, #tpu.memory_space<hbm>>) target(%dma_start3A_38 : memref<1000x8xf32, #tpu.memory_space<vmem>>) target_semaphore(%arg14 : memref<!tpu.dma_semaphore, #tpu.memory_space<semaphore_mem>>)
    %dma_wait3A = arith.constant 0 : i32
    %dma_wait3A_41 = arith.constant 0 : i32
    %dma_wait3A_42 = tpu.memref_slice %arg10[%dma_wait3A, %dma_wait3A_41] : memref<2x1000xi32, #tpu.memory_space<vmem>> -> memref<1x1000xi32, #tpu.memory_space<vmem>>
    %dma_wait3A_43 = tpu.memref_squeeze %dma_wait3A_42 : memref<1x1000xi32, #tpu.memory_space<vmem>> -> memref<1000xi32, #tpu.memory_space<vmem>>
    %dma_wait3A_44 = arith.constant 0 : i32
    %dma_wait3A_45 = tpu.memref_slice %arg3[%dma_wait3A_44] : memref<1600000xi32, #tpu.memory_space<hbm>> -> memref<1000xi32, #tpu.memory_space<hbm>>
    %dma_wait3A_46 = arith.constant 0 : i32
    %dma_wait3A_47 = tpu.memref_slice %arg10[%dma_wait3A, %dma_wait3A_46] : memref<2x1000xi32, #tpu.memory_space<vmem>> -> memref<1x1000xi32, #tpu.memory_space<vmem>>
    %dma_wait3A_48 = tpu.memref_squeeze %dma_wait3A_47 : memref<1x1000xi32, #tpu.memory_space<vmem>> -> memref<1000xi32, #tpu.memory_space<vmem>>
    %dma_wait3A_49 = arith.constant 0 : i32
    %dma_wait3A_50 = tpu.memref_slice %arg3[%dma_wait3A_49] : memref<1600000xi32, #tpu.memory_space<hbm>> -> memref<1000xi32, #tpu.memory_space<hbm>>
    tpu.wait_dma2 semaphore(%arg14 : memref<!tpu.dma_semaphore, #tpu.memory_space<semaphore_mem>>) src(%dma_wait3A_50 : memref<1000xi32, #tpu.memory_space<hbm>>) dst(%dma_wait3A_48 : memref<1000xi32, #tpu.memory_space<vmem>>)
    %dma_wait3A_51 = arith.constant 0 : i32
    %dma_wait3A_52 = arith.constant 0 : i32
    %dma_wait3A_53 = tpu.memref_slice %arg11[%dma_wait3A_51, %dma_wait3A_52] : memref<2x1000xi32, #tpu.memory_space<vmem>> -> memref<1x1000xi32, #tpu.memory_space<vmem>>
    %dma_wait3A_54 = tpu.memref_squeeze %dma_wait3A_53 : memref<1x1000xi32, #tpu.memory_space<vmem>> -> memref<1000xi32, #tpu.memory_space<vmem>>
    %dma_wait3A_55 = arith.constant 0 : i32
    %dma_wait3A_56 = tpu.memref_slice %arg4[%dma_wait3A_55] : memref<1600000xi32, #tpu.memory_space<hbm>> -> memref<1000xi32, #tpu.memory_space<hbm>>
    %dma_wait3A_57 = arith.constant 0 : i32
    %dma_wait3A_58 = tpu.memref_slice %arg11[%dma_wait3A_51, %dma_wait3A_57] : memref<2x1000xi32, #tpu.memory_space<vmem>> -> memref<1x1000xi32, #tpu.memory_space<vmem>>
    %dma_wait3A_59 = tpu.memref_squeeze %dma_wait3A_58 : memref<1x1000xi32, #tpu.memory_space<vmem>> -> memref<1000xi32, #tpu.memory_space<vmem>>
    %dma_wait3A_60 = arith.constant 0 : i32
    %dma_wait3A_61 = tpu.memref_slice %arg4[%dma_wait3A_60] : memref<1600000xi32, #tpu.memory_space<hbm>> -> memref<1000xi32, #tpu.memory_space<hbm>>
    tpu.wait_dma2 semaphore(%arg14 : memref<!tpu.dma_semaphore, #tpu.memory_space<semaphore_mem>>) src(%dma_wait3A_61 : memref<1000xi32, #tpu.memory_space<hbm>>) dst(%dma_wait3A_59 : memref<1000xi32, #tpu.memory_space<vmem>>)
    %dma_wait3A_62 = arith.constant 0 : i32
    %dma_wait3A_63 = arith.constant 0 : i32
    %dma_wait3A_64 = arith.constant 0 : i32
    %dma_wait3A_65 = tpu.memref_slice %arg13[%dma_wait3A_62, %dma_wait3A_63, %dma_wait3A_64] : memref<2x1000x8xf32, #tpu.memory_space<vmem>> -> memref<1x1000x8xf32, #tpu.memory_space<vmem>>
    %dma_wait3A_66 = tpu.memref_squeeze %dma_wait3A_65 : memref<1x1000x8xf32, #tpu.memory_space<vmem>> -> memref<1000x8xf32, #tpu.memory_space<vmem>>
    %dma_wait3A_67 = arith.constant 0 : i32
    %dma_wait3A_68 = arith.constant 0 : i32
    %dma_wait3A_69 = tpu.memref_slice %arg5[%dma_wait3A_67, %dma_wait3A_68] : memref<1600000x8xf32, #tpu.memory_space<hbm>> -> memref<1000x8xf32, #tpu.memory_space<hbm>>
    %dma_wait3A_70 = arith.constant 0 : i32
    %dma_wait3A_71 = arith.constant 0 : i32
    %dma_wait3A_72 = tpu.memref_slice %arg13[%dma_wait3A_62, %dma_wait3A_70, %dma_wait3A_71] : memref<2x1000x8xf32, #tpu.memory_space<vmem>> -> memref<1x1000x8xf32, #tpu.memory_space<vmem>>
    %dma_wait3A_73 = tpu.memref_squeeze %dma_wait3A_72 : memref<1x1000x8xf32, #tpu.memory_space<vmem>> -> memref<1000x8xf32, #tpu.memory_space<vmem>>
    %dma_wait3A_74 = arith.constant 0 : i32
    %dma_wait3A_75 = arith.constant 0 : i32
    %dma_wait3A_76 = tpu.memref_slice %arg5[%dma_wait3A_74, %dma_wait3A_75] : memref<1600000x8xf32, #tpu.memory_space<hbm>> -> memref<1000x8xf32, #tpu.memory_space<hbm>>
    tpu.wait_dma2 semaphore(%arg14 : memref<!tpu.dma_semaphore, #tpu.memory_space<semaphore_mem>>) src(%dma_wait3A_76 : memref<1000x8xf32, #tpu.memory_space<hbm>>) dst(%dma_wait3A_73 : memref<1000x8xf32, #tpu.memory_space<vmem>>)
    %dma_start3A_77 = arith.constant 0 : i32
    %dma_start3A_78 = arith.constant 0 : i32
    %dma_start3A_79 = arith.constant 0 : i32
    %dma_start3A_80 = arith.constant 0 : i32
    %dma_start3A_81 = tpu.memref_slice %arg12[%dma_start3A_78, %dma_start3A_79, %dma_start3A_80] : memref<2x1000x8xf32, #tpu.memory_space<vmem>> -> memref<1x1000x8xf32, #tpu.memory_space<vmem>>
    %dma_start3A_82 = tpu.memref_squeeze %dma_start3A_81 : memref<1x1000x8xf32, #tpu.memory_space<vmem>> -> memref<1000x8xf32, #tpu.memory_space<vmem>>
    %dma_start3A_83 = arith.constant 0 : i32
    %dma_start3A_84 = tpu.memref_slice %arg10[%dma_start3A_77, %dma_start3A_83] : memref<2x1000xi32, #tpu.memory_space<vmem>> -> memref<1x1000xi32, #tpu.memory_space<vmem>>
    %dma_start3A_85 = tpu.memref_squeeze %dma_start3A_84 : memref<1x1000xi32, #tpu.memory_space<vmem>> -> memref<1000xi32, #tpu.memory_space<vmem>>
    %dma_start3A_86 = arith.constant 0 : i32
    %dma_start3A_87 = arith.constant 0 : i32
    %dma_start3A_88 = tpu.memref_slice %arg2[%dma_start3A_86, %dma_start3A_87] : memref<102400x8xf32, #tpu.memory_space<hbm>> -> memref<102400x8xf32, #tpu.memory_space<hbm>>
    tpu.enqueue_indirect_dma source(%dma_start3A_88 : memref<102400x8xf32, #tpu.memory_space<hbm>>) target(%dma_start3A_82 : memref<1000x8xf32, #tpu.memory_space<vmem>>) offsets(%dma_start3A_85 : memref<1000xi32, #tpu.memory_space<vmem>>) semaphore(%arg16 : memref<!tpu.dma_semaphore, #tpu.memory_space<semaphore_mem>>)
    %add3A_89 = arith.constant 1000 : i32
    %add3A_90 = arith.addi %mul3A_8, %add3A_89 : i32
    %multiple_of3A_91 = tpu.assume_multiple %add3A_90, 8 : i32
    %dma_start3A_92 = arith.constant 1 : i32
    %dma_start3A_93 = arith.constant 0 : i32
    %dma_start3A_94 = tpu.memref_slice %arg10[%dma_start3A_92, %dma_start3A_93] : memref<2x1000xi32, #tpu.memory_space<vmem>> -> memref<1x1000xi32, #tpu.memory_space<vmem>>
    %dma_start3A_95 = tpu.memref_squeeze %dma_start3A_94 : memref<1x1000xi32, #tpu.memory_space<vmem>> -> memref<1000xi32, #tpu.memory_space<vmem>>
    %dma_start3A_96 = tpu.memref_slice %arg3[%multiple_of3A_91] : memref<1600000xi32, #tpu.memory_space<hbm>> -> memref<1000xi32, #tpu.memory_space<hbm>>
    %dma_start3A_97 = arith.constant 0 : i32
    %dma_start3A_98 = tpu.memref_slice %arg10[%dma_start3A_92, %dma_start3A_97] : memref<2x1000xi32, #tpu.memory_space<vmem>> -> memref<1x1000xi32, #tpu.memory_space<vmem>>
    %dma_start3A_99 = tpu.memref_squeeze %dma_start3A_98 : memref<1x1000xi32, #tpu.memory_space<vmem>> -> memref<1000xi32, #tpu.memory_space<vmem>>
    %dma_start3A_100 = tpu.memref_slice %arg3[%multiple_of3A_91] : memref<1600000xi32, #tpu.memory_space<hbm>> -> memref<1000xi32, #tpu.memory_space<hbm>>
    tpu.enqueue_dma source(%dma_start3A_100 : memref<1000xi32, #tpu.memory_space<hbm>>) target(%dma_start3A_99 : memref<1000xi32, #tpu.memory_space<vmem>>) target_semaphore(%arg15 : memref<!tpu.dma_semaphore, #tpu.memory_space<semaphore_mem>>)
    %dma_start3A_101 = arith.constant 1 : i32
    %dma_start3A_102 = arith.constant 0 : i32
    %dma_start3A_103 = tpu.memref_slice %arg11[%dma_start3A_101, %dma_start3A_102] : memref<2x1000xi32, #tpu.memory_space<vmem>> -> memref<1x1000xi32, #tpu.memory_space<vmem>>
    %dma_start3A_104 = tpu.memref_squeeze %dma_start3A_103 : memref<1x1000xi32, #tpu.memory_space<vmem>> -> memref<1000xi32, #tpu.memory_space<vmem>>
    %dma_start3A_105 = tpu.memref_slice %arg4[%multiple_of3A_91] : memref<1600000xi32, #tpu.memory_space<hbm>> -> memref<1000xi32, #tpu.memory_space<hbm>>
    %dma_start3A_106 = arith.constant 0 : i32
    %dma_start3A_107 = tpu.memref_slice %arg11[%dma_start3A_101, %dma_start3A_106] : memref<2x1000xi32, #tpu.memory_space<vmem>> -> memref<1x1000xi32, #tpu.memory_space<vmem>>
    %dma_start3A_108 = tpu.memref_squeeze %dma_start3A_107 : memref<1x1000xi32, #tpu.memory_space<vmem>> -> memref<1000xi32, #tpu.memory_space<vmem>>
    %dma_start3A_109 = tpu.memref_slice %arg4[%multiple_of3A_91] : memref<1600000xi32, #tpu.memory_space<hbm>> -> memref<1000xi32, #tpu.memory_space<hbm>>
    tpu.enqueue_dma source(%dma_start3A_109 : memref<1000xi32, #tpu.memory_space<hbm>>) target(%dma_start3A_108 : memref<1000xi32, #tpu.memory_space<vmem>>) target_semaphore(%arg15 : memref<!tpu.dma_semaphore, #tpu.memory_space<semaphore_mem>>)
    %dma_start3A_110 = arith.constant 1 : i32
    %dma_start3A_111 = arith.constant 0 : i32
    %dma_start3A_112 = arith.constant 0 : i32
    %dma_start3A_113 = tpu.memref_slice %arg13[%dma_start3A_110, %dma_start3A_111, %dma_start3A_112] : memref<2x1000x8xf32, #tpu.memory_space<vmem>> -> memref<1x1000x8xf32, #tpu.memory_space<vmem>>
    %dma_start3A_114 = tpu.memref_squeeze %dma_start3A_113 : memref<1x1000x8xf32, #tpu.memory_space<vmem>> -> memref<1000x8xf32, #tpu.memory_space<vmem>>
    %dma_start3A_115 = arith.constant 0 : i32
    %dma_start3A_116 = tpu.memref_slice %arg5[%multiple_of3A_91, %dma_start3A_115] : memref<1600000x8xf32, #tpu.memory_space<hbm>> -> memref<1000x8xf32, #tpu.memory_space<hbm>>
    %dma_start3A_117 = arith.constant 0 : i32
    %dma_start3A_118 = arith.constant 0 : i32
    %dma_start3A_119 = tpu.memref_slice %arg13[%dma_start3A_110, %dma_start3A_117, %dma_start3A_118] : memref<2x1000x8xf32, #tpu.memory_space<vmem>> -> memref<1x1000x8xf32, #tpu.memory_space<vmem>>
    %dma_start3A_120 = tpu.memref_squeeze %dma_start3A_119 : memref<1x1000x8xf32, #tpu.memory_space<vmem>> -> memref<1000x8xf32, #tpu.memory_space<vmem>>
    %dma_start3A_121 = arith.constant 0 : i32
    %dma_start3A_122 = tpu.memref_slice %arg5[%multiple_of3A_91, %dma_start3A_121] : memref<1600000x8xf32, #tpu.memory_space<hbm>> -> memref<1000x8xf32, #tpu.memory_space<hbm>>
    tpu.enqueue_dma source(%dma_start3A_122 : memref<1000x8xf32, #tpu.memory_space<hbm>>) target(%dma_start3A_120 : memref<1000x8xf32, #tpu.memory_space<vmem>>) target_semaphore(%arg15 : memref<!tpu.dma_semaphore, #tpu.memory_space<semaphore_mem>>)
    %scan3A = arith.constant 0 : i32
    %scan3A_123 = arith.constant 0 : i32
    %scan3A_124 = arith.constant 25 : i32
    %scan3A_125 = arith.addi %scan3A_123, %scan3A_124 : i32
    %scan3A_126 = arith.constant 1 : i32
    scf.for %scan3A_133 = %scan3A_123 to %scan3A_125 step %scan3A_126  : i32 {
      %mul3A_134 = arith.constant 2 : i32
      %mul3A_135 = arith.muli %scan3A_133, %mul3A_134 : i32
      %add3A_136 = arith.constant 0 : i32
      %add3A_137 = arith.addi %mul3A_135, %add3A_136 : i32
      %dma_wait3A_138 = arith.constant 0 : i32
      %dma_wait3A_139 = arith.constant 0 : i32
      %dma_wait3A_140 = arith.constant 0 : i32
      %dma_wait3A_141 = arith.constant 0 : i32
      %dma_wait3A_142 = tpu.memref_slice %arg12[%dma_wait3A_139, %dma_wait3A_140, %dma_wait3A_141] : memref<2x1000x8xf32, #tpu.memory_space<vmem>> -> memref<1x1000x8xf32, #tpu.memory_space<vmem>>
      %dma_wait3A_143 = tpu.memref_squeeze %dma_wait3A_142 : memref<1x1000x8xf32, #tpu.memory_space<vmem>> -> memref<1000x8xf32, #tpu.memory_space<vmem>>
      %dma_wait3A_144 = arith.constant 0 : i32
      %dma_wait3A_145 = tpu.memref_slice %arg10[%dma_wait3A_138, %dma_wait3A_144] : memref<2x1000xi32, #tpu.memory_space<vmem>> -> memref<1x1000xi32, #tpu.memory_space<vmem>>
      %dma_wait3A_146 = tpu.memref_squeeze %dma_wait3A_145 : memref<1x1000xi32, #tpu.memory_space<vmem>> -> memref<1000xi32, #tpu.memory_space<vmem>>
      %dma_wait3A_147 = arith.constant 0 : i32
      %dma_wait3A_148 = arith.constant 0 : i32
      %dma_wait3A_149 = tpu.memref_slice %arg2[%dma_wait3A_147, %dma_wait3A_148] : memref<102400x8xf32, #tpu.memory_space<hbm>> -> memref<102400x8xf32, #tpu.memory_space<hbm>>
      tpu.wait_indirect_dma semaphore(%arg16 : memref<!tpu.dma_semaphore, #tpu.memory_space<semaphore_mem>>) src(%dma_wait3A_149 : memref<102400x8xf32, #tpu.memory_space<hbm>>) dst(%dma_wait3A_143 : memref<1000x8xf32, #tpu.memory_space<vmem>>)
      %add3A_150 = arith.constant 1 : i32
      %add3A_151 = arith.addi %add3A_137, %add3A_150 : i32
      %lt3A = arith.constant 50 : i32
      %lt3A_152 = arith.cmpi slt, %add3A_151, %lt3A : i32
      %convert_element_type3A = arith.extui %lt3A_152 : i1 to i32
      %cond3A = arith.constant 0 : i32
      %cond3A_153 = arith.cmpi ne, %convert_element_type3A, %cond3A : i32
      scf.if %cond3A_153 {
        %dma_wait3A_198 = arith.constant 1 : i32
        %dma_wait3A_199 = arith.constant 0 : i32
        %dma_wait3A_200 = tpu.memref_slice %arg10[%dma_wait3A_198, %dma_wait3A_199] : memref<2x1000xi32, #tpu.memory_space<vmem>> -> memref<1x1000xi32, #tpu.memory_space<vmem>>
        %dma_wait3A_201 = tpu.memref_squeeze %dma_wait3A_200 : memref<1x1000xi32, #tpu.memory_space<vmem>> -> memref<1000xi32, #tpu.memory_space<vmem>>
        %dma_wait3A_202 = arith.constant 0 : i32
        %dma_wait3A_203 = tpu.memref_slice %arg3[%dma_wait3A_202] : memref<1600000xi32, #tpu.memory_space<hbm>> -> memref<1000xi32, #tpu.memory_space<hbm>>
        %dma_wait3A_204 = arith.constant 0 : i32
        %dma_wait3A_205 = tpu.memref_slice %arg10[%dma_wait3A_198, %dma_wait3A_204] : memref<2x1000xi32, #tpu.memory_space<vmem>> -> memref<1x1000xi32, #tpu.memory_space<vmem>>
        %dma_wait3A_206 = tpu.memref_squeeze %dma_wait3A_205 : memref<1x1000xi32, #tpu.memory_space<vmem>> -> memref<1000xi32, #tpu.memory_space<vmem>>
        %dma_wait3A_207 = arith.constant 0 : i32
        %dma_wait3A_208 = tpu.memref_slice %arg3[%dma_wait3A_207] : memref<1600000xi32, #tpu.memory_space<hbm>> -> memref<1000xi32, #tpu.memory_space<hbm>>
        tpu.wait_dma2 semaphore(%arg15 : memref<!tpu.dma_semaphore, #tpu.memory_space<semaphore_mem>>) src(%dma_wait3A_208 : memref<1000xi32, #tpu.memory_space<hbm>>) dst(%dma_wait3A_206 : memref<1000xi32, #tpu.memory_space<vmem>>)
        %dma_wait3A_209 = arith.constant 1 : i32
        %dma_wait3A_210 = arith.constant 0 : i32
        %dma_wait3A_211 = tpu.memref_slice %arg11[%dma_wait3A_209, %dma_wait3A_210] : memref<2x1000xi32, #tpu.memory_space<vmem>> -> memref<1x1000xi32, #tpu.memory_space<vmem>>
        %dma_wait3A_212 = tpu.memref_squeeze %dma_wait3A_211 : memref<1x1000xi32, #tpu.memory_space<vmem>> -> memref<1000xi32, #tpu.memory_space<vmem>>
        %dma_wait3A_213 = arith.constant 0 : i32
        %dma_wait3A_214 = tpu.memref_slice %arg4[%dma_wait3A_213] : memref<1600000xi32, #tpu.memory_space<hbm>> -> memref<1000xi32, #tpu.memory_space<hbm>>
        %dma_wait3A_215 = arith.constant 0 : i32
        %dma_wait3A_216 = tpu.memref_slice %arg11[%dma_wait3A_209, %dma_wait3A_215] : memref<2x1000xi32, #tpu.memory_space<vmem>> -> memref<1x1000xi32, #tpu.memory_space<vmem>>
        %dma_wait3A_217 = tpu.memref_squeeze %dma_wait3A_216 : memref<1x1000xi32, #tpu.memory_space<vmem>> -> memref<1000xi32, #tpu.memory_space<vmem>>
        %dma_wait3A_218 = arith.constant 0 : i32
        %dma_wait3A_219 = tpu.memref_slice %arg4[%dma_wait3A_218] : memref<1600000xi32, #tpu.memory_space<hbm>> -> memref<1000xi32, #tpu.memory_space<hbm>>
        tpu.wait_dma2 semaphore(%arg15 : memref<!tpu.dma_semaphore, #tpu.memory_space<semaphore_mem>>) src(%dma_wait3A_219 : memref<1000xi32, #tpu.memory_space<hbm>>) dst(%dma_wait3A_217 : memref<1000xi32, #tpu.memory_space<vmem>>)
        %dma_wait3A_220 = arith.constant 1 : i32
        %dma_wait3A_221 = arith.constant 0 : i32
        %dma_wait3A_222 = arith.constant 0 : i32
        %dma_wait3A_223 = tpu.memref_slice %arg13[%dma_wait3A_220, %dma_wait3A_221, %dma_wait3A_222] : memref<2x1000x8xf32, #tpu.memory_space<vmem>> -> memref<1x1000x8xf32, #tpu.memory_space<vmem>>
        %dma_wait3A_224 = tpu.memref_squeeze %dma_wait3A_223 : memref<1x1000x8xf32, #tpu.memory_space<vmem>> -> memref<1000x8xf32, #tpu.memory_space<vmem>>
        %dma_wait3A_225 = arith.constant 0 : i32
        %dma_wait3A_226 = arith.constant 0 : i32
        %dma_wait3A_227 = tpu.memref_slice %arg5[%dma_wait3A_225, %dma_wait3A_226] : memref<1600000x8xf32, #tpu.memory_space<hbm>> -> memref<1000x8xf32, #tpu.memory_space<hbm>>
        %dma_wait3A_228 = arith.constant 0 : i32
        %dma_wait3A_229 = arith.constant 0 : i32
        %dma_wait3A_230 = tpu.memref_slice %arg13[%dma_wait3A_220, %dma_wait3A_228, %dma_wait3A_229] : memref<2x1000x8xf32, #tpu.memory_space<vmem>> -> memref<1x1000x8xf32, #tpu.memory_space<vmem>>
        %dma_wait3A_231 = tpu.memref_squeeze %dma_wait3A_230 : memref<1x1000x8xf32, #tpu.memory_space<vmem>> -> memref<1000x8xf32, #tpu.memory_space<vmem>>
        %dma_wait3A_232 = arith.constant 0 : i32
        %dma_wait3A_233 = arith.constant 0 : i32
        %dma_wait3A_234 = tpu.memref_slice %arg5[%dma_wait3A_232, %dma_wait3A_233] : memref<1600000x8xf32, #tpu.memory_space<hbm>> -> memref<1000x8xf32, #tpu.memory_space<hbm>>
        tpu.wait_dma2 semaphore(%arg15 : memref<!tpu.dma_semaphore, #tpu.memory_space<semaphore_mem>>) src(%dma_wait3A_234 : memref<1000x8xf32, #tpu.memory_space<hbm>>) dst(%dma_wait3A_231 : memref<1000x8xf32, #tpu.memory_space<vmem>>)
        %dma_start3A_235 = arith.constant 1 : i32
        %dma_start3A_236 = arith.constant 1 : i32
        %dma_start3A_237 = arith.constant 0 : i32
        %dma_start3A_238 = arith.constant 0 : i32
        %dma_start3A_239 = tpu.memref_slice %arg12[%dma_start3A_236, %dma_start3A_237, %dma_start3A_238] : memref<2x1000x8xf32, #tpu.memory_space<vmem>> -> memref<1x1000x8xf32, #tpu.memory_space<vmem>>
        %dma_start3A_240 = tpu.memref_squeeze %dma_start3A_239 : memref<1x1000x8xf32, #tpu.memory_space<vmem>> -> memref<1000x8xf32, #tpu.memory_space<vmem>>
        %dma_start3A_241 = arith.constant 0 : i32
        %dma_start3A_242 = tpu.memref_slice %arg10[%dma_start3A_235, %dma_start3A_241] : memref<2x1000xi32, #tpu.memory_space<vmem>> -> memref<1x1000xi32, #tpu.memory_space<vmem>>
        %dma_start3A_243 = tpu.memref_squeeze %dma_start3A_242 : memref<1x1000xi32, #tpu.memory_space<vmem>> -> memref<1000xi32, #tpu.memory_space<vmem>>
        %dma_start3A_244 = arith.constant 0 : i32
        %dma_start3A_245 = arith.constant 0 : i32
        %dma_start3A_246 = tpu.memref_slice %arg2[%dma_start3A_244, %dma_start3A_245] : memref<102400x8xf32, #tpu.memory_space<hbm>> -> memref<102400x8xf32, #tpu.memory_space<hbm>>
        tpu.enqueue_indirect_dma source(%dma_start3A_246 : memref<102400x8xf32, #tpu.memory_space<hbm>>) target(%dma_start3A_240 : memref<1000x8xf32, #tpu.memory_space<vmem>>) offsets(%dma_start3A_243 : memref<1000xi32, #tpu.memory_space<vmem>>) semaphore(%arg17 : memref<!tpu.dma_semaphore, #tpu.memory_space<semaphore_mem>>)
      } else {
      }
      %run_scoped3A = arith.constant 0 : i32
      %run_scoped3A_154 = arith.constant 0 : i32
      "tpu.region"() ({
        %run_scoped3A_198 = tpu.sem_alloc : memref<!tpu.dma_semaphore, #tpu.memory_space<semaphore_mem>>
        %dma_start3A_199 = arith.constant 0 : i32
        %dma_start3A_200 = arith.constant 0 : i32
        %dma_start3A_201 = tpu.memref_slice %arg12[%run_scoped3A, %dma_start3A_199, %dma_start3A_200] : memref<2x1000x8xf32, #tpu.memory_space<vmem>> -> memref<1x1000x8xf32, #tpu.memory_space<vmem>>
        %dma_start3A_202 = tpu.memref_squeeze %dma_start3A_201 : memref<1x1000x8xf32, #tpu.memory_space<vmem>> -> memref<1000x8xf32, #tpu.memory_space<vmem>>
        %dma_start3A_203 = arith.constant 0 : i32
        %dma_start3A_204 = tpu.memref_slice %arg11[%run_scoped3A_154, %dma_start3A_203] : memref<2x1000xi32, #tpu.memory_space<vmem>> -> memref<1x1000xi32, #tpu.memory_space<vmem>>
        %dma_start3A_205 = tpu.memref_squeeze %dma_start3A_204 : memref<1x1000xi32, #tpu.memory_space<vmem>> -> memref<1000xi32, #tpu.memory_space<vmem>>
        %dma_start3A_206 = arith.constant 0 : i32
        %dma_start3A_207 = arith.constant 0 : i32
        %dma_start3A_208 = tpu.memref_slice %arg8[%dma_start3A_206, %dma_start3A_207] : memref<102400x8xf32, #tpu.memory_space<vmem_shared>> -> memref<102400x8xf32, #tpu.memory_space<vmem_shared>>
        tpu.enqueue_indirect_dma source(%dma_start3A_202 : memref<1000x8xf32, #tpu.memory_space<vmem>>) target(%dma_start3A_208 : memref<102400x8xf32, #tpu.memory_space<vmem_shared>>) offsets(%dma_start3A_205 : memref<1000xi32, #tpu.memory_space<vmem>>) semaphore(%run_scoped3A_198 : memref<!tpu.dma_semaphore, #tpu.memory_space<semaphore_mem>>) {add = true}
        %dma_wait3A_209 = arith.constant 0 : i32
        %dma_wait3A_210 = arith.constant 0 : i32
        %dma_wait3A_211 = tpu.memref_slice %arg12[%run_scoped3A, %dma_wait3A_209, %dma_wait3A_210] : memref<2x1000x8xf32, #tpu.memory_space<vmem>> -> memref<1x1000x8xf32, #tpu.memory_space<vmem>>
        %dma_wait3A_212 = tpu.memref_squeeze %dma_wait3A_211 : memref<1x1000x8xf32, #tpu.memory_space<vmem>> -> memref<1000x8xf32, #tpu.memory_space<vmem>>
        %dma_wait3A_213 = arith.constant 0 : i32
        %dma_wait3A_214 = tpu.memref_slice %arg11[%run_scoped3A_154, %dma_wait3A_213] : memref<2x1000xi32, #tpu.memory_space<vmem>> -> memref<1x1000xi32, #tpu.memory_space<vmem>>
        %dma_wait3A_215 = tpu.memref_squeeze %dma_wait3A_214 : memref<1x1000xi32, #tpu.memory_space<vmem>> -> memref<1000xi32, #tpu.memory_space<vmem>>
        %dma_wait3A_216 = arith.constant 0 : i32
        %dma_wait3A_217 = arith.constant 0 : i32
        %dma_wait3A_218 = tpu.memref_slice %arg8[%dma_wait3A_216, %dma_wait3A_217] : memref<102400x8xf32, #tpu.memory_space<vmem_shared>> -> memref<102400x8xf32, #tpu.memory_space<vmem_shared>>
        tpu.wait_indirect_dma semaphore(%run_scoped3A_198 : memref<!tpu.dma_semaphore, #tpu.memory_space<semaphore_mem>>) src(%dma_wait3A_212 : memref<1000x8xf32, #tpu.memory_space<vmem>>) dst(%dma_wait3A_218 : memref<102400x8xf32, #tpu.memory_space<vmem_shared>>)
        tpu.yield
      }) : () -> ()
      %run_scoped3A_155 = arith.constant 0 : i32
      %run_scoped3A_156 = arith.constant 0 : i32
      "tpu.region"() ({
        %run_scoped3A_198 = tpu.sem_alloc : memref<!tpu.dma_semaphore, #tpu.memory_space<semaphore_mem>>
        %dma_start3A_199 = arith.constant 0 : i32
        %dma_start3A_200 = arith.constant 0 : i32
        %dma_start3A_201 = tpu.memref_slice %arg13[%run_scoped3A_155, %dma_start3A_199, %dma_start3A_200] : memref<2x1000x8xf32, #tpu.memory_space<vmem>> -> memref<1x1000x8xf32, #tpu.memory_space<vmem>>
        %dma_start3A_202 = tpu.memref_squeeze %dma_start3A_201 : memref<1x1000x8xf32, #tpu.memory_space<vmem>> -> memref<1000x8xf32, #tpu.memory_space<vmem>>
        %dma_start3A_203 = arith.constant 0 : i32
        %dma_start3A_204 = tpu.memref_slice %arg11[%run_scoped3A_156, %dma_start3A_203] : memref<2x1000xi32, #tpu.memory_space<vmem>> -> memref<1x1000xi32, #tpu.memory_space<vmem>>
        %dma_start3A_205 = tpu.memref_squeeze %dma_start3A_204 : memref<1x1000xi32, #tpu.memory_space<vmem>> -> memref<1000xi32, #tpu.memory_space<vmem>>
        %dma_start3A_206 = arith.constant 0 : i32
        %dma_start3A_207 = arith.constant 0 : i32
        %dma_start3A_208 = tpu.memref_slice %arg8[%dma_start3A_206, %dma_start3A_207] : memref<102400x8xf32, #tpu.memory_space<vmem_shared>> -> memref<102400x8xf32, #tpu.memory_space<vmem_shared>>
        tpu.enqueue_indirect_dma source(%dma_start3A_202 : memref<1000x8xf32, #tpu.memory_space<vmem>>) target(%dma_start3A_208 : memref<102400x8xf32, #tpu.memory_space<vmem_shared>>) offsets(%dma_start3A_205 : memref<1000xi32, #tpu.memory_space<vmem>>) semaphore(%run_scoped3A_198 : memref<!tpu.dma_semaphore, #tpu.memory_space<semaphore_mem>>) {add = true}
        %dma_wait3A_209 = arith.constant 0 : i32
        %dma_wait3A_210 = arith.constant 0 : i32
        %dma_wait3A_211 = tpu.memref_slice %arg13[%run_scoped3A_155, %dma_wait3A_209, %dma_wait3A_210] : memref<2x1000x8xf32, #tpu.memory_space<vmem>> -> memref<1x1000x8xf32, #tpu.memory_space<vmem>>
        %dma_wait3A_212 = tpu.memref_squeeze %dma_wait3A_211 : memref<1x1000x8xf32, #tpu.memory_space<vmem>> -> memref<1000x8xf32, #tpu.memory_space<vmem>>
        %dma_wait3A_213 = arith.constant 0 : i32
        %dma_wait3A_214 = tpu.memref_slice %arg11[%run_scoped3A_156, %dma_wait3A_213] : memref<2x1000xi32, #tpu.memory_space<vmem>> -> memref<1x1000xi32, #tpu.memory_space<vmem>>
        %dma_wait3A_215 = tpu.memref_squeeze %dma_wait3A_214 : memref<1x1000xi32, #tpu.memory_space<vmem>> -> memref<1000xi32, #tpu.memory_space<vmem>>
        %dma_wait3A_216 = arith.constant 0 : i32
        %dma_wait3A_217 = arith.constant 0 : i32
        %dma_wait3A_218 = tpu.memref_slice %arg8[%dma_wait3A_216, %dma_wait3A_217] : memref<102400x8xf32, #tpu.memory_space<vmem_shared>> -> memref<102400x8xf32, #tpu.memory_space<vmem_shared>>
        tpu.wait_indirect_dma semaphore(%run_scoped3A_198 : memref<!tpu.dma_semaphore, #tpu.memory_space<semaphore_mem>>) src(%dma_wait3A_212 : memref<1000x8xf32, #tpu.memory_space<vmem>>) dst(%dma_wait3A_218 : memref<102400x8xf32, #tpu.memory_space<vmem_shared>>)
        tpu.yield
      }) : () -> ()
      %add3A_157 = arith.constant 2 : i32
      %add3A_158 = arith.addi %add3A_137, %add3A_157 : i32
      %lt3A_159 = arith.constant 50 : i32
      %lt3A_160 = arith.cmpi slt, %add3A_158, %lt3A_159 : i32
      %convert_element_type3A_161 = arith.extui %lt3A_160 : i1 to i32
      %cond3A_162 = arith.constant 0 : i32
      %cond3A_163 = arith.cmpi ne, %convert_element_type3A_161, %cond3A_162 : i32
      scf.if %cond3A_163 {
        %add3A_198 = arith.constant 2 : i32
        %add3A_199 = arith.addi %add3A_137, %add3A_198 : i32
        %mul3A_200 = arith.constant 1000 : i32
        %mul3A_201 = arith.muli %add3A_199, %mul3A_200 : i32
        %add3A_202 = arith.addi %mul3A_8, %mul3A_201 : i32
        %multiple_of3A_203 = tpu.assume_multiple %add3A_202, 8 : i32
        %dma_start3A_204 = arith.constant 0 : i32
        %dma_start3A_205 = arith.constant 0 : i32
        %dma_start3A_206 = tpu.memref_slice %arg10[%dma_start3A_204, %dma_start3A_205] : memref<2x1000xi32, #tpu.memory_space<vmem>> -> memref<1x1000xi32, #tpu.memory_space<vmem>>
        %dma_start3A_207 = tpu.memref_squeeze %dma_start3A_206 : memref<1x1000xi32, #tpu.memory_space<vmem>> -> memref<1000xi32, #tpu.memory_space<vmem>>
        %dma_start3A_208 = tpu.memref_slice %arg3[%multiple_of3A_203] : memref<1600000xi32, #tpu.memory_space<hbm>> -> memref<1000xi32, #tpu.memory_space<hbm>>
        %dma_start3A_209 = arith.constant 0 : i32
        %dma_start3A_210 = tpu.memref_slice %arg10[%dma_start3A_204, %dma_start3A_209] : memref<2x1000xi32, #tpu.memory_space<vmem>> -> memref<1x1000xi32, #tpu.memory_space<vmem>>
        %dma_start3A_211 = tpu.memref_squeeze %dma_start3A_210 : memref<1x1000xi32, #tpu.memory_space<vmem>> -> memref<1000xi32, #tpu.memory_space<vmem>>
        %dma_start3A_212 = tpu.memref_slice %arg3[%multiple_of3A_203] : memref<1600000xi32, #tpu.memory_space<hbm>> -> memref<1000xi32, #tpu.memory_space<hbm>>
        tpu.enqueue_dma source(%dma_start3A_212 : memref<1000xi32, #tpu.memory_space<hbm>>) target(%dma_start3A_211 : memref<1000xi32, #tpu.memory_space<vmem>>) target_semaphore(%arg14 : memref<!tpu.dma_semaphore, #tpu.memory_space<semaphore_mem>>)
        %dma_start3A_213 = arith.constant 0 : i32
        %dma_start3A_214 = arith.constant 0 : i32
        %dma_start3A_215 = tpu.memref_slice %arg11[%dma_start3A_213, %dma_start3A_214] : memref<2x1000xi32, #tpu.memory_space<vmem>> -> memref<1x1000xi32, #tpu.memory_space<vmem>>
        %dma_start3A_216 = tpu.memref_squeeze %dma_start3A_215 : memref<1x1000xi32, #tpu.memory_space<vmem>> -> memref<1000xi32, #tpu.memory_space<vmem>>
        %dma_start3A_217 = tpu.memref_slice %arg4[%multiple_of3A_203] : memref<1600000xi32, #tpu.memory_space<hbm>> -> memref<1000xi32, #tpu.memory_space<hbm>>
        %dma_start3A_218 = arith.constant 0 : i32
        %dma_start3A_219 = tpu.memref_slice %arg11[%dma_start3A_213, %dma_start3A_218] : memref<2x1000xi32, #tpu.memory_space<vmem>> -> memref<1x1000xi32, #tpu.memory_space<vmem>>
        %dma_start3A_220 = tpu.memref_squeeze %dma_start3A_219 : memref<1x1000xi32, #tpu.memory_space<vmem>> -> memref<1000xi32, #tpu.memory_space<vmem>>
        %dma_start3A_221 = tpu.memref_slice %arg4[%multiple_of3A_203] : memref<1600000xi32, #tpu.memory_space<hbm>> -> memref<1000xi32, #tpu.memory_space<hbm>>
        tpu.enqueue_dma source(%dma_start3A_221 : memref<1000xi32, #tpu.memory_space<hbm>>) target(%dma_start3A_220 : memref<1000xi32, #tpu.memory_space<vmem>>) target_semaphore(%arg14 : memref<!tpu.dma_semaphore, #tpu.memory_space<semaphore_mem>>)
        %dma_start3A_222 = arith.constant 0 : i32
        %dma_start3A_223 = arith.constant 0 : i32
        %dma_start3A_224 = arith.constant 0 : i32
        %dma_start3A_225 = tpu.memref_slice %arg13[%dma_start3A_222, %dma_start3A_223, %dma_start3A_224] : memref<2x1000x8xf32, #tpu.memory_space<vmem>> -> memref<1x1000x8xf32, #tpu.memory_space<vmem>>
        %dma_start3A_226 = tpu.memref_squeeze %dma_start3A_225 : memref<1x1000x8xf32, #tpu.memory_space<vmem>> -> memref<1000x8xf32, #tpu.memory_space<vmem>>
        %dma_start3A_227 = arith.constant 0 : i32
        %dma_start3A_228 = tpu.memref_slice %arg5[%multiple_of3A_203, %dma_start3A_227] : memref<1600000x8xf32, #tpu.memory_space<hbm>> -> memref<1000x8xf32, #tpu.memory_space<hbm>>
        %dma_start3A_229 = arith.constant 0 : i32
        %dma_start3A_230 = arith.constant 0 : i32
        %dma_start3A_231 = tpu.memref_slice %arg13[%dma_start3A_222, %dma_start3A_229, %dma_start3A_230] : memref<2x1000x8xf32, #tpu.memory_space<vmem>> -> memref<1x1000x8xf32, #tpu.memory_space<vmem>>
        %dma_start3A_232 = tpu.memref_squeeze %dma_start3A_231 : memref<1x1000x8xf32, #tpu.memory_space<vmem>> -> memref<1000x8xf32, #tpu.memory_space<vmem>>
        %dma_start3A_233 = arith.constant 0 : i32
        %dma_start3A_234 = tpu.memref_slice %arg5[%multiple_of3A_203, %dma_start3A_233] : memref<1600000x8xf32, #tpu.memory_space<hbm>> -> memref<1000x8xf32, #tpu.memory_space<hbm>>
        tpu.enqueue_dma source(%dma_start3A_234 : memref<1000x8xf32, #tpu.memory_space<hbm>>) target(%dma_start3A_232 : memref<1000x8xf32, #tpu.memory_space<vmem>>) target_semaphore(%arg14 : memref<!tpu.dma_semaphore, #tpu.memory_space<semaphore_mem>>)
      } else {
      }
      %mul3A_164 = arith.constant 2 : i32
      %mul3A_165 = arith.muli %scan3A_133, %mul3A_164 : i32
      %add3A_166 = arith.constant 1 : i32
      %add3A_167 = arith.addi %mul3A_165, %add3A_166 : i32
      %dma_wait3A_168 = arith.constant 1 : i32
      %dma_wait3A_169 = arith.constant 1 : i32
      %dma_wait3A_170 = arith.constant 0 : i32
      %dma_wait3A_171 = arith.constant 0 : i32
      %dma_wait3A_172 = tpu.memref_slice %arg12[%dma_wait3A_169, %dma_wait3A_170, %dma_wait3A_171] : memref<2x1000x8xf32, #tpu.memory_space<vmem>> -> memref<1x1000x8xf32, #tpu.memory_space<vmem>>
      %dma_wait3A_173 = tpu.memref_squeeze %dma_wait3A_172 : memref<1x1000x8xf32, #tpu.memory_space<vmem>> -> memref<1000x8xf32, #tpu.memory_space<vmem>>
      %dma_wait3A_174 = arith.constant 0 : i32
      %dma_wait3A_175 = tpu.memref_slice %arg10[%dma_wait3A_168, %dma_wait3A_174] : memref<2x1000xi32, #tpu.memory_space<vmem>> -> memref<1x1000xi32, #tpu.memory_space<vmem>>
      %dma_wait3A_176 = tpu.memref_squeeze %dma_wait3A_175 : memref<1x1000xi32, #tpu.memory_space<vmem>> -> memref<1000xi32, #tpu.memory_space<vmem>>
      %dma_wait3A_177 = arith.constant 0 : i32
      %dma_wait3A_178 = arith.constant 0 : i32
      %dma_wait3A_179 = tpu.memref_slice %arg2[%dma_wait3A_177, %dma_wait3A_178] : memref<102400x8xf32, #tpu.memory_space<hbm>> -> memref<102400x8xf32, #tpu.memory_space<hbm>>
      tpu.wait_indirect_dma semaphore(%arg17 : memref<!tpu.dma_semaphore, #tpu.memory_space<semaphore_mem>>) src(%dma_wait3A_179 : memref<102400x8xf32, #tpu.memory_space<hbm>>) dst(%dma_wait3A_173 : memref<1000x8xf32, #tpu.memory_space<vmem>>)
      %add3A_180 = arith.constant 1 : i32
      %add3A_181 = arith.addi %add3A_167, %add3A_180 : i32
      %lt3A_182 = arith.constant 50 : i32
      %lt3A_183 = arith.cmpi slt, %add3A_181, %lt3A_182 : i32
      %convert_element_type3A_184 = arith.extui %lt3A_183 : i1 to i32
      %cond3A_185 = arith.constant 0 : i32
      %cond3A_186 = arith.cmpi ne, %convert_element_type3A_184, %cond3A_185 : i32
      scf.if %cond3A_186 {
        %dma_wait3A_198 = arith.constant 0 : i32
        %dma_wait3A_199 = arith.constant 0 : i32
        %dma_wait3A_200 = tpu.memref_slice %arg10[%dma_wait3A_198, %dma_wait3A_199] : memref<2x1000xi32, #tpu.memory_space<vmem>> -> memref<1x1000xi32, #tpu.memory_space<vmem>>
        %dma_wait3A_201 = tpu.memref_squeeze %dma_wait3A_200 : memref<1x1000xi32, #tpu.memory_space<vmem>> -> memref<1000xi32, #tpu.memory_space<vmem>>
        %dma_wait3A_202 = arith.constant 0 : i32
        %dma_wait3A_203 = tpu.memref_slice %arg3[%dma_wait3A_202] : memref<1600000xi32, #tpu.memory_space<hbm>> -> memref<1000xi32, #tpu.memory_space<hbm>>
        %dma_wait3A_204 = arith.constant 0 : i32
        %dma_wait3A_205 = tpu.memref_slice %arg10[%dma_wait3A_198, %dma_wait3A_204] : memref<2x1000xi32, #tpu.memory_space<vmem>> -> memref<1x1000xi32, #tpu.memory_space<vmem>>
        %dma_wait3A_206 = tpu.memref_squeeze %dma_wait3A_205 : memref<1x1000xi32, #tpu.memory_space<vmem>> -> memref<1000xi32, #tpu.memory_space<vmem>>
        %dma_wait3A_207 = arith.constant 0 : i32
        %dma_wait3A_208 = tpu.memref_slice %arg3[%dma_wait3A_207] : memref<1600000xi32, #tpu.memory_space<hbm>> -> memref<1000xi32, #tpu.memory_space<hbm>>
        tpu.wait_dma2 semaphore(%arg14 : memref<!tpu.dma_semaphore, #tpu.memory_space<semaphore_mem>>) src(%dma_wait3A_208 : memref<1000xi32, #tpu.memory_space<hbm>>) dst(%dma_wait3A_206 : memref<1000xi32, #tpu.memory_space<vmem>>)
        %dma_wait3A_209 = arith.constant 0 : i32
        %dma_wait3A_210 = arith.constant 0 : i32
        %dma_wait3A_211 = tpu.memref_slice %arg11[%dma_wait3A_209, %dma_wait3A_210] : memref<2x1000xi32, #tpu.memory_space<vmem>> -> memref<1x1000xi32, #tpu.memory_space<vmem>>
        %dma_wait3A_212 = tpu.memref_squeeze %dma_wait3A_211 : memref<1x1000xi32, #tpu.memory_space<vmem>> -> memref<1000xi32, #tpu.memory_space<vmem>>
        %dma_wait3A_213 = arith.constant 0 : i32
        %dma_wait3A_214 = tpu.memref_slice %arg4[%dma_wait3A_213] : memref<1600000xi32, #tpu.memory_space<hbm>> -> memref<1000xi32, #tpu.memory_space<hbm>>
        %dma_wait3A_215 = arith.constant 0 : i32
        %dma_wait3A_216 = tpu.memref_slice %arg11[%dma_wait3A_209, %dma_wait3A_215] : memref<2x1000xi32, #tpu.memory_space<vmem>> -> memref<1x1000xi32, #tpu.memory_space<vmem>>
        %dma_wait3A_217 = tpu.memref_squeeze %dma_wait3A_216 : memref<1x1000xi32, #tpu.memory_space<vmem>> -> memref<1000xi32, #tpu.memory_space<vmem>>
        %dma_wait3A_218 = arith.constant 0 : i32
        %dma_wait3A_219 = tpu.memref_slice %arg4[%dma_wait3A_218] : memref<1600000xi32, #tpu.memory_space<hbm>> -> memref<1000xi32, #tpu.memory_space<hbm>>
        tpu.wait_dma2 semaphore(%arg14 : memref<!tpu.dma_semaphore, #tpu.memory_space<semaphore_mem>>) src(%dma_wait3A_219 : memref<1000xi32, #tpu.memory_space<hbm>>) dst(%dma_wait3A_217 : memref<1000xi32, #tpu.memory_space<vmem>>)
        %dma_wait3A_220 = arith.constant 0 : i32
        %dma_wait3A_221 = arith.constant 0 : i32
        %dma_wait3A_222 = arith.constant 0 : i32
        %dma_wait3A_223 = tpu.memref_slice %arg13[%dma_wait3A_220, %dma_wait3A_221, %dma_wait3A_222] : memref<2x1000x8xf32, #tpu.memory_space<vmem>> -> memref<1x1000x8xf32, #tpu.memory_space<vmem>>
        %dma_wait3A_224 = tpu.memref_squeeze %dma_wait3A_223 : memref<1x1000x8xf32, #tpu.memory_space<vmem>> -> memref<1000x8xf32, #tpu.memory_space<vmem>>
        %dma_wait3A_225 = arith.constant 0 : i32
        %dma_wait3A_226 = arith.constant 0 : i32
        %dma_wait3A_227 = tpu.memref_slice %arg5[%dma_wait3A_225, %dma_wait3A_226] : memref<1600000x8xf32, #tpu.memory_space<hbm>> -> memref<1000x8xf32, #tpu.memory_space<hbm>>
        %dma_wait3A_228 = arith.constant 0 : i32
        %dma_wait3A_229 = arith.constant 0 : i32
        %dma_wait3A_230 = tpu.memref_slice %arg13[%dma_wait3A_220, %dma_wait3A_228, %dma_wait3A_229] : memref<2x1000x8xf32, #tpu.memory_space<vmem>> -> memref<1x1000x8xf32, #tpu.memory_space<vmem>>
        %dma_wait3A_231 = tpu.memref_squeeze %dma_wait3A_230 : memref<1x1000x8xf32, #tpu.memory_space<vmem>> -> memref<1000x8xf32, #tpu.memory_space<vmem>>
        %dma_wait3A_232 = arith.constant 0 : i32
        %dma_wait3A_233 = arith.constant 0 : i32
        %dma_wait3A_234 = tpu.memref_slice %arg5[%dma_wait3A_232, %dma_wait3A_233] : memref<1600000x8xf32, #tpu.memory_space<hbm>> -> memref<1000x8xf32, #tpu.memory_space<hbm>>
        tpu.wait_dma2 semaphore(%arg14 : memref<!tpu.dma_semaphore, #tpu.memory_space<semaphore_mem>>) src(%dma_wait3A_234 : memref<1000x8xf32, #tpu.memory_space<hbm>>) dst(%dma_wait3A_231 : memref<1000x8xf32, #tpu.memory_space<vmem>>)
        %dma_start3A_235 = arith.constant 0 : i32
        %dma_start3A_236 = arith.constant 0 : i32
        %dma_start3A_237 = arith.constant 0 : i32
        %dma_start3A_238 = arith.constant 0 : i32
        %dma_start3A_239 = tpu.memref_slice %arg12[%dma_start3A_236, %dma_start3A_237, %dma_start3A_238] : memref<2x1000x8xf32, #tpu.memory_space<vmem>> -> memref<1x1000x8xf32, #tpu.memory_space<vmem>>
        %dma_start3A_240 = tpu.memref_squeeze %dma_start3A_239 : memref<1x1000x8xf32, #tpu.memory_space<vmem>> -> memref<1000x8xf32, #tpu.memory_space<vmem>>
        %dma_start3A_241 = arith.constant 0 : i32
        %dma_start3A_242 = tpu.memref_slice %arg10[%dma_start3A_235, %dma_start3A_241] : memref<2x1000xi32, #tpu.memory_space<vmem>> -> memref<1x1000xi32, #tpu.memory_space<vmem>>
        %dma_start3A_243 = tpu.memref_squeeze %dma_start3A_242 : memref<1x1000xi32, #tpu.memory_space<vmem>> -> memref<1000xi32, #tpu.memory_space<vmem>>
        %dma_start3A_244 = arith.constant 0 : i32
        %dma_start3A_245 = arith.constant 0 : i32
        %dma_start3A_246 = tpu.memref_slice %arg2[%dma_start3A_244, %dma_start3A_245] : memref<102400x8xf32, #tpu.memory_space<hbm>> -> memref<102400x8xf32, #tpu.memory_space<hbm>>
        tpu.enqueue_indirect_dma source(%dma_start3A_246 : memref<102400x8xf32, #tpu.memory_space<hbm>>) target(%dma_start3A_240 : memref<1000x8xf32, #tpu.memory_space<vmem>>) offsets(%dma_start3A_243 : memref<1000xi32, #tpu.memory_space<vmem>>) semaphore(%arg16 : memref<!tpu.dma_semaphore, #tpu.memory_space<semaphore_mem>>)
      } else {
      }
      %run_scoped3A_187 = arith.constant 1 : i32
      %run_scoped3A_188 = arith.constant 1 : i32
      "tpu.region"() ({
        %run_scoped3A_198 = tpu.sem_alloc : memref<!tpu.dma_semaphore, #tpu.memory_space<semaphore_mem>>
        %dma_start3A_199 = arith.constant 0 : i32
        %dma_start3A_200 = arith.constant 0 : i32
        %dma_start3A_201 = tpu.memref_slice %arg12[%run_scoped3A_187, %dma_start3A_199, %dma_start3A_200] : memref<2x1000x8xf32, #tpu.memory_space<vmem>> -> memref<1x1000x8xf32, #tpu.memory_space<vmem>>
        %dma_start3A_202 = tpu.memref_squeeze %dma_start3A_201 : memref<1x1000x8xf32, #tpu.memory_space<vmem>> -> memref<1000x8xf32, #tpu.memory_space<vmem>>
        %dma_start3A_203 = arith.constant 0 : i32
        %dma_start3A_204 = tpu.memref_slice %arg11[%run_scoped3A_188, %dma_start3A_203] : memref<2x1000xi32, #tpu.memory_space<vmem>> -> memref<1x1000xi32, #tpu.memory_space<vmem>>
        %dma_start3A_205 = tpu.memref_squeeze %dma_start3A_204 : memref<1x1000xi32, #tpu.memory_space<vmem>> -> memref<1000xi32, #tpu.memory_space<vmem>>
        %dma_start3A_206 = arith.constant 0 : i32
        %dma_start3A_207 = arith.constant 0 : i32
        %dma_start3A_208 = tpu.memref_slice %arg8[%dma_start3A_206, %dma_start3A_207] : memref<102400x8xf32, #tpu.memory_space<vmem_shared>> -> memref<102400x8xf32, #tpu.memory_space<vmem_shared>>
        tpu.enqueue_indirect_dma source(%dma_start3A_202 : memref<1000x8xf32, #tpu.memory_space<vmem>>) target(%dma_start3A_208 : memref<102400x8xf32, #tpu.memory_space<vmem_shared>>) offsets(%dma_start3A_205 : memref<1000xi32, #tpu.memory_space<vmem>>) semaphore(%run_scoped3A_198 : memref<!tpu.dma_semaphore, #tpu.memory_space<semaphore_mem>>) {add = true}
        %dma_wait3A_209 = arith.constant 0 : i32
        %dma_wait3A_210 = arith.constant 0 : i32
        %dma_wait3A_211 = tpu.memref_slice %arg12[%run_scoped3A_187, %dma_wait3A_209, %dma_wait3A_210] : memref<2x1000x8xf32, #tpu.memory_space<vmem>> -> memref<1x1000x8xf32, #tpu.memory_space<vmem>>
        %dma_wait3A_212 = tpu.memref_squeeze %dma_wait3A_211 : memref<1x1000x8xf32, #tpu.memory_space<vmem>> -> memref<1000x8xf32, #tpu.memory_space<vmem>>
        %dma_wait3A_213 = arith.constant 0 : i32
        %dma_wait3A_214 = tpu.memref_slice %arg11[%run_scoped3A_188, %dma_wait3A_213] : memref<2x1000xi32, #tpu.memory_space<vmem>> -> memref<1x1000xi32, #tpu.memory_space<vmem>>
        %dma_wait3A_215 = tpu.memref_squeeze %dma_wait3A_214 : memref<1x1000xi32, #tpu.memory_space<vmem>> -> memref<1000xi32, #tpu.memory_space<vmem>>
        %dma_wait3A_216 = arith.constant 0 : i32
        %dma_wait3A_217 = arith.constant 0 : i32
        %dma_wait3A_218 = tpu.memref_slice %arg8[%dma_wait3A_216, %dma_wait3A_217] : memref<102400x8xf32, #tpu.memory_space<vmem_shared>> -> memref<102400x8xf32, #tpu.memory_space<vmem_shared>>
        tpu.wait_indirect_dma semaphore(%run_scoped3A_198 : memref<!tpu.dma_semaphore, #tpu.memory_space<semaphore_mem>>) src(%dma_wait3A_212 : memref<1000x8xf32, #tpu.memory_space<vmem>>) dst(%dma_wait3A_218 : memref<102400x8xf32, #tpu.memory_space<vmem_shared>>)
        tpu.yield
      }) : () -> ()
      %run_scoped3A_189 = arith.constant 1 : i32
      %run_scoped3A_190 = arith.constant 1 : i32
      "tpu.region"() ({
        %run_scoped3A_198 = tpu.sem_alloc : memref<!tpu.dma_semaphore, #tpu.memory_space<semaphore_mem>>
        %dma_start3A_199 = arith.constant 0 : i32
        %dma_start3A_200 = arith.constant 0 : i32
        %dma_start3A_201 = tpu.memref_slice %arg13[%run_scoped3A_189, %dma_start3A_199, %dma_start3A_200] : memref<2x1000x8xf32, #tpu.memory_space<vmem>> -> memref<1x1000x8xf32, #tpu.memory_space<vmem>>
        %dma_start3A_202 = tpu.memref_squeeze %dma_start3A_201 : memref<1x1000x8xf32, #tpu.memory_space<vmem>> -> memref<1000x8xf32, #tpu.memory_space<vmem>>
        %dma_start3A_203 = arith.constant 0 : i32
        %dma_start3A_204 = tpu.memref_slice %arg11[%run_scoped3A_190, %dma_start3A_203] : memref<2x1000xi32, #tpu.memory_space<vmem>> -> memref<1x1000xi32, #tpu.memory_space<vmem>>
        %dma_start3A_205 = tpu.memref_squeeze %dma_start3A_204 : memref<1x1000xi32, #tpu.memory_space<vmem>> -> memref<1000xi32, #tpu.memory_space<vmem>>
        %dma_start3A_206 = arith.constant 0 : i32
        %dma_start3A_207 = arith.constant 0 : i32
        %dma_start3A_208 = tpu.memref_slice %arg8[%dma_start3A_206, %dma_start3A_207] : memref<102400x8xf32, #tpu.memory_space<vmem_shared>> -> memref<102400x8xf32, #tpu.memory_space<vmem_shared>>
        tpu.enqueue_indirect_dma source(%dma_start3A_202 : memref<1000x8xf32, #tpu.memory_space<vmem>>) target(%dma_start3A_208 : memref<102400x8xf32, #tpu.memory_space<vmem_shared>>) offsets(%dma_start3A_205 : memref<1000xi32, #tpu.memory_space<vmem>>) semaphore(%run_scoped3A_198 : memref<!tpu.dma_semaphore, #tpu.memory_space<semaphore_mem>>) {add = true}
        %dma_wait3A_209 = arith.constant 0 : i32
        %dma_wait3A_210 = arith.constant 0 : i32
        %dma_wait3A_211 = tpu.memref_slice %arg13[%run_scoped3A_189, %dma_wait3A_209, %dma_wait3A_210] : memref<2x1000x8xf32, #tpu.memory_space<vmem>> -> memref<1x1000x8xf32, #tpu.memory_space<vmem>>
        %dma_wait3A_212 = tpu.memref_squeeze %dma_wait3A_211 : memref<1x1000x8xf32, #tpu.memory_space<vmem>> -> memref<1000x8xf32, #tpu.memory_space<vmem>>
        %dma_wait3A_213 = arith.constant 0 : i32
        %dma_wait3A_214 = tpu.memref_slice %arg11[%run_scoped3A_190, %dma_wait3A_213] : memref<2x1000xi32, #tpu.memory_space<vmem>> -> memref<1x1000xi32, #tpu.memory_space<vmem>>
        %dma_wait3A_215 = tpu.memref_squeeze %dma_wait3A_214 : memref<1x1000xi32, #tpu.memory_space<vmem>> -> memref<1000xi32, #tpu.memory_space<vmem>>
        %dma_wait3A_216 = arith.constant 0 : i32
        %dma_wait3A_217 = arith.constant 0 : i32
        %dma_wait3A_218 = tpu.memref_slice %arg8[%dma_wait3A_216, %dma_wait3A_217] : memref<102400x8xf32, #tpu.memory_space<vmem_shared>> -> memref<102400x8xf32, #tpu.memory_space<vmem_shared>>
        tpu.wait_indirect_dma semaphore(%run_scoped3A_198 : memref<!tpu.dma_semaphore, #tpu.memory_space<semaphore_mem>>) src(%dma_wait3A_212 : memref<1000x8xf32, #tpu.memory_space<vmem>>) dst(%dma_wait3A_218 : memref<102400x8xf32, #tpu.memory_space<vmem_shared>>)
        tpu.yield
      }) : () -> ()
      %add3A_191 = arith.constant 2 : i32
      %add3A_192 = arith.addi %add3A_167, %add3A_191 : i32
      %lt3A_193 = arith.constant 50 : i32
      %lt3A_194 = arith.cmpi slt, %add3A_192, %lt3A_193 : i32
      %convert_element_type3A_195 = arith.extui %lt3A_194 : i1 to i32
      %cond3A_196 = arith.constant 0 : i32
      %cond3A_197 = arith.cmpi ne, %convert_element_type3A_195, %cond3A_196 : i32
      scf.if %cond3A_197 {
        %add3A_198 = arith.constant 2 : i32
        %add3A_199 = arith.addi %add3A_167, %add3A_198 : i32
        %mul3A_200 = arith.constant 1000 : i32
        %mul3A_201 = arith.muli %add3A_199, %mul3A_200 : i32
        %add3A_202 = arith.addi %mul3A_8, %mul3A_201 : i32
        %multiple_of3A_203 = tpu.assume_multiple %add3A_202, 8 : i32
        %dma_start3A_204 = arith.constant 1 : i32
        %dma_start3A_205 = arith.constant 0 : i32
        %dma_start3A_206 = tpu.memref_slice %arg10[%dma_start3A_204, %dma_start3A_205] : memref<2x1000xi32, #tpu.memory_space<vmem>> -> memref<1x1000xi32, #tpu.memory_space<vmem>>
        %dma_start3A_207 = tpu.memref_squeeze %dma_start3A_206 : memref<1x1000xi32, #tpu.memory_space<vmem>> -> memref<1000xi32, #tpu.memory_space<vmem>>
        %dma_start3A_208 = tpu.memref_slice %arg3[%multiple_of3A_203] : memref<1600000xi32, #tpu.memory_space<hbm>> -> memref<1000xi32, #tpu.memory_space<hbm>>
        %dma_start3A_209 = arith.constant 0 : i32
        %dma_start3A_210 = tpu.memref_slice %arg10[%dma_start3A_204, %dma_start3A_209] : memref<2x1000xi32, #tpu.memory_space<vmem>> -> memref<1x1000xi32, #tpu.memory_space<vmem>>
        %dma_start3A_211 = tpu.memref_squeeze %dma_start3A_210 : memref<1x1000xi32, #tpu.memory_space<vmem>> -> memref<1000xi32, #tpu.memory_space<vmem>>
        %dma_start3A_212 = tpu.memref_slice %arg3[%multiple_of3A_203] : memref<1600000xi32, #tpu.memory_space<hbm>> -> memref<1000xi32, #tpu.memory_space<hbm>>
        tpu.enqueue_dma source(%dma_start3A_212 : memref<1000xi32, #tpu.memory_space<hbm>>) target(%dma_start3A_211 : memref<1000xi32, #tpu.memory_space<vmem>>) target_semaphore(%arg15 : memref<!tpu.dma_semaphore, #tpu.memory_space<semaphore_mem>>)
        %dma_start3A_213 = arith.constant 1 : i32
        %dma_start3A_214 = arith.constant 0 : i32
        %dma_start3A_215 = tpu.memref_slice %arg11[%dma_start3A_213, %dma_start3A_214] : memref<2x1000xi32, #tpu.memory_space<vmem>> -> memref<1x1000xi32, #tpu.memory_space<vmem>>
        %dma_start3A_216 = tpu.memref_squeeze %dma_start3A_215 : memref<1x1000xi32, #tpu.memory_space<vmem>> -> memref<1000xi32, #tpu.memory_space<vmem>>
        %dma_start3A_217 = tpu.memref_slice %arg4[%multiple_of3A_203] : memref<1600000xi32, #tpu.memory_space<hbm>> -> memref<1000xi32, #tpu.memory_space<hbm>>
        %dma_start3A_218 = arith.constant 0 : i32
        %dma_start3A_219 = tpu.memref_slice %arg11[%dma_start3A_213, %dma_start3A_218] : memref<2x1000xi32, #tpu.memory_space<vmem>> -> memref<1x1000xi32, #tpu.memory_space<vmem>>
        %dma_start3A_220 = tpu.memref_squeeze %dma_start3A_219 : memref<1x1000xi32, #tpu.memory_space<vmem>> -> memref<1000xi32, #tpu.memory_space<vmem>>
        %dma_start3A_221 = tpu.memref_slice %arg4[%multiple_of3A_203] : memref<1600000xi32, #tpu.memory_space<hbm>> -> memref<1000xi32, #tpu.memory_space<hbm>>
        tpu.enqueue_dma source(%dma_start3A_221 : memref<1000xi32, #tpu.memory_space<hbm>>) target(%dma_start3A_220 : memref<1000xi32, #tpu.memory_space<vmem>>) target_semaphore(%arg15 : memref<!tpu.dma_semaphore, #tpu.memory_space<semaphore_mem>>)
        %dma_start3A_222 = arith.constant 1 : i32
        %dma_start3A_223 = arith.constant 0 : i32
        %dma_start3A_224 = arith.constant 0 : i32
        %dma_start3A_225 = tpu.memref_slice %arg13[%dma_start3A_222, %dma_start3A_223, %dma_start3A_224] : memref<2x1000x8xf32, #tpu.memory_space<vmem>> -> memref<1x1000x8xf32, #tpu.memory_space<vmem>>
        %dma_start3A_226 = tpu.memref_squeeze %dma_start3A_225 : memref<1x1000x8xf32, #tpu.memory_space<vmem>> -> memref<1000x8xf32, #tpu.memory_space<vmem>>
        %dma_start3A_227 = arith.constant 0 : i32
        %dma_start3A_228 = tpu.memref_slice %arg5[%multiple_of3A_203, %dma_start3A_227] : memref<1600000x8xf32, #tpu.memory_space<hbm>> -> memref<1000x8xf32, #tpu.memory_space<hbm>>
        %dma_start3A_229 = arith.constant 0 : i32
        %dma_start3A_230 = arith.constant 0 : i32
        %dma_start3A_231 = tpu.memref_slice %arg13[%dma_start3A_222, %dma_start3A_229, %dma_start3A_230] : memref<2x1000x8xf32, #tpu.memory_space<vmem>> -> memref<1x1000x8xf32, #tpu.memory_space<vmem>>
        %dma_start3A_232 = tpu.memref_squeeze %dma_start3A_231 : memref<1x1000x8xf32, #tpu.memory_space<vmem>> -> memref<1000x8xf32, #tpu.memory_space<vmem>>
        %dma_start3A_233 = arith.constant 0 : i32
        %dma_start3A_234 = tpu.memref_slice %arg5[%multiple_of3A_203, %dma_start3A_233] : memref<1600000x8xf32, #tpu.memory_space<hbm>> -> memref<1000x8xf32, #tpu.memory_space<hbm>>
        tpu.enqueue_dma source(%dma_start3A_234 : memref<1000x8xf32, #tpu.memory_space<hbm>>) target(%dma_start3A_232 : memref<1000x8xf32, #tpu.memory_space<vmem>>) target_semaphore(%arg15 : memref<!tpu.dma_semaphore, #tpu.memory_space<semaphore_mem>>)
      } else {
      }
    }
    %scan3A_127 = arith.constant 25 : i32
    %barrier3A_128 = arith.constant 0 : index
    tpu.barrier barrier_id(%barrier3A_128)
    %add3A_129 = arith.constant 0 : i32
    %add3A_130 = arith.addi %mul3A_2, %add3A_129 : i32
    "tpu.region"() ({
      %run_scoped3A = tpu.sem_alloc : memref<!tpu.dma_semaphore, #tpu.memory_space<semaphore_mem>>
      %dma_start3A_133 = arith.constant 0 : i32
      %dma_start3A_134 = tpu.memref_slice %arg8[%add3A_130, %dma_start3A_133] : memref<102400x8xf32, #tpu.memory_space<vmem_shared>> -> memref<3200x8xf32, #tpu.memory_space<vmem_shared>>
      %dma_start3A_135 = arith.constant 0 : i32
      %dma_start3A_136 = tpu.memref_slice %arg8[%add3A_130, %dma_start3A_135] : memref<102400x8xf32, #tpu.memory_space<vmem_shared>> -> memref<3200x8xf32, #tpu.memory_space<vmem_shared>>
      tpu.enqueue_dma source(%dma_start3A_136 : memref<3200x8xf32, #tpu.memory_space<vmem_shared>>) target(%arg9 : memref<3200x8xf32, #tpu.memory_space<vmem>>) target_semaphore(%run_scoped3A : memref<!tpu.dma_semaphore, #tpu.memory_space<semaphore_mem>>)
      %dma_wait3A_137 = arith.constant 0 : i32
      %dma_wait3A_138 = tpu.memref_slice %arg8[%add3A_130, %dma_wait3A_137] : memref<102400x8xf32, #tpu.memory_space<vmem_shared>> -> memref<3200x8xf32, #tpu.memory_space<vmem_shared>>
      %dma_wait3A_139 = arith.constant 0 : i32
      %dma_wait3A_140 = tpu.memref_slice %arg8[%add3A_130, %dma_wait3A_139] : memref<102400x8xf32, #tpu.memory_space<vmem_shared>> -> memref<3200x8xf32, #tpu.memory_space<vmem_shared>>
      tpu.wait_dma2 semaphore(%run_scoped3A : memref<!tpu.dma_semaphore, #tpu.memory_space<semaphore_mem>>) src(%dma_wait3A_140 : memref<3200x8xf32, #tpu.memory_space<vmem_shared>>) dst(%arg9 : memref<3200x8xf32, #tpu.memory_space<vmem>>)
      tpu.yield
    }) : () -> ()
    "tpu.region"() ({
      %run_scoped3A = tpu.sem_alloc : memref<!tpu.dma_semaphore, #tpu.memory_space<semaphore_mem>>
      %dma_start3A_133 = arith.constant 0 : i32
      %dma_start3A_134 = tpu.memref_slice %arg7[%arg0, %add3A_130, %dma_start3A_133] : memref<2x102400x8xf32, #tpu.memory_space<hbm>> -> memref<1x3200x8xf32, #tpu.memory_space<hbm>>
      %dma_start3A_135 = tpu.memref_squeeze %dma_start3A_134 : memref<1x3200x8xf32, #tpu.memory_space<hbm>> -> memref<3200x8xf32, #tpu.memory_space<hbm>>
      %dma_start3A_136 = arith.constant 0 : i32
      %dma_start3A_137 = tpu.memref_slice %arg7[%arg0, %add3A_130, %dma_start3A_136] : memref<2x102400x8xf32, #tpu.memory_space<hbm>> -> memref<1x3200x8xf32, #tpu.memory_space<hbm>>
      %dma_start3A_138 = tpu.memref_squeeze %dma_start3A_137 : memref<1x3200x8xf32, #tpu.memory_space<hbm>> -> memref<3200x8xf32, #tpu.memory_space<hbm>>
      tpu.enqueue_dma source(%arg9 : memref<3200x8xf32, #tpu.memory_space<vmem>>) target(%dma_start3A_138 : memref<3200x8xf32, #tpu.memory_space<hbm>>) target_semaphore(%run_scoped3A : memref<!tpu.dma_semaphore, #tpu.memory_space<semaphore_mem>>)
      %dma_wait3A_139 = arith.constant 0 : i32
      %dma_wait3A_140 = tpu.memref_slice %arg7[%arg0, %add3A_130, %dma_wait3A_139] : memref<2x102400x8xf32, #tpu.memory_space<hbm>> -> memref<1x3200x8xf32, #tpu.memory_space<hbm>>
      %dma_wait3A_141 = tpu.memref_squeeze %dma_wait3A_140 : memref<1x3200x8xf32, #tpu.memory_space<hbm>> -> memref<3200x8xf32, #tpu.memory_space<hbm>>
      %dma_wait3A_142 = arith.constant 0 : i32
      %dma_wait3A_143 = tpu.memref_slice %arg7[%arg0, %add3A_130, %dma_wait3A_142] : memref<2x102400x8xf32, #tpu.memory_space<hbm>> -> memref<1x3200x8xf32, #tpu.memory_space<hbm>>
      %dma_wait3A_144 = tpu.memref_squeeze %dma_wait3A_143 : memref<1x3200x8xf32, #tpu.memory_space<hbm>> -> memref<3200x8xf32, #tpu.memory_space<hbm>>
      tpu.wait_dma2 semaphore(%run_scoped3A : memref<!tpu.dma_semaphore, #tpu.memory_space<semaphore_mem>>) src(%arg9 : memref<3200x8xf32, #tpu.memory_space<vmem>>) dst(%dma_wait3A_144 : memref<3200x8xf32, #tpu.memory_space<hbm>>)
      tpu.yield
    }) : () -> ()
    %add3A_131 = arith.constant 3200 : i32
    %add3A_132 = arith.addi %mul3A_2, %add3A_131 : i32
    "tpu.region"() ({
      %run_scoped3A = tpu.sem_alloc : memref<!tpu.dma_semaphore, #tpu.memory_space<semaphore_mem>>
      %dma_start3A_133 = arith.constant 0 : i32
      %dma_start3A_134 = tpu.memref_slice %arg8[%add3A_132, %dma_start3A_133] : memref<102400x8xf32, #tpu.memory_space<vmem_shared>> -> memref<3200x8xf32, #tpu.memory_space<vmem_shared>>
      %dma_start3A_135 = arith.constant 0 : i32
      %dma_start3A_136 = tpu.memref_slice %arg8[%add3A_132, %dma_start3A_135] : memref<102400x8xf32, #tpu.memory_space<vmem_shared>> -> memref<3200x8xf32, #tpu.memory_space<vmem_shared>>
      tpu.enqueue_dma source(%dma_start3A_136 : memref<3200x8xf32, #tpu.memory_space<vmem_shared>>) target(%arg9 : memref<3200x8xf32, #tpu.memory_space<vmem>>) target_semaphore(%run_scoped3A : memref<!tpu.dma_semaphore, #tpu.memory_space<semaphore_mem>>)
      %dma_wait3A_137 = arith.constant 0 : i32
      %dma_wait3A_138 = tpu.memref_slice %arg8[%add3A_132, %dma_wait3A_137] : memref<102400x8xf32, #tpu.memory_space<vmem_shared>> -> memref<3200x8xf32, #tpu.memory_space<vmem_shared>>
      %dma_wait3A_139 = arith.constant 0 : i32
      %dma_wait3A_140 = tpu.memref_slice %arg8[%add3A_132, %dma_wait3A_139] : memref<102400x8xf32, #tpu.memory_space<vmem_shared>> -> memref<3200x8xf32, #tpu.memory_space<vmem_shared>>
      tpu.wait_dma2 semaphore(%run_scoped3A : memref<!tpu.dma_semaphore, #tpu.memory_space<semaphore_mem>>) src(%dma_wait3A_140 : memref<3200x8xf32, #tpu.memory_space<vmem_shared>>) dst(%arg9 : memref<3200x8xf32, #tpu.memory_space<vmem>>)
      tpu.yield
    }) : () -> ()
    "tpu.region"() ({
      %run_scoped3A = tpu.sem_alloc : memref<!tpu.dma_semaphore, #tpu.memory_space<semaphore_mem>>
      %dma_start3A_133 = arith.constant 0 : i32
      %dma_start3A_134 = tpu.memref_slice %arg7[%arg0, %add3A_132, %dma_start3A_133] : memref<2x102400x8xf32, #tpu.memory_space<hbm>> -> memref<1x3200x8xf32, #tpu.memory_space<hbm>>
      %dma_start3A_135 = tpu.memref_squeeze %dma_start3A_134 : memref<1x3200x8xf32, #tpu.memory_space<hbm>> -> memref<3200x8xf32, #tpu.memory_space<hbm>>
      %dma_start3A_136 = arith.constant 0 : i32
      %dma_start3A_137 = tpu.memref_slice %arg7[%arg0, %add3A_132, %dma_start3A_136] : memref<2x102400x8xf32, #tpu.memory_space<hbm>> -> memref<1x3200x8xf32, #tpu.memory_space<hbm>>
      %dma_start3A_138 = tpu.memref_squeeze %dma_start3A_137 : memref<1x3200x8xf32, #tpu.memory_space<hbm>> -> memref<3200x8xf32, #tpu.memory_space<hbm>>
      tpu.enqueue_dma source(%arg9 : memref<3200x8xf32, #tpu.memory_space<vmem>>) target(%dma_start3A_138 : memref<3200x8xf32, #tpu.memory_space<hbm>>) target_semaphore(%run_scoped3A : memref<!tpu.dma_semaphore, #tpu.memory_space<semaphore_mem>>)
      %dma_wait3A_139 = arith.constant 0 : i32
      %dma_wait3A_140 = tpu.memref_slice %arg7[%arg0, %add3A_132, %dma_wait3A_139] : memref<2x102400x8xf32, #tpu.memory_space<hbm>> -> memref<1x3200x8xf32, #tpu.memory_space<hbm>>
      %dma_wait3A_141 = tpu.memref_squeeze %dma_wait3A_140 : memref<1x3200x8xf32, #tpu.memory_space<hbm>> -> memref<3200x8xf32, #tpu.memory_space<hbm>>
      %dma_wait3A_142 = arith.constant 0 : i32
      %dma_wait3A_143 = tpu.memref_slice %arg7[%arg0, %add3A_132, %dma_wait3A_142] : memref<2x102400x8xf32, #tpu.memory_space<hbm>> -> memref<1x3200x8xf32, #tpu.memory_space<hbm>>
      %dma_wait3A_144 = tpu.memref_squeeze %dma_wait3A_143 : memref<1x3200x8xf32, #tpu.memory_space<hbm>> -> memref<3200x8xf32, #tpu.memory_space<hbm>>
      tpu.wait_dma2 semaphore(%run_scoped3A : memref<!tpu.dma_semaphore, #tpu.memory_space<semaphore_mem>>) src(%arg9 : memref<3200x8xf32, #tpu.memory_space<vmem>>) dst(%dma_wait3A_144 : memref<3200x8xf32, #tpu.memory_space<hbm>>)
      tpu.yield
    }) : () -> ()
    return
  }
}

module attributes {stable_mosaic.version = 14 : i64} {
  func.func @_s2_body(%arg0: i32, %arg1: memref<2x1600x128xf32, #tpu.memory_space<vmem>>, %arg2: memref<1600x128xf32, #tpu.memory_space<vmem>>, %arg3: memref<9x128xf32, #tpu.memory_space<vmem>>, %arg4: memref<9x128xf32, #tpu.memory_space<vmem>>, %arg5: memref<6x128xf32, #tpu.memory_space<vmem>>, %arg6: memref<6x128xf32, #tpu.memory_space<vmem>>, %arg7: memref<1x128xf32, #tpu.memory_space<vmem>>, %arg8: memref<1600x128xf32, #tpu.memory_space<vmem>>) attributes {dimension_semantics = [#tpu.dimension_semantics<arbitrary>], iteration_bounds = array<i64: 4>, scalar_prefetch = 0 : i64, scratch_operands = 0 : i64, tpu.core_type = #tpu.core_type<tc>, window_params = [{transform_indices = @transform_0, window_bounds = array<i64: 2, 1600, 128>}, {transform_indices = @transform_1, window_bounds = array<i64: 1600, 128>}, {pipeline_mode = #tpu.pipeline_mode<synchronous>, transform_indices = @transform_2, window_bounds = array<i64: 9, 128>}, {pipeline_mode = #tpu.pipeline_mode<synchronous>, transform_indices = @transform_3, window_bounds = array<i64: 9, 128>}, {pipeline_mode = #tpu.pipeline_mode<synchronous>, transform_indices = @transform_4, window_bounds = array<i64: 6, 128>}, {pipeline_mode = #tpu.pipeline_mode<synchronous>, transform_indices = @transform_5, window_bounds = array<i64: 6, 128>}, {pipeline_mode = #tpu.pipeline_mode<synchronous>, transform_indices = @transform_6, window_bounds = array<i64: 1, 128>}, {transform_indices = @transform_7, window_bounds = array<i64: 1600, 128>}]} {
    %get3A = arith.constant 0 : index
    %get3A_0 = arith.constant 0 : index
    %get3A_1 = arith.constant 0 : index
    %get3A_2 = vector.load %arg1[%get3A, %get3A_0, %get3A_1] : memref<2x1600x128xf32, #tpu.memory_space<vmem>>, vector<1x1600x128xf32>
    %get3A_3 = vector.shape_cast %get3A_2 : vector<1x1600x128xf32> to vector<1600x128xf32>
    %get3A_4 = arith.constant 1 : index
    %get3A_5 = arith.constant 0 : index
    %get3A_6 = arith.constant 0 : index
    %get3A_7 = vector.load %arg1[%get3A_4, %get3A_5, %get3A_6] : memref<2x1600x128xf32, #tpu.memory_space<vmem>>, vector<1x1600x128xf32>
    %get3A_8 = vector.shape_cast %get3A_7 : vector<1x1600x128xf32> to vector<1600x128xf32>
    %add3A = arith.addf %get3A_3, %get3A_8 : vector<1600x128xf32>
    %get3A_9 = arith.constant 0 : index
    %get3A_10 = arith.constant 0 : index
    %get3A_11 = vector.load %arg3[%get3A_9, %get3A_10] : memref<9x128xf32, #tpu.memory_space<vmem>>, vector<9x128xf32>
    %roll3A = arith.constant 2 : i32
    %roll3A_12 = tpu.dynamic_rotate %add3A by %roll3A dim 1 : vector<1600x128xf32>, i32 -> vector<1600x128xf32>
    %slice3A = vector.extract_strided_slice %get3A_11 {offsets = [0, 0], sizes = [1, 128], strides = [1, 1]} : vector<9x128xf32> to vector<1x128xf32>
    %mul3A = vector.broadcast %slice3A : vector<1x128xf32> to vector<1600x128xf32>
    %mul3A_13 = arith.mulf %mul3A, %roll3A_12 : vector<1600x128xf32>
    %roll3A_14 = arith.constant 1 : i32
    %roll3A_15 = tpu.dynamic_rotate %add3A by %roll3A_14 dim 1 : vector<1600x128xf32>, i32 -> vector<1600x128xf32>
    %slice3A_16 = vector.extract_strided_slice %get3A_11 {offsets = [1, 0], sizes = [1, 128], strides = [1, 1]} : vector<9x128xf32> to vector<1x128xf32>
    %mul3A_17 = vector.broadcast %slice3A_16 : vector<1x128xf32> to vector<1600x128xf32>
    %mul3A_18 = arith.mulf %mul3A_17, %roll3A_15 : vector<1600x128xf32>
    %add3A_19 = arith.addf %mul3A_13, %mul3A_18 : vector<1600x128xf32>
    %slice3A_20 = vector.extract_strided_slice %get3A_11 {offsets = [2, 0], sizes = [1, 128], strides = [1, 1]} : vector<9x128xf32> to vector<1x128xf32>
    %mul3A_21 = vector.broadcast %slice3A_20 : vector<1x128xf32> to vector<1600x128xf32>
    %mul3A_22 = arith.mulf %mul3A_21, %add3A : vector<1600x128xf32>
    %add3A_23 = arith.addf %add3A_19, %mul3A_22 : vector<1600x128xf32>
    %roll3A_24 = arith.constant 127 : i32
    %roll3A_25 = tpu.dynamic_rotate %add3A by %roll3A_24 dim 1 : vector<1600x128xf32>, i32 -> vector<1600x128xf32>
    %slice3A_26 = vector.extract_strided_slice %get3A_11 {offsets = [3, 0], sizes = [1, 128], strides = [1, 1]} : vector<9x128xf32> to vector<1x128xf32>
    %mul3A_27 = vector.broadcast %slice3A_26 : vector<1x128xf32> to vector<1600x128xf32>
    %mul3A_28 = arith.mulf %mul3A_27, %roll3A_25 : vector<1600x128xf32>
    %add3A_29 = arith.addf %add3A_23, %mul3A_28 : vector<1600x128xf32>
    %roll3A_30 = arith.constant 126 : i32
    %roll3A_31 = tpu.dynamic_rotate %add3A by %roll3A_30 dim 1 : vector<1600x128xf32>, i32 -> vector<1600x128xf32>
    %slice3A_32 = vector.extract_strided_slice %get3A_11 {offsets = [4, 0], sizes = [1, 128], strides = [1, 1]} : vector<9x128xf32> to vector<1x128xf32>
    %mul3A_33 = vector.broadcast %slice3A_32 : vector<1x128xf32> to vector<1600x128xf32>
    %mul3A_34 = arith.mulf %mul3A_33, %roll3A_31 : vector<1600x128xf32>
    %add3A_35 = arith.addf %add3A_29, %mul3A_34 : vector<1600x128xf32>
    %roll3A_36 = arith.constant 125 : i32
    %roll3A_37 = tpu.dynamic_rotate %add3A by %roll3A_36 dim 1 : vector<1600x128xf32>, i32 -> vector<1600x128xf32>
    %slice3A_38 = vector.extract_strided_slice %get3A_11 {offsets = [5, 0], sizes = [1, 128], strides = [1, 1]} : vector<9x128xf32> to vector<1x128xf32>
    %mul3A_39 = vector.broadcast %slice3A_38 : vector<1x128xf32> to vector<1600x128xf32>
    %mul3A_40 = arith.mulf %mul3A_39, %roll3A_37 : vector<1600x128xf32>
    %add3A_41 = arith.addf %add3A_35, %mul3A_40 : vector<1600x128xf32>
    %roll3A_42 = arith.constant 124 : i32
    %roll3A_43 = tpu.dynamic_rotate %add3A by %roll3A_42 dim 1 : vector<1600x128xf32>, i32 -> vector<1600x128xf32>
    %slice3A_44 = vector.extract_strided_slice %get3A_11 {offsets = [6, 0], sizes = [1, 128], strides = [1, 1]} : vector<9x128xf32> to vector<1x128xf32>
    %mul3A_45 = vector.broadcast %slice3A_44 : vector<1x128xf32> to vector<1600x128xf32>
    %mul3A_46 = arith.mulf %mul3A_45, %roll3A_43 : vector<1600x128xf32>
    %add3A_47 = arith.addf %add3A_41, %mul3A_46 : vector<1600x128xf32>
    %roll3A_48 = arith.constant 123 : i32
    %roll3A_49 = tpu.dynamic_rotate %add3A by %roll3A_48 dim 1 : vector<1600x128xf32>, i32 -> vector<1600x128xf32>
    %slice3A_50 = vector.extract_strided_slice %get3A_11 {offsets = [7, 0], sizes = [1, 128], strides = [1, 1]} : vector<9x128xf32> to vector<1x128xf32>
    %mul3A_51 = vector.broadcast %slice3A_50 : vector<1x128xf32> to vector<1600x128xf32>
    %mul3A_52 = arith.mulf %mul3A_51, %roll3A_49 : vector<1600x128xf32>
    %add3A_53 = arith.addf %add3A_47, %mul3A_52 : vector<1600x128xf32>
    %roll3A_54 = arith.constant 122 : i32
    %roll3A_55 = tpu.dynamic_rotate %add3A by %roll3A_54 dim 1 : vector<1600x128xf32>, i32 -> vector<1600x128xf32>
    %slice3A_56 = vector.extract_strided_slice %get3A_11 {offsets = [8, 0], sizes = [1, 128], strides = [1, 1]} : vector<9x128xf32> to vector<1x128xf32>
    %mul3A_57 = vector.broadcast %slice3A_56 : vector<1x128xf32> to vector<1600x128xf32>
    %mul3A_58 = arith.mulf %mul3A_57, %roll3A_55 : vector<1600x128xf32>
    %add3A_59 = arith.addf %add3A_53, %mul3A_58 : vector<1600x128xf32>
    %get3A_60 = arith.constant 0 : index
    %get3A_61 = arith.constant 0 : index
    %get3A_62 = vector.load %arg4[%get3A_60, %get3A_61] : memref<9x128xf32, #tpu.memory_space<vmem>>, vector<9x128xf32>
    %roll3A_63 = arith.constant 2 : i32
    %roll3A_64 = tpu.dynamic_rotate %add3A by %roll3A_63 dim 1 : vector<1600x128xf32>, i32 -> vector<1600x128xf32>
    %slice3A_65 = vector.extract_strided_slice %get3A_62 {offsets = [0, 0], sizes = [1, 128], strides = [1, 1]} : vector<9x128xf32> to vector<1x128xf32>
    %mul3A_66 = vector.broadcast %slice3A_65 : vector<1x128xf32> to vector<1600x128xf32>
    %mul3A_67 = arith.mulf %mul3A_66, %roll3A_64 : vector<1600x128xf32>
    %roll3A_68 = arith.constant 1 : i32
    %roll3A_69 = tpu.dynamic_rotate %add3A by %roll3A_68 dim 1 : vector<1600x128xf32>, i32 -> vector<1600x128xf32>
    %slice3A_70 = vector.extract_strided_slice %get3A_62 {offsets = [1, 0], sizes = [1, 128], strides = [1, 1]} : vector<9x128xf32> to vector<1x128xf32>
    %mul3A_71 = vector.broadcast %slice3A_70 : vector<1x128xf32> to vector<1600x128xf32>
    %mul3A_72 = arith.mulf %mul3A_71, %roll3A_69 : vector<1600x128xf32>
    %add3A_73 = arith.addf %mul3A_67, %mul3A_72 : vector<1600x128xf32>
    %slice3A_74 = vector.extract_strided_slice %get3A_62 {offsets = [2, 0], sizes = [1, 128], strides = [1, 1]} : vector<9x128xf32> to vector<1x128xf32>
    %mul3A_75 = vector.broadcast %slice3A_74 : vector<1x128xf32> to vector<1600x128xf32>
    %mul3A_76 = arith.mulf %mul3A_75, %add3A : vector<1600x128xf32>
    %add3A_77 = arith.addf %add3A_73, %mul3A_76 : vector<1600x128xf32>
    %roll3A_78 = arith.constant 127 : i32
    %roll3A_79 = tpu.dynamic_rotate %add3A by %roll3A_78 dim 1 : vector<1600x128xf32>, i32 -> vector<1600x128xf32>
    %slice3A_80 = vector.extract_strided_slice %get3A_62 {offsets = [3, 0], sizes = [1, 128], strides = [1, 1]} : vector<9x128xf32> to vector<1x128xf32>
    %mul3A_81 = vector.broadcast %slice3A_80 : vector<1x128xf32> to vector<1600x128xf32>
    %mul3A_82 = arith.mulf %mul3A_81, %roll3A_79 : vector<1600x128xf32>
    %add3A_83 = arith.addf %add3A_77, %mul3A_82 : vector<1600x128xf32>
    %roll3A_84 = arith.constant 126 : i32
    %roll3A_85 = tpu.dynamic_rotate %add3A by %roll3A_84 dim 1 : vector<1600x128xf32>, i32 -> vector<1600x128xf32>
    %slice3A_86 = vector.extract_strided_slice %get3A_62 {offsets = [4, 0], sizes = [1, 128], strides = [1, 1]} : vector<9x128xf32> to vector<1x128xf32>
    %mul3A_87 = vector.broadcast %slice3A_86 : vector<1x128xf32> to vector<1600x128xf32>
    %mul3A_88 = arith.mulf %mul3A_87, %roll3A_85 : vector<1600x128xf32>
    %add3A_89 = arith.addf %add3A_83, %mul3A_88 : vector<1600x128xf32>
    %roll3A_90 = arith.constant 125 : i32
    %roll3A_91 = tpu.dynamic_rotate %add3A by %roll3A_90 dim 1 : vector<1600x128xf32>, i32 -> vector<1600x128xf32>
    %slice3A_92 = vector.extract_strided_slice %get3A_62 {offsets = [5, 0], sizes = [1, 128], strides = [1, 1]} : vector<9x128xf32> to vector<1x128xf32>
    %mul3A_93 = vector.broadcast %slice3A_92 : vector<1x128xf32> to vector<1600x128xf32>
    %mul3A_94 = arith.mulf %mul3A_93, %roll3A_91 : vector<1600x128xf32>
    %add3A_95 = arith.addf %add3A_89, %mul3A_94 : vector<1600x128xf32>
    %roll3A_96 = arith.constant 124 : i32
    %roll3A_97 = tpu.dynamic_rotate %add3A by %roll3A_96 dim 1 : vector<1600x128xf32>, i32 -> vector<1600x128xf32>
    %slice3A_98 = vector.extract_strided_slice %get3A_62 {offsets = [6, 0], sizes = [1, 128], strides = [1, 1]} : vector<9x128xf32> to vector<1x128xf32>
    %mul3A_99 = vector.broadcast %slice3A_98 : vector<1x128xf32> to vector<1600x128xf32>
    %mul3A_100 = arith.mulf %mul3A_99, %roll3A_97 : vector<1600x128xf32>
    %add3A_101 = arith.addf %add3A_95, %mul3A_100 : vector<1600x128xf32>
    %roll3A_102 = arith.constant 123 : i32
    %roll3A_103 = tpu.dynamic_rotate %add3A by %roll3A_102 dim 1 : vector<1600x128xf32>, i32 -> vector<1600x128xf32>
    %slice3A_104 = vector.extract_strided_slice %get3A_62 {offsets = [7, 0], sizes = [1, 128], strides = [1, 1]} : vector<9x128xf32> to vector<1x128xf32>
    %mul3A_105 = vector.broadcast %slice3A_104 : vector<1x128xf32> to vector<1600x128xf32>
    %mul3A_106 = arith.mulf %mul3A_105, %roll3A_103 : vector<1600x128xf32>
    %add3A_107 = arith.addf %add3A_101, %mul3A_106 : vector<1600x128xf32>
    %roll3A_108 = arith.constant 122 : i32
    %roll3A_109 = tpu.dynamic_rotate %add3A by %roll3A_108 dim 1 : vector<1600x128xf32>, i32 -> vector<1600x128xf32>
    %slice3A_110 = vector.extract_strided_slice %get3A_62 {offsets = [8, 0], sizes = [1, 128], strides = [1, 1]} : vector<9x128xf32> to vector<1x128xf32>
    %mul3A_111 = vector.broadcast %slice3A_110 : vector<1x128xf32> to vector<1600x128xf32>
    %mul3A_112 = arith.mulf %mul3A_111, %roll3A_109 : vector<1600x128xf32>
    %add3A_113 = arith.addf %add3A_107, %mul3A_112 : vector<1600x128xf32>
    %get3A_114 = arith.constant 0 : index
    %get3A_115 = arith.constant 0 : index
    %get3A_116 = vector.load %arg2[%get3A_114, %get3A_115] : memref<1600x128xf32, #tpu.memory_space<vmem>>, vector<1600x128xf32>
    %get3A_117 = arith.constant 0 : index
    %get3A_118 = arith.constant 0 : index
    %get3A_119 = vector.load %arg5[%get3A_117, %get3A_118] : memref<6x128xf32, #tpu.memory_space<vmem>>, vector<6x128xf32>
    %roll3A_120 = arith.constant 2 : i32
    %roll3A_121 = tpu.dynamic_rotate %get3A_116 by %roll3A_120 dim 1 : vector<1600x128xf32>, i32 -> vector<1600x128xf32>
    %slice3A_122 = vector.extract_strided_slice %get3A_119 {offsets = [0, 0], sizes = [1, 128], strides = [1, 1]} : vector<6x128xf32> to vector<1x128xf32>
    %mul3A_123 = vector.broadcast %slice3A_122 : vector<1x128xf32> to vector<1600x128xf32>
    %mul3A_124 = arith.mulf %mul3A_123, %roll3A_121 : vector<1600x128xf32>
    %roll3A_125 = arith.constant 1 : i32
    %roll3A_126 = tpu.dynamic_rotate %get3A_116 by %roll3A_125 dim 1 : vector<1600x128xf32>, i32 -> vector<1600x128xf32>
    %slice3A_127 = vector.extract_strided_slice %get3A_119 {offsets = [1, 0], sizes = [1, 128], strides = [1, 1]} : vector<6x128xf32> to vector<1x128xf32>
    %mul3A_128 = vector.broadcast %slice3A_127 : vector<1x128xf32> to vector<1600x128xf32>
    %mul3A_129 = arith.mulf %mul3A_128, %roll3A_126 : vector<1600x128xf32>
    %add3A_130 = arith.addf %mul3A_124, %mul3A_129 : vector<1600x128xf32>
    %slice3A_131 = vector.extract_strided_slice %get3A_119 {offsets = [2, 0], sizes = [1, 128], strides = [1, 1]} : vector<6x128xf32> to vector<1x128xf32>
    %mul3A_132 = vector.broadcast %slice3A_131 : vector<1x128xf32> to vector<1600x128xf32>
    %mul3A_133 = arith.mulf %mul3A_132, %get3A_116 : vector<1600x128xf32>
    %add3A_134 = arith.addf %add3A_130, %mul3A_133 : vector<1600x128xf32>
    %roll3A_135 = arith.constant 127 : i32
    %roll3A_136 = tpu.dynamic_rotate %get3A_116 by %roll3A_135 dim 1 : vector<1600x128xf32>, i32 -> vector<1600x128xf32>
    %slice3A_137 = vector.extract_strided_slice %get3A_119 {offsets = [3, 0], sizes = [1, 128], strides = [1, 1]} : vector<6x128xf32> to vector<1x128xf32>
    %mul3A_138 = vector.broadcast %slice3A_137 : vector<1x128xf32> to vector<1600x128xf32>
    %mul3A_139 = arith.mulf %mul3A_138, %roll3A_136 : vector<1600x128xf32>
    %add3A_140 = arith.addf %add3A_134, %mul3A_139 : vector<1600x128xf32>
    %roll3A_141 = arith.constant 126 : i32
    %roll3A_142 = tpu.dynamic_rotate %get3A_116 by %roll3A_141 dim 1 : vector<1600x128xf32>, i32 -> vector<1600x128xf32>
    %slice3A_143 = vector.extract_strided_slice %get3A_119 {offsets = [4, 0], sizes = [1, 128], strides = [1, 1]} : vector<6x128xf32> to vector<1x128xf32>
    %mul3A_144 = vector.broadcast %slice3A_143 : vector<1x128xf32> to vector<1600x128xf32>
    %mul3A_145 = arith.mulf %mul3A_144, %roll3A_142 : vector<1600x128xf32>
    %add3A_146 = arith.addf %add3A_140, %mul3A_145 : vector<1600x128xf32>
    %roll3A_147 = arith.constant 125 : i32
    %roll3A_148 = tpu.dynamic_rotate %get3A_116 by %roll3A_147 dim 1 : vector<1600x128xf32>, i32 -> vector<1600x128xf32>
    %slice3A_149 = vector.extract_strided_slice %get3A_119 {offsets = [5, 0], sizes = [1, 128], strides = [1, 1]} : vector<6x128xf32> to vector<1x128xf32>
    %mul3A_150 = vector.broadcast %slice3A_149 : vector<1x128xf32> to vector<1600x128xf32>
    %mul3A_151 = arith.mulf %mul3A_150, %roll3A_148 : vector<1600x128xf32>
    %add3A_152 = arith.addf %add3A_146, %mul3A_151 : vector<1600x128xf32>
    %get3A_153 = arith.constant 0 : index
    %get3A_154 = arith.constant 0 : index
    %get3A_155 = vector.load %arg2[%get3A_153, %get3A_154] : memref<1600x128xf32, #tpu.memory_space<vmem>>, vector<1600x128xf32>
    %get3A_156 = arith.constant 0 : index
    %get3A_157 = arith.constant 0 : index
    %get3A_158 = vector.load %arg6[%get3A_156, %get3A_157] : memref<6x128xf32, #tpu.memory_space<vmem>>, vector<6x128xf32>
    %roll3A_159 = arith.constant 2 : i32
    %roll3A_160 = tpu.dynamic_rotate %get3A_155 by %roll3A_159 dim 1 : vector<1600x128xf32>, i32 -> vector<1600x128xf32>
    %slice3A_161 = vector.extract_strided_slice %get3A_158 {offsets = [0, 0], sizes = [1, 128], strides = [1, 1]} : vector<6x128xf32> to vector<1x128xf32>
    %mul3A_162 = vector.broadcast %slice3A_161 : vector<1x128xf32> to vector<1600x128xf32>
    %mul3A_163 = arith.mulf %mul3A_162, %roll3A_160 : vector<1600x128xf32>
    %roll3A_164 = arith.constant 1 : i32
    %roll3A_165 = tpu.dynamic_rotate %get3A_155 by %roll3A_164 dim 1 : vector<1600x128xf32>, i32 -> vector<1600x128xf32>
    %slice3A_166 = vector.extract_strided_slice %get3A_158 {offsets = [1, 0], sizes = [1, 128], strides = [1, 1]} : vector<6x128xf32> to vector<1x128xf32>
    %mul3A_167 = vector.broadcast %slice3A_166 : vector<1x128xf32> to vector<1600x128xf32>
    %mul3A_168 = arith.mulf %mul3A_167, %roll3A_165 : vector<1600x128xf32>
    %add3A_169 = arith.addf %mul3A_163, %mul3A_168 : vector<1600x128xf32>
    %slice3A_170 = vector.extract_strided_slice %get3A_158 {offsets = [2, 0], sizes = [1, 128], strides = [1, 1]} : vector<6x128xf32> to vector<1x128xf32>
    %mul3A_171 = vector.broadcast %slice3A_170 : vector<1x128xf32> to vector<1600x128xf32>
    %mul3A_172 = arith.mulf %mul3A_171, %get3A_155 : vector<1600x128xf32>
    %add3A_173 = arith.addf %add3A_169, %mul3A_172 : vector<1600x128xf32>
    %roll3A_174 = arith.constant 127 : i32
    %roll3A_175 = tpu.dynamic_rotate %get3A_155 by %roll3A_174 dim 1 : vector<1600x128xf32>, i32 -> vector<1600x128xf32>
    %slice3A_176 = vector.extract_strided_slice %get3A_158 {offsets = [3, 0], sizes = [1, 128], strides = [1, 1]} : vector<6x128xf32> to vector<1x128xf32>
    %mul3A_177 = vector.broadcast %slice3A_176 : vector<1x128xf32> to vector<1600x128xf32>
    %mul3A_178 = arith.mulf %mul3A_177, %roll3A_175 : vector<1600x128xf32>
    %add3A_179 = arith.addf %add3A_173, %mul3A_178 : vector<1600x128xf32>
    %roll3A_180 = arith.constant 126 : i32
    %roll3A_181 = tpu.dynamic_rotate %get3A_155 by %roll3A_180 dim 1 : vector<1600x128xf32>, i32 -> vector<1600x128xf32>
    %slice3A_182 = vector.extract_strided_slice %get3A_158 {offsets = [4, 0], sizes = [1, 128], strides = [1, 1]} : vector<6x128xf32> to vector<1x128xf32>
    %mul3A_183 = vector.broadcast %slice3A_182 : vector<1x128xf32> to vector<1600x128xf32>
    %mul3A_184 = arith.mulf %mul3A_183, %roll3A_181 : vector<1600x128xf32>
    %add3A_185 = arith.addf %add3A_179, %mul3A_184 : vector<1600x128xf32>
    %roll3A_186 = arith.constant 125 : i32
    %roll3A_187 = tpu.dynamic_rotate %get3A_155 by %roll3A_186 dim 1 : vector<1600x128xf32>, i32 -> vector<1600x128xf32>
    %slice3A_188 = vector.extract_strided_slice %get3A_158 {offsets = [5, 0], sizes = [1, 128], strides = [1, 1]} : vector<6x128xf32> to vector<1x128xf32>
    %mul3A_189 = vector.broadcast %slice3A_188 : vector<1x128xf32> to vector<1600x128xf32>
    %mul3A_190 = arith.mulf %mul3A_189, %roll3A_187 : vector<1600x128xf32>
    %add3A_191 = arith.addf %add3A_185, %mul3A_190 : vector<1600x128xf32>
    %get3A_192 = arith.constant 0 : index
    %get3A_193 = arith.constant 0 : index
    %get3A_194 = vector.load %arg7[%get3A_192, %get3A_193] : memref<1x128xf32, #tpu.memory_space<vmem>>, vector<1x128xf32>
    %add3A_195 = vector.broadcast %get3A_194 : vector<1x128xf32> to vector<1600x128xf32>
    %add3A_196 = arith.addf %add3A_191, %add3A_195 : vector<1600x128xf32>
    %mul3A_197 = arith.mulf %add3A_113, %add3A_152 : vector<1600x128xf32>
    %add3A_198 = arith.addf %add3A_59, %mul3A_197 : vector<1600x128xf32>
    %div3A = arith.divf %add3A_198, %add3A_196 : vector<1600x128xf32>
    %swap3A = arith.constant 0 : index
    %swap3A_199 = arith.constant 0 : index
    %swap3A_200 = vector.load %arg8[%swap3A, %swap3A_199] : memref<1600x128xf32, #tpu.memory_space<vmem>>, vector<1600x128xf32>
    tpu.vector_store %arg8[%swap3A, %swap3A_199], %div3A {strides = array<i32>} : memref<1600x128xf32, #tpu.memory_space<vmem>>, vector<1600x128xf32>,
    return
  }
  func.func @transform_0(%arg0: i32) -> (i32, i32, i32) {
    %c0_i32 = arith.constant 0 : i32
    %c0_i32_0 = arith.constant 0 : i32
    %c0_i32_1 = arith.constant 0 : i32
    return %c0_i32, %arg0, %c0_i32_0 : i32, i32, i32
  }
  func.func @transform_1(%arg0: i32) -> (i32, i32) {
    %c0_i32 = arith.constant 0 : i32
    %c0_i32_0 = arith.constant 0 : i32
    return %arg0, %c0_i32 : i32, i32
  }
  func.func @transform_2(%arg0: i32) -> (i32, i32) {
    %c0_i32 = arith.constant 0 : i32
    %c0_i32_0 = arith.constant 0 : i32
    %c0_i32_1 = arith.constant 0 : i32
    return %c0_i32, %c0_i32_0 : i32, i32
  }
  func.func @transform_3(%arg0: i32) -> (i32, i32) {
    %c0_i32 = arith.constant 0 : i32
    %c0_i32_0 = arith.constant 0 : i32
    %c0_i32_1 = arith.constant 0 : i32
    return %c0_i32, %c0_i32_0 : i32, i32
  }
  func.func @transform_4(%arg0: i32) -> (i32, i32) {
    %c0_i32 = arith.constant 0 : i32
    %c0_i32_0 = arith.constant 0 : i32
    %c0_i32_1 = arith.constant 0 : i32
    return %c0_i32, %c0_i32_0 : i32, i32
  }
  func.func @transform_5(%arg0: i32) -> (i32, i32) {
    %c0_i32 = arith.constant 0 : i32
    %c0_i32_0 = arith.constant 0 : i32
    %c0_i32_1 = arith.constant 0 : i32
    return %c0_i32, %c0_i32_0 : i32, i32
  }
  func.func @transform_6(%arg0: i32) -> (i32, i32) {
    %c0_i32 = arith.constant 0 : i32
    %c0_i32_0 = arith.constant 0 : i32
    %c0_i32_1 = arith.constant 0 : i32
    return %c0_i32, %c0_i32_0 : i32, i32
  }
  func.func @transform_7(%arg0: i32) -> (i32, i32) {
    %c0_i32 = arith.constant 0 : i32
    %c0_i32_0 = arith.constant 0 : i32
    return %arg0, %c0_i32 : i32, i32
  }
}

module attributes {stable_mosaic.version = 14 : i64} {
  func.func @_s4_body(%arg0: i32, %arg1: memref<2x1600x128xf32, #tpu.memory_space<vmem>>, %arg2: memref<2x1600x128xf32, #tpu.memory_space<vmem>>, %arg3: memref<1600x128xf32, #tpu.memory_space<vmem>>, %arg4: memref<1600x128xf32, #tpu.memory_space<vmem>>, %arg5: memref<6x128xf32, #tpu.memory_space<vmem>>, %arg6: memref<6x128xf32, #tpu.memory_space<vmem>>, %arg7: memref<5x128xf32, #tpu.memory_space<vmem>>, %arg8: memref<5x128xf32, #tpu.memory_space<vmem>>, %arg9: memref<5x128xf32, #tpu.memory_space<vmem>>, %arg10: memref<5x128xf32, #tpu.memory_space<vmem>>, %arg11: memref<1x128xf32, #tpu.memory_space<vmem>>, %arg12: memref<4x128xf32, #tpu.memory_space<vmem>>, %arg13: memref<4x128xf32, #tpu.memory_space<vmem>>, %arg14: memref<4x128xf32, #tpu.memory_space<vmem>>, %arg15: memref<4x128xf32, #tpu.memory_space<vmem>>, %arg16: memref<3x128xf32, #tpu.memory_space<vmem>>, %arg17: memref<1600x128xf32, #tpu.memory_space<vmem>>) attributes {dimension_semantics = [#tpu.dimension_semantics<arbitrary>], iteration_bounds = array<i64: 4>, scalar_prefetch = 0 : i64, scratch_operands = 0 : i64, tpu.core_type = #tpu.core_type<tc>, window_params = [{transform_indices = @transform_0, window_bounds = array<i64: 2, 1600, 128>}, {transform_indices = @transform_1, window_bounds = array<i64: 2, 1600, 128>}, {transform_indices = @transform_2, window_bounds = array<i64: 1600, 128>}, {transform_indices = @transform_3, window_bounds = array<i64: 1600, 128>}, {pipeline_mode = #tpu.pipeline_mode<synchronous>, transform_indices = @transform_4, window_bounds = array<i64: 6, 128>}, {pipeline_mode = #tpu.pipeline_mode<synchronous>, transform_indices = @transform_5, window_bounds = array<i64: 6, 128>}, {pipeline_mode = #tpu.pipeline_mode<synchronous>, transform_indices = @transform_6, window_bounds = array<i64: 5, 128>}, {pipeline_mode = #tpu.pipeline_mode<synchronous>, transform_indices = @transform_7, window_bounds = array<i64: 5, 128>}, {pipeline_mode = #tpu.pipeline_mode<synchronous>, transform_indices = @transform_8, window_bounds = array<i64: 5, 128>}, {pipeline_mode = #tpu.pipeline_mode<synchronous>, transform_indices = @transform_9, window_bounds = array<i64: 5, 128>}, {pipeline_mode = #tpu.pipeline_mode<synchronous>, transform_indices = @transform_10, window_bounds = array<i64: 1, 128>}, {pipeline_mode = #tpu.pipeline_mode<synchronous>, transform_indices = @transform_11, window_bounds = array<i64: 4, 128>}, {pipeline_mode = #tpu.pipeline_mode<synchronous>, transform_indices = @transform_12, window_bounds = array<i64: 4, 128>}, {pipeline_mode = #tpu.pipeline_mode<synchronous>, transform_indices = @transform_13, window_bounds = array<i64: 4, 128>}, {pipeline_mode = #tpu.pipeline_mode<synchronous>, transform_indices = @transform_14, window_bounds = array<i64: 4, 128>}, {pipeline_mode = #tpu.pipeline_mode<synchronous>, transform_indices = @transform_15, window_bounds = array<i64: 3, 128>}, {transform_indices = @transform_16, window_bounds = array<i64: 1600, 128>}]} {
    %get3A = arith.constant 0 : index
    %get3A_0 = arith.constant 0 : index
    %get3A_1 = arith.constant 0 : index
    %get3A_2 = vector.load %arg1[%get3A, %get3A_0, %get3A_1] : memref<2x1600x128xf32, #tpu.memory_space<vmem>>, vector<1x1600x128xf32>
    %get3A_3 = vector.shape_cast %get3A_2 : vector<1x1600x128xf32> to vector<1600x128xf32>
    %get3A_4 = arith.constant 1 : index
    %get3A_5 = arith.constant 0 : index
    %get3A_6 = arith.constant 0 : index
    %get3A_7 = vector.load %arg1[%get3A_4, %get3A_5, %get3A_6] : memref<2x1600x128xf32, #tpu.memory_space<vmem>>, vector<1x1600x128xf32>
    %get3A_8 = vector.shape_cast %get3A_7 : vector<1x1600x128xf32> to vector<1600x128xf32>
    %add3A = arith.addf %get3A_3, %get3A_8 : vector<1600x128xf32>
    %get3A_9 = arith.constant 0 : index
    %get3A_10 = arith.constant 0 : index
    %get3A_11 = arith.constant 0 : index
    %get3A_12 = vector.load %arg2[%get3A_9, %get3A_10, %get3A_11] : memref<2x1600x128xf32, #tpu.memory_space<vmem>>, vector<1x1600x128xf32>
    %get3A_13 = vector.shape_cast %get3A_12 : vector<1x1600x128xf32> to vector<1600x128xf32>
    %get3A_14 = arith.constant 1 : index
    %get3A_15 = arith.constant 0 : index
    %get3A_16 = arith.constant 0 : index
    %get3A_17 = vector.load %arg2[%get3A_14, %get3A_15, %get3A_16] : memref<2x1600x128xf32, #tpu.memory_space<vmem>>, vector<1x1600x128xf32>
    %get3A_18 = vector.shape_cast %get3A_17 : vector<1x1600x128xf32> to vector<1600x128xf32>
    %add3A_19 = arith.addf %get3A_13, %get3A_18 : vector<1600x128xf32>
    %get3A_20 = arith.constant 0 : index
    %get3A_21 = arith.constant 0 : index
    %get3A_22 = vector.load %arg3[%get3A_20, %get3A_21] : memref<1600x128xf32, #tpu.memory_space<vmem>>, vector<1600x128xf32>
    %get3A_23 = arith.constant 0 : index
    %get3A_24 = arith.constant 0 : index
    %get3A_25 = vector.load %arg4[%get3A_23, %get3A_24] : memref<1600x128xf32, #tpu.memory_space<vmem>>, vector<1600x128xf32>
    %get3A_26 = arith.constant 0 : index
    %get3A_27 = arith.constant 0 : index
    %get3A_28 = vector.load %arg5[%get3A_26, %get3A_27] : memref<6x128xf32, #tpu.memory_space<vmem>>, vector<6x128xf32>
    %slice3A = vector.extract_strided_slice %get3A_28 {offsets = [0, 0], sizes = [1, 128], strides = [1, 1]} : vector<6x128xf32> to vector<1x128xf32>
    %mul3A = vector.broadcast %slice3A : vector<1x128xf32> to vector<1600x128xf32>
    %mul3A_29 = arith.mulf %mul3A, %add3A : vector<1600x128xf32>
    %roll3A = arith.constant 127 : i32
    %roll3A_30 = tpu.dynamic_rotate %add3A by %roll3A dim 1 : vector<1600x128xf32>, i32 -> vector<1600x128xf32>
    %slice3A_31 = vector.extract_strided_slice %get3A_28 {offsets = [1, 0], sizes = [1, 128], strides = [1, 1]} : vector<6x128xf32> to vector<1x128xf32>
    %mul3A_32 = vector.broadcast %slice3A_31 : vector<1x128xf32> to vector<1600x128xf32>
    %mul3A_33 = arith.mulf %mul3A_32, %roll3A_30 : vector<1600x128xf32>
    %add3A_34 = arith.addf %mul3A_29, %mul3A_33 : vector<1600x128xf32>
    %roll3A_35 = arith.constant 126 : i32
    %roll3A_36 = tpu.dynamic_rotate %add3A by %roll3A_35 dim 1 : vector<1600x128xf32>, i32 -> vector<1600x128xf32>
    %slice3A_37 = vector.extract_strided_slice %get3A_28 {offsets = [2, 0], sizes = [1, 128], strides = [1, 1]} : vector<6x128xf32> to vector<1x128xf32>
    %mul3A_38 = vector.broadcast %slice3A_37 : vector<1x128xf32> to vector<1600x128xf32>
    %mul3A_39 = arith.mulf %mul3A_38, %roll3A_36 : vector<1600x128xf32>
    %add3A_40 = arith.addf %add3A_34, %mul3A_39 : vector<1600x128xf32>
    %roll3A_41 = arith.constant 125 : i32
    %roll3A_42 = tpu.dynamic_rotate %add3A by %roll3A_41 dim 1 : vector<1600x128xf32>, i32 -> vector<1600x128xf32>
    %slice3A_43 = vector.extract_strided_slice %get3A_28 {offsets = [3, 0], sizes = [1, 128], strides = [1, 1]} : vector<6x128xf32> to vector<1x128xf32>
    %mul3A_44 = vector.broadcast %slice3A_43 : vector<1x128xf32> to vector<1600x128xf32>
    %mul3A_45 = arith.mulf %mul3A_44, %roll3A_42 : vector<1600x128xf32>
    %add3A_46 = arith.addf %add3A_40, %mul3A_45 : vector<1600x128xf32>
    %roll3A_47 = arith.constant 124 : i32
    %roll3A_48 = tpu.dynamic_rotate %add3A by %roll3A_47 dim 1 : vector<1600x128xf32>, i32 -> vector<1600x128xf32>
    %slice3A_49 = vector.extract_strided_slice %get3A_28 {offsets = [4, 0], sizes = [1, 128], strides = [1, 1]} : vector<6x128xf32> to vector<1x128xf32>
    %mul3A_50 = vector.broadcast %slice3A_49 : vector<1x128xf32> to vector<1600x128xf32>
    %mul3A_51 = arith.mulf %mul3A_50, %roll3A_48 : vector<1600x128xf32>
    %add3A_52 = arith.addf %add3A_46, %mul3A_51 : vector<1600x128xf32>
    %roll3A_53 = arith.constant 123 : i32
    %roll3A_54 = tpu.dynamic_rotate %add3A by %roll3A_53 dim 1 : vector<1600x128xf32>, i32 -> vector<1600x128xf32>
    %slice3A_55 = vector.extract_strided_slice %get3A_28 {offsets = [5, 0], sizes = [1, 128], strides = [1, 1]} : vector<6x128xf32> to vector<1x128xf32>
    %mul3A_56 = vector.broadcast %slice3A_55 : vector<1x128xf32> to vector<1600x128xf32>
    %mul3A_57 = arith.mulf %mul3A_56, %roll3A_54 : vector<1600x128xf32>
    %add3A_58 = arith.addf %add3A_52, %mul3A_57 : vector<1600x128xf32>
    %get3A_59 = arith.constant 0 : index
    %get3A_60 = arith.constant 0 : index
    %get3A_61 = vector.load %arg6[%get3A_59, %get3A_60] : memref<6x128xf32, #tpu.memory_space<vmem>>, vector<6x128xf32>
    %slice3A_62 = vector.extract_strided_slice %get3A_61 {offsets = [0, 0], sizes = [1, 128], strides = [1, 1]} : vector<6x128xf32> to vector<1x128xf32>
    %mul3A_63 = vector.broadcast %slice3A_62 : vector<1x128xf32> to vector<1600x128xf32>
    %mul3A_64 = arith.mulf %mul3A_63, %add3A : vector<1600x128xf32>
    %roll3A_65 = arith.constant 127 : i32
    %roll3A_66 = tpu.dynamic_rotate %add3A by %roll3A_65 dim 1 : vector<1600x128xf32>, i32 -> vector<1600x128xf32>
    %slice3A_67 = vector.extract_strided_slice %get3A_61 {offsets = [1, 0], sizes = [1, 128], strides = [1, 1]} : vector<6x128xf32> to vector<1x128xf32>
    %mul3A_68 = vector.broadcast %slice3A_67 : vector<1x128xf32> to vector<1600x128xf32>
    %mul3A_69 = arith.mulf %mul3A_68, %roll3A_66 : vector<1600x128xf32>
    %add3A_70 = arith.addf %mul3A_64, %mul3A_69 : vector<1600x128xf32>
    %roll3A_71 = arith.constant 126 : i32
    %roll3A_72 = tpu.dynamic_rotate %add3A by %roll3A_71 dim 1 : vector<1600x128xf32>, i32 -> vector<1600x128xf32>
    %slice3A_73 = vector.extract_strided_slice %get3A_61 {offsets = [2, 0], sizes = [1, 128], strides = [1, 1]} : vector<6x128xf32> to vector<1x128xf32>
    %mul3A_74 = vector.broadcast %slice3A_73 : vector<1x128xf32> to vector<1600x128xf32>
    %mul3A_75 = arith.mulf %mul3A_74, %roll3A_72 : vector<1600x128xf32>
    %add3A_76 = arith.addf %add3A_70, %mul3A_75 : vector<1600x128xf32>
    %roll3A_77 = arith.constant 125 : i32
    %roll3A_78 = tpu.dynamic_rotate %add3A by %roll3A_77 dim 1 : vector<1600x128xf32>, i32 -> vector<1600x128xf32>
    %slice3A_79 = vector.extract_strided_slice %get3A_61 {offsets = [3, 0], sizes = [1, 128], strides = [1, 1]} : vector<6x128xf32> to vector<1x128xf32>
    %mul3A_80 = vector.broadcast %slice3A_79 : vector<1x128xf32> to vector<1600x128xf32>
    %mul3A_81 = arith.mulf %mul3A_80, %roll3A_78 : vector<1600x128xf32>
    %add3A_82 = arith.addf %add3A_76, %mul3A_81 : vector<1600x128xf32>
    %roll3A_83 = arith.constant 124 : i32
    %roll3A_84 = tpu.dynamic_rotate %add3A by %roll3A_83 dim 1 : vector<1600x128xf32>, i32 -> vector<1600x128xf32>
    %slice3A_85 = vector.extract_strided_slice %get3A_61 {offsets = [4, 0], sizes = [1, 128], strides = [1, 1]} : vector<6x128xf32> to vector<1x128xf32>
    %mul3A_86 = vector.broadcast %slice3A_85 : vector<1x128xf32> to vector<1600x128xf32>
    %mul3A_87 = arith.mulf %mul3A_86, %roll3A_84 : vector<1600x128xf32>
    %add3A_88 = arith.addf %add3A_82, %mul3A_87 : vector<1600x128xf32>
    %roll3A_89 = arith.constant 123 : i32
    %roll3A_90 = tpu.dynamic_rotate %add3A by %roll3A_89 dim 1 : vector<1600x128xf32>, i32 -> vector<1600x128xf32>
    %slice3A_91 = vector.extract_strided_slice %get3A_61 {offsets = [5, 0], sizes = [1, 128], strides = [1, 1]} : vector<6x128xf32> to vector<1x128xf32>
    %mul3A_92 = vector.broadcast %slice3A_91 : vector<1x128xf32> to vector<1600x128xf32>
    %mul3A_93 = arith.mulf %mul3A_92, %roll3A_90 : vector<1600x128xf32>
    %add3A_94 = arith.addf %add3A_88, %mul3A_93 : vector<1600x128xf32>
    %get3A_95 = arith.constant 0 : index
    %get3A_96 = arith.constant 0 : index
    %get3A_97 = vector.load %arg7[%get3A_95, %get3A_96] : memref<5x128xf32, #tpu.memory_space<vmem>>, vector<5x128xf32>
    %roll3A_98 = arith.constant 2 : i32
    %roll3A_99 = tpu.dynamic_rotate %get3A_22 by %roll3A_98 dim 1 : vector<1600x128xf32>, i32 -> vector<1600x128xf32>
    %slice3A_100 = vector.extract_strided_slice %get3A_97 {offsets = [0, 0], sizes = [1, 128], strides = [1, 1]} : vector<5x128xf32> to vector<1x128xf32>
    %mul3A_101 = vector.broadcast %slice3A_100 : vector<1x128xf32> to vector<1600x128xf32>
    %mul3A_102 = arith.mulf %mul3A_101, %roll3A_99 : vector<1600x128xf32>
    %roll3A_103 = arith.constant 1 : i32
    %roll3A_104 = tpu.dynamic_rotate %get3A_22 by %roll3A_103 dim 1 : vector<1600x128xf32>, i32 -> vector<1600x128xf32>
    %slice3A_105 = vector.extract_strided_slice %get3A_97 {offsets = [1, 0], sizes = [1, 128], strides = [1, 1]} : vector<5x128xf32> to vector<1x128xf32>
    %mul3A_106 = vector.broadcast %slice3A_105 : vector<1x128xf32> to vector<1600x128xf32>
    %mul3A_107 = arith.mulf %mul3A_106, %roll3A_104 : vector<1600x128xf32>
    %add3A_108 = arith.addf %mul3A_102, %mul3A_107 : vector<1600x128xf32>
    %slice3A_109 = vector.extract_strided_slice %get3A_97 {offsets = [2, 0], sizes = [1, 128], strides = [1, 1]} : vector<5x128xf32> to vector<1x128xf32>
    %mul3A_110 = vector.broadcast %slice3A_109 : vector<1x128xf32> to vector<1600x128xf32>
    %mul3A_111 = arith.mulf %mul3A_110, %get3A_22 : vector<1600x128xf32>
    %add3A_112 = arith.addf %add3A_108, %mul3A_111 : vector<1600x128xf32>
    %roll3A_113 = arith.constant 127 : i32
    %roll3A_114 = tpu.dynamic_rotate %get3A_22 by %roll3A_113 dim 1 : vector<1600x128xf32>, i32 -> vector<1600x128xf32>
    %slice3A_115 = vector.extract_strided_slice %get3A_97 {offsets = [3, 0], sizes = [1, 128], strides = [1, 1]} : vector<5x128xf32> to vector<1x128xf32>
    %mul3A_116 = vector.broadcast %slice3A_115 : vector<1x128xf32> to vector<1600x128xf32>
    %mul3A_117 = arith.mulf %mul3A_116, %roll3A_114 : vector<1600x128xf32>
    %add3A_118 = arith.addf %add3A_112, %mul3A_117 : vector<1600x128xf32>
    %roll3A_119 = arith.constant 126 : i32
    %roll3A_120 = tpu.dynamic_rotate %get3A_22 by %roll3A_119 dim 1 : vector<1600x128xf32>, i32 -> vector<1600x128xf32>
    %slice3A_121 = vector.extract_strided_slice %get3A_97 {offsets = [4, 0], sizes = [1, 128], strides = [1, 1]} : vector<5x128xf32> to vector<1x128xf32>
    %mul3A_122 = vector.broadcast %slice3A_121 : vector<1x128xf32> to vector<1600x128xf32>
    %mul3A_123 = arith.mulf %mul3A_122, %roll3A_120 : vector<1600x128xf32>
    %add3A_124 = arith.addf %add3A_118, %mul3A_123 : vector<1600x128xf32>
    %get3A_125 = arith.constant 0 : index
    %get3A_126 = arith.constant 0 : index
    %get3A_127 = vector.load %arg8[%get3A_125, %get3A_126] : memref<5x128xf32, #tpu.memory_space<vmem>>, vector<5x128xf32>
    %roll3A_128 = arith.constant 2 : i32
    %roll3A_129 = tpu.dynamic_rotate %get3A_22 by %roll3A_128 dim 1 : vector<1600x128xf32>, i32 -> vector<1600x128xf32>
    %slice3A_130 = vector.extract_strided_slice %get3A_127 {offsets = [0, 0], sizes = [1, 128], strides = [1, 1]} : vector<5x128xf32> to vector<1x128xf32>
    %mul3A_131 = vector.broadcast %slice3A_130 : vector<1x128xf32> to vector<1600x128xf32>
    %mul3A_132 = arith.mulf %mul3A_131, %roll3A_129 : vector<1600x128xf32>
    %roll3A_133 = arith.constant 1 : i32
    %roll3A_134 = tpu.dynamic_rotate %get3A_22 by %roll3A_133 dim 1 : vector<1600x128xf32>, i32 -> vector<1600x128xf32>
    %slice3A_135 = vector.extract_strided_slice %get3A_127 {offsets = [1, 0], sizes = [1, 128], strides = [1, 1]} : vector<5x128xf32> to vector<1x128xf32>
    %mul3A_136 = vector.broadcast %slice3A_135 : vector<1x128xf32> to vector<1600x128xf32>
    %mul3A_137 = arith.mulf %mul3A_136, %roll3A_134 : vector<1600x128xf32>
    %add3A_138 = arith.addf %mul3A_132, %mul3A_137 : vector<1600x128xf32>
    %slice3A_139 = vector.extract_strided_slice %get3A_127 {offsets = [2, 0], sizes = [1, 128], strides = [1, 1]} : vector<5x128xf32> to vector<1x128xf32>
    %mul3A_140 = vector.broadcast %slice3A_139 : vector<1x128xf32> to vector<1600x128xf32>
    %mul3A_141 = arith.mulf %mul3A_140, %get3A_22 : vector<1600x128xf32>
    %add3A_142 = arith.addf %add3A_138, %mul3A_141 : vector<1600x128xf32>
    %roll3A_143 = arith.constant 127 : i32
    %roll3A_144 = tpu.dynamic_rotate %get3A_22 by %roll3A_143 dim 1 : vector<1600x128xf32>, i32 -> vector<1600x128xf32>
    %slice3A_145 = vector.extract_strided_slice %get3A_127 {offsets = [3, 0], sizes = [1, 128], strides = [1, 1]} : vector<5x128xf32> to vector<1x128xf32>
    %mul3A_146 = vector.broadcast %slice3A_145 : vector<1x128xf32> to vector<1600x128xf32>
    %mul3A_147 = arith.mulf %mul3A_146, %roll3A_144 : vector<1600x128xf32>
    %add3A_148 = arith.addf %add3A_142, %mul3A_147 : vector<1600x128xf32>
    %roll3A_149 = arith.constant 126 : i32
    %roll3A_150 = tpu.dynamic_rotate %get3A_22 by %roll3A_149 dim 1 : vector<1600x128xf32>, i32 -> vector<1600x128xf32>
    %slice3A_151 = vector.extract_strided_slice %get3A_127 {offsets = [4, 0], sizes = [1, 128], strides = [1, 1]} : vector<5x128xf32> to vector<1x128xf32>
    %mul3A_152 = vector.broadcast %slice3A_151 : vector<1x128xf32> to vector<1600x128xf32>
    %mul3A_153 = arith.mulf %mul3A_152, %roll3A_150 : vector<1600x128xf32>
    %add3A_154 = arith.addf %add3A_148, %mul3A_153 : vector<1600x128xf32>
    %get3A_155 = arith.constant 0 : index
    %get3A_156 = arith.constant 0 : index
    %get3A_157 = vector.load %arg9[%get3A_155, %get3A_156] : memref<5x128xf32, #tpu.memory_space<vmem>>, vector<5x128xf32>
    %roll3A_158 = arith.constant 2 : i32
    %roll3A_159 = tpu.dynamic_rotate %get3A_22 by %roll3A_158 dim 1 : vector<1600x128xf32>, i32 -> vector<1600x128xf32>
    %slice3A_160 = vector.extract_strided_slice %get3A_157 {offsets = [0, 0], sizes = [1, 128], strides = [1, 1]} : vector<5x128xf32> to vector<1x128xf32>
    %mul3A_161 = vector.broadcast %slice3A_160 : vector<1x128xf32> to vector<1600x128xf32>
    %mul3A_162 = arith.mulf %mul3A_161, %roll3A_159 : vector<1600x128xf32>
    %roll3A_163 = arith.constant 1 : i32
    %roll3A_164 = tpu.dynamic_rotate %get3A_22 by %roll3A_163 dim 1 : vector<1600x128xf32>, i32 -> vector<1600x128xf32>
    %slice3A_165 = vector.extract_strided_slice %get3A_157 {offsets = [1, 0], sizes = [1, 128], strides = [1, 1]} : vector<5x128xf32> to vector<1x128xf32>
    %mul3A_166 = vector.broadcast %slice3A_165 : vector<1x128xf32> to vector<1600x128xf32>
    %mul3A_167 = arith.mulf %mul3A_166, %roll3A_164 : vector<1600x128xf32>
    %add3A_168 = arith.addf %mul3A_162, %mul3A_167 : vector<1600x128xf32>
    %slice3A_169 = vector.extract_strided_slice %get3A_157 {offsets = [2, 0], sizes = [1, 128], strides = [1, 1]} : vector<5x128xf32> to vector<1x128xf32>
    %mul3A_170 = vector.broadcast %slice3A_169 : vector<1x128xf32> to vector<1600x128xf32>
    %mul3A_171 = arith.mulf %mul3A_170, %get3A_22 : vector<1600x128xf32>
    %add3A_172 = arith.addf %add3A_168, %mul3A_171 : vector<1600x128xf32>
    %roll3A_173 = arith.constant 127 : i32
    %roll3A_174 = tpu.dynamic_rotate %get3A_22 by %roll3A_173 dim 1 : vector<1600x128xf32>, i32 -> vector<1600x128xf32>
    %slice3A_175 = vector.extract_strided_slice %get3A_157 {offsets = [3, 0], sizes = [1, 128], strides = [1, 1]} : vector<5x128xf32> to vector<1x128xf32>
    %mul3A_176 = vector.broadcast %slice3A_175 : vector<1x128xf32> to vector<1600x128xf32>
    %mul3A_177 = arith.mulf %mul3A_176, %roll3A_174 : vector<1600x128xf32>
    %add3A_178 = arith.addf %add3A_172, %mul3A_177 : vector<1600x128xf32>
    %roll3A_179 = arith.constant 126 : i32
    %roll3A_180 = tpu.dynamic_rotate %get3A_22 by %roll3A_179 dim 1 : vector<1600x128xf32>, i32 -> vector<1600x128xf32>
    %slice3A_181 = vector.extract_strided_slice %get3A_157 {offsets = [4, 0], sizes = [1, 128], strides = [1, 1]} : vector<5x128xf32> to vector<1x128xf32>
    %mul3A_182 = vector.broadcast %slice3A_181 : vector<1x128xf32> to vector<1600x128xf32>
    %mul3A_183 = arith.mulf %mul3A_182, %roll3A_180 : vector<1600x128xf32>
    %add3A_184 = arith.addf %add3A_178, %mul3A_183 : vector<1600x128xf32>
    %get3A_185 = arith.constant 0 : index
    %get3A_186 = arith.constant 0 : index
    %get3A_187 = vector.load %arg11[%get3A_185, %get3A_186] : memref<1x128xf32, #tpu.memory_space<vmem>>, vector<1x128xf32>
    %add3A_188 = vector.broadcast %get3A_187 : vector<1x128xf32> to vector<1600x128xf32>
    %add3A_189 = arith.addf %add3A_184, %add3A_188 : vector<1600x128xf32>
    %get3A_190 = arith.constant 0 : index
    %get3A_191 = arith.constant 0 : index
    %get3A_192 = vector.load %arg10[%get3A_190, %get3A_191] : memref<5x128xf32, #tpu.memory_space<vmem>>, vector<5x128xf32>
    %roll3A_193 = arith.constant 2 : i32
    %roll3A_194 = tpu.dynamic_rotate %get3A_22 by %roll3A_193 dim 1 : vector<1600x128xf32>, i32 -> vector<1600x128xf32>
    %slice3A_195 = vector.extract_strided_slice %get3A_192 {offsets = [0, 0], sizes = [1, 128], strides = [1, 1]} : vector<5x128xf32> to vector<1x128xf32>
    %mul3A_196 = vector.broadcast %slice3A_195 : vector<1x128xf32> to vector<1600x128xf32>
    %mul3A_197 = arith.mulf %mul3A_196, %roll3A_194 : vector<1600x128xf32>
    %roll3A_198 = arith.constant 1 : i32
    %roll3A_199 = tpu.dynamic_rotate %get3A_22 by %roll3A_198 dim 1 : vector<1600x128xf32>, i32 -> vector<1600x128xf32>
    %slice3A_200 = vector.extract_strided_slice %get3A_192 {offsets = [1, 0], sizes = [1, 128], strides = [1, 1]} : vector<5x128xf32> to vector<1x128xf32>
    %mul3A_201 = vector.broadcast %slice3A_200 : vector<1x128xf32> to vector<1600x128xf32>
    %mul3A_202 = arith.mulf %mul3A_201, %roll3A_199 : vector<1600x128xf32>
    %add3A_203 = arith.addf %mul3A_197, %mul3A_202 : vector<1600x128xf32>
    %slice3A_204 = vector.extract_strided_slice %get3A_192 {offsets = [2, 0], sizes = [1, 128], strides = [1, 1]} : vector<5x128xf32> to vector<1x128xf32>
    %mul3A_205 = vector.broadcast %slice3A_204 : vector<1x128xf32> to vector<1600x128xf32>
    %mul3A_206 = arith.mulf %mul3A_205, %get3A_22 : vector<1600x128xf32>
    %add3A_207 = arith.addf %add3A_203, %mul3A_206 : vector<1600x128xf32>
    %roll3A_208 = arith.constant 127 : i32
    %roll3A_209 = tpu.dynamic_rotate %get3A_22 by %roll3A_208 dim 1 : vector<1600x128xf32>, i32 -> vector<1600x128xf32>
    %slice3A_210 = vector.extract_strided_slice %get3A_192 {offsets = [3, 0], sizes = [1, 128], strides = [1, 1]} : vector<5x128xf32> to vector<1x128xf32>
    %mul3A_211 = vector.broadcast %slice3A_210 : vector<1x128xf32> to vector<1600x128xf32>
    %mul3A_212 = arith.mulf %mul3A_211, %roll3A_209 : vector<1600x128xf32>
    %add3A_213 = arith.addf %add3A_207, %mul3A_212 : vector<1600x128xf32>
    %roll3A_214 = arith.constant 126 : i32
    %roll3A_215 = tpu.dynamic_rotate %get3A_22 by %roll3A_214 dim 1 : vector<1600x128xf32>, i32 -> vector<1600x128xf32>
    %slice3A_216 = vector.extract_strided_slice %get3A_192 {offsets = [4, 0], sizes = [1, 128], strides = [1, 1]} : vector<5x128xf32> to vector<1x128xf32>
    %mul3A_217 = vector.broadcast %slice3A_216 : vector<1x128xf32> to vector<1600x128xf32>
    %mul3A_218 = arith.mulf %mul3A_217, %roll3A_215 : vector<1600x128xf32>
    %add3A_219 = arith.addf %add3A_213, %mul3A_218 : vector<1600x128xf32>
    %get3A_220 = arith.constant 0 : index
    %get3A_221 = arith.constant 0 : index
    %get3A_222 = vector.load %arg12[%get3A_220, %get3A_221] : memref<4x128xf32, #tpu.memory_space<vmem>>, vector<4x128xf32>
    %roll3A_223 = arith.constant 1 : i32
    %roll3A_224 = tpu.dynamic_rotate %get3A_25 by %roll3A_223 dim 1 : vector<1600x128xf32>, i32 -> vector<1600x128xf32>
    %slice3A_225 = vector.extract_strided_slice %get3A_222 {offsets = [0, 0], sizes = [1, 128], strides = [1, 1]} : vector<4x128xf32> to vector<1x128xf32>
    %mul3A_226 = vector.broadcast %slice3A_225 : vector<1x128xf32> to vector<1600x128xf32>
    %mul3A_227 = arith.mulf %mul3A_226, %roll3A_224 : vector<1600x128xf32>
    %slice3A_228 = vector.extract_strided_slice %get3A_222 {offsets = [1, 0], sizes = [1, 128], strides = [1, 1]} : vector<4x128xf32> to vector<1x128xf32>
    %mul3A_229 = vector.broadcast %slice3A_228 : vector<1x128xf32> to vector<1600x128xf32>
    %mul3A_230 = arith.mulf %mul3A_229, %get3A_25 : vector<1600x128xf32>
    %add3A_231 = arith.addf %mul3A_227, %mul3A_230 : vector<1600x128xf32>
    %roll3A_232 = arith.constant 127 : i32
    %roll3A_233 = tpu.dynamic_rotate %get3A_25 by %roll3A_232 dim 1 : vector<1600x128xf32>, i32 -> vector<1600x128xf32>
    %slice3A_234 = vector.extract_strided_slice %get3A_222 {offsets = [2, 0], sizes = [1, 128], strides = [1, 1]} : vector<4x128xf32> to vector<1x128xf32>
    %mul3A_235 = vector.broadcast %slice3A_234 : vector<1x128xf32> to vector<1600x128xf32>
    %mul3A_236 = arith.mulf %mul3A_235, %roll3A_233 : vector<1600x128xf32>
    %add3A_237 = arith.addf %add3A_231, %mul3A_236 : vector<1600x128xf32>
    %roll3A_238 = arith.constant 125 : i32
    %roll3A_239 = tpu.dynamic_rotate %get3A_25 by %roll3A_238 dim 1 : vector<1600x128xf32>, i32 -> vector<1600x128xf32>
    %slice3A_240 = vector.extract_strided_slice %get3A_222 {offsets = [3, 0], sizes = [1, 128], strides = [1, 1]} : vector<4x128xf32> to vector<1x128xf32>
    %mul3A_241 = vector.broadcast %slice3A_240 : vector<1x128xf32> to vector<1600x128xf32>
    %mul3A_242 = arith.mulf %mul3A_241, %roll3A_239 : vector<1600x128xf32>
    %add3A_243 = arith.addf %add3A_237, %mul3A_242 : vector<1600x128xf32>
    %get3A_244 = arith.constant 0 : index
    %get3A_245 = arith.constant 0 : index
    %get3A_246 = vector.load %arg13[%get3A_244, %get3A_245] : memref<4x128xf32, #tpu.memory_space<vmem>>, vector<4x128xf32>
    %roll3A_247 = arith.constant 1 : i32
    %roll3A_248 = tpu.dynamic_rotate %get3A_25 by %roll3A_247 dim 1 : vector<1600x128xf32>, i32 -> vector<1600x128xf32>
    %slice3A_249 = vector.extract_strided_slice %get3A_246 {offsets = [0, 0], sizes = [1, 128], strides = [1, 1]} : vector<4x128xf32> to vector<1x128xf32>
    %mul3A_250 = vector.broadcast %slice3A_249 : vector<1x128xf32> to vector<1600x128xf32>
    %mul3A_251 = arith.mulf %mul3A_250, %roll3A_248 : vector<1600x128xf32>
    %slice3A_252 = vector.extract_strided_slice %get3A_246 {offsets = [1, 0], sizes = [1, 128], strides = [1, 1]} : vector<4x128xf32> to vector<1x128xf32>
    %mul3A_253 = vector.broadcast %slice3A_252 : vector<1x128xf32> to vector<1600x128xf32>
    %mul3A_254 = arith.mulf %mul3A_253, %get3A_25 : vector<1600x128xf32>
    %add3A_255 = arith.addf %mul3A_251, %mul3A_254 : vector<1600x128xf32>
    %roll3A_256 = arith.constant 127 : i32
    %roll3A_257 = tpu.dynamic_rotate %get3A_25 by %roll3A_256 dim 1 : vector<1600x128xf32>, i32 -> vector<1600x128xf32>
    %slice3A_258 = vector.extract_strided_slice %get3A_246 {offsets = [2, 0], sizes = [1, 128], strides = [1, 1]} : vector<4x128xf32> to vector<1x128xf32>
    %mul3A_259 = vector.broadcast %slice3A_258 : vector<1x128xf32> to vector<1600x128xf32>
    %mul3A_260 = arith.mulf %mul3A_259, %roll3A_257 : vector<1600x128xf32>
    %add3A_261 = arith.addf %add3A_255, %mul3A_260 : vector<1600x128xf32>
    %roll3A_262 = arith.constant 125 : i32
    %roll3A_263 = tpu.dynamic_rotate %get3A_25 by %roll3A_262 dim 1 : vector<1600x128xf32>, i32 -> vector<1600x128xf32>
    %slice3A_264 = vector.extract_strided_slice %get3A_246 {offsets = [3, 0], sizes = [1, 128], strides = [1, 1]} : vector<4x128xf32> to vector<1x128xf32>
    %mul3A_265 = vector.broadcast %slice3A_264 : vector<1x128xf32> to vector<1600x128xf32>
    %mul3A_266 = arith.mulf %mul3A_265, %roll3A_263 : vector<1600x128xf32>
    %add3A_267 = arith.addf %add3A_261, %mul3A_266 : vector<1600x128xf32>
    %get3A_268 = arith.constant 0 : index
    %get3A_269 = arith.constant 0 : index
    %get3A_270 = vector.load %arg14[%get3A_268, %get3A_269] : memref<4x128xf32, #tpu.memory_space<vmem>>, vector<4x128xf32>
    %roll3A_271 = arith.constant 1 : i32
    %roll3A_272 = tpu.dynamic_rotate %get3A_25 by %roll3A_271 dim 1 : vector<1600x128xf32>, i32 -> vector<1600x128xf32>
    %slice3A_273 = vector.extract_strided_slice %get3A_270 {offsets = [0, 0], sizes = [1, 128], strides = [1, 1]} : vector<4x128xf32> to vector<1x128xf32>
    %mul3A_274 = vector.broadcast %slice3A_273 : vector<1x128xf32> to vector<1600x128xf32>
    %mul3A_275 = arith.mulf %mul3A_274, %roll3A_272 : vector<1600x128xf32>
    %slice3A_276 = vector.extract_strided_slice %get3A_270 {offsets = [1, 0], sizes = [1, 128], strides = [1, 1]} : vector<4x128xf32> to vector<1x128xf32>
    %mul3A_277 = vector.broadcast %slice3A_276 : vector<1x128xf32> to vector<1600x128xf32>
    %mul3A_278 = arith.mulf %mul3A_277, %get3A_25 : vector<1600x128xf32>
    %add3A_279 = arith.addf %mul3A_275, %mul3A_278 : vector<1600x128xf32>
    %roll3A_280 = arith.constant 127 : i32
    %roll3A_281 = tpu.dynamic_rotate %get3A_25 by %roll3A_280 dim 1 : vector<1600x128xf32>, i32 -> vector<1600x128xf32>
    %slice3A_282 = vector.extract_strided_slice %get3A_270 {offsets = [2, 0], sizes = [1, 128], strides = [1, 1]} : vector<4x128xf32> to vector<1x128xf32>
    %mul3A_283 = vector.broadcast %slice3A_282 : vector<1x128xf32> to vector<1600x128xf32>
    %mul3A_284 = arith.mulf %mul3A_283, %roll3A_281 : vector<1600x128xf32>
    %add3A_285 = arith.addf %add3A_279, %mul3A_284 : vector<1600x128xf32>
    %roll3A_286 = arith.constant 125 : i32
    %roll3A_287 = tpu.dynamic_rotate %get3A_25 by %roll3A_286 dim 1 : vector<1600x128xf32>, i32 -> vector<1600x128xf32>
    %slice3A_288 = vector.extract_strided_slice %get3A_270 {offsets = [3, 0], sizes = [1, 128], strides = [1, 1]} : vector<4x128xf32> to vector<1x128xf32>
    %mul3A_289 = vector.broadcast %slice3A_288 : vector<1x128xf32> to vector<1600x128xf32>
    %mul3A_290 = arith.mulf %mul3A_289, %roll3A_287 : vector<1600x128xf32>
    %add3A_291 = arith.addf %add3A_285, %mul3A_290 : vector<1600x128xf32>
    %get3A_292 = arith.constant 0 : index
    %get3A_293 = arith.constant 0 : index
    %get3A_294 = vector.load %arg15[%get3A_292, %get3A_293] : memref<4x128xf32, #tpu.memory_space<vmem>>, vector<4x128xf32>
    %roll3A_295 = arith.constant 1 : i32
    %roll3A_296 = tpu.dynamic_rotate %get3A_25 by %roll3A_295 dim 1 : vector<1600x128xf32>, i32 -> vector<1600x128xf32>
    %slice3A_297 = vector.extract_strided_slice %get3A_294 {offsets = [0, 0], sizes = [1, 128], strides = [1, 1]} : vector<4x128xf32> to vector<1x128xf32>
    %mul3A_298 = vector.broadcast %slice3A_297 : vector<1x128xf32> to vector<1600x128xf32>
    %mul3A_299 = arith.mulf %mul3A_298, %roll3A_296 : vector<1600x128xf32>
    %slice3A_300 = vector.extract_strided_slice %get3A_294 {offsets = [1, 0], sizes = [1, 128], strides = [1, 1]} : vector<4x128xf32> to vector<1x128xf32>
    %mul3A_301 = vector.broadcast %slice3A_300 : vector<1x128xf32> to vector<1600x128xf32>
    %mul3A_302 = arith.mulf %mul3A_301, %get3A_25 : vector<1600x128xf32>
    %add3A_303 = arith.addf %mul3A_299, %mul3A_302 : vector<1600x128xf32>
    %roll3A_304 = arith.constant 127 : i32
    %roll3A_305 = tpu.dynamic_rotate %get3A_25 by %roll3A_304 dim 1 : vector<1600x128xf32>, i32 -> vector<1600x128xf32>
    %slice3A_306 = vector.extract_strided_slice %get3A_294 {offsets = [2, 0], sizes = [1, 128], strides = [1, 1]} : vector<4x128xf32> to vector<1x128xf32>
    %mul3A_307 = vector.broadcast %slice3A_306 : vector<1x128xf32> to vector<1600x128xf32>
    %mul3A_308 = arith.mulf %mul3A_307, %roll3A_305 : vector<1600x128xf32>
    %add3A_309 = arith.addf %add3A_303, %mul3A_308 : vector<1600x128xf32>
    %roll3A_310 = arith.constant 125 : i32
    %roll3A_311 = tpu.dynamic_rotate %get3A_25 by %roll3A_310 dim 1 : vector<1600x128xf32>, i32 -> vector<1600x128xf32>
    %slice3A_312 = vector.extract_strided_slice %get3A_294 {offsets = [3, 0], sizes = [1, 128], strides = [1, 1]} : vector<4x128xf32> to vector<1x128xf32>
    %mul3A_313 = vector.broadcast %slice3A_312 : vector<1x128xf32> to vector<1600x128xf32>
    %mul3A_314 = arith.mulf %mul3A_313, %roll3A_311 : vector<1600x128xf32>
    %add3A_315 = arith.addf %add3A_309, %mul3A_314 : vector<1600x128xf32>
    %get3A_316 = arith.constant 0 : index
    %get3A_317 = arith.constant 0 : index
    %get3A_318 = vector.load %arg16[%get3A_316, %get3A_317] : memref<3x128xf32, #tpu.memory_space<vmem>>, vector<3x128xf32>
    %roll3A_319 = arith.constant 1 : i32
    %roll3A_320 = tpu.dynamic_rotate %add3A_19 by %roll3A_319 dim 1 : vector<1600x128xf32>, i32 -> vector<1600x128xf32>
    %slice3A_321 = vector.extract_strided_slice %get3A_318 {offsets = [0, 0], sizes = [1, 128], strides = [1, 1]} : vector<3x128xf32> to vector<1x128xf32>
    %mul3A_322 = vector.broadcast %slice3A_321 : vector<1x128xf32> to vector<1600x128xf32>
    %mul3A_323 = arith.mulf %mul3A_322, %roll3A_320 : vector<1600x128xf32>
    %slice3A_324 = vector.extract_strided_slice %get3A_318 {offsets = [1, 0], sizes = [1, 128], strides = [1, 1]} : vector<3x128xf32> to vector<1x128xf32>
    %mul3A_325 = vector.broadcast %slice3A_324 : vector<1x128xf32> to vector<1600x128xf32>
    %mul3A_326 = arith.mulf %mul3A_325, %add3A_19 : vector<1600x128xf32>
    %add3A_327 = arith.addf %mul3A_323, %mul3A_326 : vector<1600x128xf32>
    %roll3A_328 = arith.constant 127 : i32
    %roll3A_329 = tpu.dynamic_rotate %add3A_19 by %roll3A_328 dim 1 : vector<1600x128xf32>, i32 -> vector<1600x128xf32>
    %slice3A_330 = vector.extract_strided_slice %get3A_318 {offsets = [2, 0], sizes = [1, 128], strides = [1, 1]} : vector<3x128xf32> to vector<1x128xf32>
    %mul3A_331 = vector.broadcast %slice3A_330 : vector<1x128xf32> to vector<1600x128xf32>
    %mul3A_332 = arith.mulf %mul3A_331, %roll3A_329 : vector<1600x128xf32>
    %add3A_333 = arith.addf %add3A_327, %mul3A_332 : vector<1600x128xf32>
    %mul3A_334 = arith.mulf %add3A_124, %add3A_267 : vector<1600x128xf32>
    %add3A_335 = arith.addf %add3A_243, %mul3A_334 : vector<1600x128xf32>
    %mul3A_336 = arith.mulf %add3A_154, %add3A_291 : vector<1600x128xf32>
    %add3A_337 = arith.addf %add3A_335, %mul3A_336 : vector<1600x128xf32>
    %add3A_338 = arith.addf %add3A_58, %add3A_333 : vector<1600x128xf32>
    %add3A_339 = arith.addf %add3A_219, %add3A_315 : vector<1600x128xf32>
    %mul3A_340 = arith.mulf %add3A_94, %add3A_339 : vector<1600x128xf32>
    %add3A_341 = arith.addf %add3A_338, %mul3A_340 : vector<1600x128xf32>
    %div3A = arith.divf %add3A_341, %add3A_189 : vector<1600x128xf32>
    %add3A_342 = arith.addf %add3A_337, %div3A : vector<1600x128xf32>
    %swap3A = arith.constant 0 : index
    %swap3A_343 = arith.constant 0 : index
    %swap3A_344 = vector.load %arg17[%swap3A, %swap3A_343] : memref<1600x128xf32, #tpu.memory_space<vmem>>, vector<1600x128xf32>
    tpu.vector_store %arg17[%swap3A, %swap3A_343], %add3A_342 {strides = array<i32>} : memref<1600x128xf32, #tpu.memory_space<vmem>>, vector<1600x128xf32>,
    return
  }
  func.func @transform_0(%arg0: i32) -> (i32, i32, i32) {
    %c0_i32 = arith.constant 0 : i32
    %c0_i32_0 = arith.constant 0 : i32
    %c0_i32_1 = arith.constant 0 : i32
    return %c0_i32, %arg0, %c0_i32_0 : i32, i32, i32
  }
  func.func @transform_1(%arg0: i32) -> (i32, i32, i32) {
    %c0_i32 = arith.constant 0 : i32
    %c0_i32_0 = arith.constant 0 : i32
    %c0_i32_1 = arith.constant 0 : i32
    return %c0_i32, %arg0, %c0_i32_0 : i32, i32, i32
  }
  func.func @transform_2(%arg0: i32) -> (i32, i32) {
    %c0_i32 = arith.constant 0 : i32
    %c0_i32_0 = arith.constant 0 : i32
    return %arg0, %c0_i32 : i32, i32
  }
  func.func @transform_3(%arg0: i32) -> (i32, i32) {
    %c0_i32 = arith.constant 0 : i32
    %c0_i32_0 = arith.constant 0 : i32
    return %arg0, %c0_i32 : i32, i32
  }
  func.func @transform_4(%arg0: i32) -> (i32, i32) {
    %c0_i32 = arith.constant 0 : i32
    %c0_i32_0 = arith.constant 0 : i32
    %c0_i32_1 = arith.constant 0 : i32
    return %c0_i32, %c0_i32_0 : i32, i32
  }
  func.func @transform_5(%arg0: i32) -> (i32, i32) {
    %c0_i32 = arith.constant 0 : i32
    %c0_i32_0 = arith.constant 0 : i32
    %c0_i32_1 = arith.constant 0 : i32
    return %c0_i32, %c0_i32_0 : i32, i32
  }
  func.func @transform_6(%arg0: i32) -> (i32, i32) {
    %c0_i32 = arith.constant 0 : i32
    %c0_i32_0 = arith.constant 0 : i32
    %c0_i32_1 = arith.constant 0 : i32
    return %c0_i32, %c0_i32_0 : i32, i32
  }
  func.func @transform_7(%arg0: i32) -> (i32, i32) {
    %c0_i32 = arith.constant 0 : i32
    %c0_i32_0 = arith.constant 0 : i32
    %c0_i32_1 = arith.constant 0 : i32
    return %c0_i32, %c0_i32_0 : i32, i32
  }
  func.func @transform_8(%arg0: i32) -> (i32, i32) {
    %c0_i32 = arith.constant 0 : i32
    %c0_i32_0 = arith.constant 0 : i32
    %c0_i32_1 = arith.constant 0 : i32
    return %c0_i32, %c0_i32_0 : i32, i32
  }
  func.func @transform_9(%arg0: i32) -> (i32, i32) {
    %c0_i32 = arith.constant 0 : i32
    %c0_i32_0 = arith.constant 0 : i32
    %c0_i32_1 = arith.constant 0 : i32
    return %c0_i32, %c0_i32_0 : i32, i32
  }
  func.func @transform_10(%arg0: i32) -> (i32, i32) {
    %c0_i32 = arith.constant 0 : i32
    %c0_i32_0 = arith.constant 0 : i32
    %c0_i32_1 = arith.constant 0 : i32
    return %c0_i32, %c0_i32_0 : i32, i32
  }
  func.func @transform_11(%arg0: i32) -> (i32, i32) {
    %c0_i32 = arith.constant 0 : i32
    %c0_i32_0 = arith.constant 0 : i32
    %c0_i32_1 = arith.constant 0 : i32
    return %c0_i32, %c0_i32_0 : i32, i32
  }
  func.func @transform_12(%arg0: i32) -> (i32, i32) {
    %c0_i32 = arith.constant 0 : i32
    %c0_i32_0 = arith.constant 0 : i32
    %c0_i32_1 = arith.constant 0 : i32
    return %c0_i32, %c0_i32_0 : i32, i32
  }
  func.func @transform_13(%arg0: i32) -> (i32, i32) {
    %c0_i32 = arith.constant 0 : i32
    %c0_i32_0 = arith.constant 0 : i32
    %c0_i32_1 = arith.constant 0 : i32
    return %c0_i32, %c0_i32_0 : i32, i32
  }
  func.func @transform_14(%arg0: i32) -> (i32, i32) {
    %c0_i32 = arith.constant 0 : i32
    %c0_i32_0 = arith.constant 0 : i32
    %c0_i32_1 = arith.constant 0 : i32
    return %c0_i32, %c0_i32_0 : i32, i32
  }
  func.func @transform_15(%arg0: i32) -> (i32, i32) {
    %c0_i32 = arith.constant 0 : i32
    %c0_i32_0 = arith.constant 0 : i32
    %c0_i32_1 = arith.constant 0 : i32
    return %c0_i32, %c0_i32_0 : i32, i32
  }
  func.func @transform_16(%arg0: i32) -> (i32, i32) {
    %c0_i32 = arith.constant 0 : i32
    %c0_i32_0 = arith.constant 0 : i32
    return %arg0, %c0_i32 : i32, i32
  }
}

</mosaic_0001>

<sc_bundles>
// kernel: kernel.6.cloned.1.call-start
scs
__scs_entry_jumppad:
0x0: {  	(pc) =	sbr.rel $0x88, $3  }
0x1: {  	(tag) =	ssettag $0x0;
	lr =	simm.s32 $0x1  }
0x2: {  	[smem:$0x3F9B] =	sst lr;
	_ =	strace $0xD0000000  }
0x3: {  	_ = 	snop  }
0x4: {  	_ = 	snop  }
0x5: {  	_ = 	snop  }
0x6: {  	_ = 	snop  }
0x7: {  	_ = 	snop  }
__scs_overlays_trampoline_lowered:
0x8: {  	[smem:$0x3FAA] =	sst s0  }
0x9: {  	[smem:$0x3FAB] =	sst s1  }
0xa: {  	[smem:$0x3FAC] =	sst s2  }
0xb: {  	[smem:$0x3FAD] =	sst s3  }
0xc: {  	[smem:$0x3FAE] =	sst s4  }
0xd: {  	[smem:$0x3FAF] =	sst s5  }
0xe: {  	[smem:$0x3FB0] =	sst s6  }
0xf: {  	[smem:$0x3FB1] =	sst s7  }
0x10: {  	[smem:$0x3FB2] =	sst s8  }
0x11: {  	[smem:$0x3FB3] =	sst s9;
	s0 =	simm.s32 @!p0 $0x0  }
0x12: {  	s1 =	sld [smem:$0x3F99];
	s0 =	simm.s32 @p0 $0x1  }
0x13: {  	[smem:$0x3FB4] =	sst s0;
	s0 =	simm.s32 @!p1 $0x0  }
0x14: {  	s2 =	sld [smem:$0x3F98];
	s0 =	simm.s32 @p1 $0x1  }
0x15: {  	[smem:$0x3FB5] =	sst s0;
	s0 =	simm.s32 @!p2 $0x0  }
0x16: {  	s3 =	sld [smem:$0x3FDB];
	s0 =	simm.s32 @p2 $0x1  }
0x17: {  	s4 =	simm.s32 $0x1BF5;
	[smem:$0x3FB7] =	sst s0  }
0x18: {  	s0 =	sld [smem:$0x3F9A];
	_ =	swait.ge [sflag:s4], $0x0  }
0x19: {  	s7 =	sld [smem:$0x3F9B]  }
0x1a: {  	s8 =	sadd.s32 $0xFFFFE003, lr  }
0x1b: {  	s9 =	sadd.s32 $0xFFFFFEF7, lr;
	s5 =	simm.s32 $0xFFFFFFFF;
	p2 =	slt.u32 s8, $0xFFFFF086  }
0x1c: {  	p1 =	slt.u32 s9, $0xF7A;
	s5 =	simm.s32 @!p2 $0x0  }
0x1d: {  	s5 =	simm.s32 @p1 $0x1;
	p0 =	seq.s32 s7, s2  }
0x1e: {  	s7 =	smul.u32 @!p0 $0xF7A, s2;
	p2 =	seq.s32 @!p0 s5, $0x0  }
0x1f: {  	s9 =	smul.u32 $0xF7A, s1;
	s8 =	simm.s32 @!p0 $0x1BF5;
	p2 =	por !p2, p0  }
0x20: {  	[sflag:s8] =	ssyncset.s32 @!p0 $0xFFFFF086;
	s6 =	sadd.s32 @!p0 s3, s7;
	s7 =	simm.s32 @!p0 $0x108  }
0x21: {  	s3 =	sadd.s32 s3, s9;
	s6 =	sadd.s32 @!p0 $0x88, s6;
	s7 =	simm.s32 @p2 $0x1082  }
0x22: {  	[simem:s7], [sflag:s8] =	dma.local @!p0 [hbm:s6], $0xF7A  }
0x23: {  	s9 =	sor.u32 $0xD0000000, s2;
	s6 =	simm.s32 $0x108;
	_ =	swait.ge @!p0 [sflag:s8], $0x0  }
0x24: {  	s3 =	sadd.s32 $0x88, s3;
	s6 =	simm.s32 @!p1 $0x1082;
	[sflag:s4] =	ssyncset.s32 $0xFFFFF086  }
0x25: {  	[simem:s6], [sflag:s4] =	dma.local [hbm:s3], $0xF7A  }
0x26: {  	[smem:$0x3F9B] =	sst s1;
	(tag) =	ssettag s2;
	_ =	strace s9  }
0x27: {  	s1 =	sld [smem:$0x3FAB]  }
0x28: {  	s2 =	sld [smem:$0x3FAC]  }
0x29: {  	s4 =	sld [smem:$0x3FAE]  }
0x2a: {  	p0 =	seq.s32 s5, $0x0;
	s5 =	sld [smem:$0x3FAF]  }
0x2b: {  	s6 =	sld [smem:$0x3FB0]  }
0x2c: {  	s7 =	sld [smem:$0x3FB1]  }
0x2d: {  	s3 =	simm.s32 $0x108;
	s8 =	sld [smem:$0x3FB2]  }
0x2e: {  	s3 =	simm.s32 @!p0 $0x1082;
	s9 =	sld [smem:$0x3FB3]  }
0x2f: {  	lr =	sadd.s32 s0, s3;
	s0 =	sld [smem:$0x3FAA]  }
0x30: {  	s3 =	sld [smem:$0x3FAD]  }
0x31: {  	[smem:$0x3FB6] =	sst s10  }
0x32: {  	s10 =	sld [smem:$0x3FB4];
	_ =	sdelay $0x3  }
0x33: {  	p0 =	seq.s32 s10, $0x1;
	s10 =	sld [smem:$0x3FB6];
	_ =	sdelay $0x3  }
0x34: {  	[smem:$0x3FB6] =	sst s10  }
0x35: {  	s10 =	sld [smem:$0x3FB5];
	_ =	sdelay $0x3  }
0x36: {  	p1 =	seq.s32 s10, $0x1;
	s10 =	sld [smem:$0x3FB6];
	_ =	sdelay $0x3  }
0x37: {  	[smem:$0x3FB6] =	sst s10  }
0x38: {  	s10 =	sld [smem:$0x3FB7]  }
0x39: {  	_ = 	snop;
	(pc) =	sbr.ind lr, $3  }
0x3a: {  	_ = 	snop  }
0x3b: {  	_ = 	snop  }
0x3c: {  	p2 =	seq.s32 s10, $0x1;
	s10 =	sld [smem:$0x3FB6]  }
0x3d: {  	_ =	shalt  }
0x3e: {  	_ =	shalt  }
0x3f: {  	_ =	shalt  }
0x40: {  	_ =	shalt  }
0x41: {  	_ =	shalt  }
0x42: {  	_ =	shalt  }
0x43: {  	_ =	shalt  }
0x44: {  	_ =	shalt  }
0x45: {  	_ =	shalt  }
0x46: {  	_ =	shalt  }
0x47: {  	_ =	shalt  }
0x48: {  	_ =	shalt  }
0x49: {  	_ =	shalt  }
0x4a: {  	_ =	shalt  }
0x4b: {  	_ =	shalt  }
0x4c: {  	_ =	shalt  }
0x4d: {  	_ =	shalt  }
0x4e: {  	_ =	shalt  }
0x4f: {  	_ =	shalt  }
0x50: {  	_ =	shalt  }
0x51: {  	_ =	shalt  }
0x52: {  	_ =	shalt  }
0x53: {  	_ =	shalt  }
0x54: {  	_ =	shalt  }
0x55: {  	_ =	shalt  }
0x56: {  	_ =	shalt  }
0x57: {  	_ =	shalt  }
0x58: {  	_ =	shalt  }
0x59: {  	_ =	shalt  }
0x5a: {  	_ =	shalt  }
0x5b: {  	_ =	shalt  }
0x5c: {  	_ =	shalt  }
0x5d: {  	_ =	shalt  }
0x5e: {  	_ =	shalt  }
0x5f: {  	_ =	shalt  }
0x60: {  	_ =	shalt  }
0x61: {  	_ =	shalt  }
0x62: {  	_ =	shalt  }
0x63: {  	_ =	shalt  }
0x64: {  	_ =	shalt  }
0x65: {  	_ =	shalt  }
0x66: {  	_ =	shalt  }
0x67: {  	_ =	shalt  }
0x68: {  	_ =	shalt  }
0x69: {  	_ =	shalt  }
0x6a: {  	_ =	shalt  }
0x6b: {  	_ =	shalt  }
0x6c: {  	_ =	shalt  }
0x6d: {  	_ =	shalt  }
0x6e: {  	_ =	shalt  }
0x6f: {  	_ =	shalt  }
0x70: {  	_ =	shalt  }
0x71: {  	_ =	shalt  }
0x72: {  	_ =	shalt  }
0x73: {  	_ =	shalt  }
0x74: {  	_ =	shalt  }
0x75: {  	_ =	shalt  }
0x76: {  	_ =	shalt  }
0x77: {  	_ =	shalt  }
0x78: {  	_ =	shalt  }
0x79: {  	_ =	shalt  }
0x7a: {  	_ =	shalt  }
0x7b: {  	_ =	shalt  }
0x7c: {  	_ =	shalt  }
0x7d: {  	_ =	shalt  }
0x7e: {  	_ =	shalt  }
0x7f: {  	_ =	shalt  }
0x80: {  	_ =	shalt  }
0x81: {  	_ =	shalt  }
0x82: {  	_ =	shalt  }
0x83: {  	_ =	shalt  }
0x84: {  	_ =	shalt  }
0x85: {  	_ =	shalt  }
0x86: {  	_ =	shalt  }
0x87: {  	_ =	shalt  }
.Lfunc_end0:
.L_simem_size_0:
called_computation_lowered:
.L_overlay_start_0:
0x88: {  	s2 =	sld [smem:$0x3FD9]  }
0x89: {  	s3 =	sld [smem:$0x3FFE];
	_ =	sdelay $0x1  }
0x8a: {  	s1 =	srdreg.scid  }
0x8b: {  	s0 =	sand.u32 $0x1, s1  }
0x8c: {  	s17 =	sshll.u32 s0, $0xA;
	s2 =	sadd.s32 s3, s2  }
0x8d: {  	s2 =	sadd.s32 s2, s17  }
0x8e: {  	[smem:$0x3FC2] =	sst s2  }
0x8f: {  	_ = 	snop  }
0x90: {  	s2 =	sld [smem:$0x3FD0];
	(tm) =	ssettm $0x1  }
0x91: {  	s18 =	sld [smem:$0x3FFB];
	_ =	sdelay $0x3  }
0x92: {  	_ =	strace s18  }
0x93: {  	s3 =	sld [smem:$0x3FFC];
	_ =	sdelay $0x3  }
0x94: {  	_ =	strace s3  }
0x95: {  	s3 =	sld [smem:$0x3FFD];
	_ =	sdelay $0x3  }
0x96: {  	_ =	strace s3  }
0x97: {  	_ =	strace $0x8FFFFFFF  }
0x98: {  	s19 =	sld [smem:$0x3FDB];
	_ =	sdelay $0x1  }
0x99: {  	s4 =	simm.s32 $_scs_section_size  }
0x9a: {  	s5 =	simm.s32 $_size__tile_overlayer_lowered;
	s6 =	simm.s32 $_tile_overlayer_lowered  }
0x9b: {  	s22 =	simm.s32 $0x1BFF;
	s21 =	sshll.u32 s6, $0x1;
	s3 =	sadd.s32 s4, s19  }
0x9c: {  	s7 =	simm.s32 $0x0;
	s20 =	sshll.u32 s5, $0x1;
	s5 =	sadd.s32 s21, s3  }
0x9d: {  	[timem:s7], [sflag:s22] =	dma.local [hbm:s5], s20  }
0x9e: {  	_ =	swait.ge [sflag:s22], s20  }
0x9f: {  	s4 =	ssub.s32 $0x0, s20;
	[sflag:s22] =	ssyncset.done $0x0  }
0xa0: {  	[sflag:s22] =	ssyncadd.s32 s4;
	_ =	sdelay $0x1  }
0xa1: {  	s23 =	simm.s32 $0x1B8B  }
0xa2: {  	_ =	swait.ge [sflag:s23], $0x1  }
0xa3: {  	[sflag:s23] =	ssyncset.done $0x0  }
0xa4: {  	s25 =	simm.s32 $0x1B8E;
	s24 =	sld [smem:$0x3FFE];
	[sflag:s23] =	ssyncadd.s32 $0xFFFFFFFF  }
0xa5: {  	s26 =	simm.s32 $execute0_lowered;
	[smem:$0x3FD2] =	sst s25  }
0xa6: {  	s5 =	sshll.u32 s26, $0x1;
	_ =	strace $0x80000046;
	[dreg:$0x1] =	wrdreg $0xFFFFFFFF  }
0xa7: {  	s28 =	simm.s32 $_size_execute0_lowered;
	s3 =	sadd.s32 s3, s5;
	[dreg:$0x0] =	wrdreg $0x0  }
0xa8: {  	s5 =	sshll.u32 s28, $0x1;
	[dreg:$0x2] =	wrdreg s3  }
0xa9: {  	[dreg:$0x3] =	wrdreg s5  }
0xaa: {  	[dreg:$0x4] =	wrdreg $0xC0  }
0xab: {  	_ =	task [dreg:s7], $0x5FFFF  }
0xac: {  	[dreg:$0x1] =	wrdreg $0xFFFFFFFF  }
0xad: {  	[dreg:$0x0] =	wrdreg $0x60  }
0xae: {  	[dreg:$0x2] =	wrdreg s24  }
0xaf: {  	[dreg:$0x3] =	wrdreg s2  }
0xb0: {  	[dreg:$0x4] =	wrdreg $0x0  }
0xb1: {  	[dreg:$0x5] =	wrdreg $0x9  }
0xb2: {  	_ =	task.clear_ibuf [dreg:s7], $0x6FFFF;
	_ =	strace $0x90000046  }
0xb3: {  	s29 =	simm.s32 $0x9;
	_ =	strace $0x80000048  }
0xb4: {  	_ =	swait.ge [sflag:s29], $0x1  }
0xb5: {  	[sflag:s29] =	ssyncadd.s32 $0xFFFFFFFF  }
0xb6: {  	_ =	strace $0x90000048  }
0xb7: {  	_ =	sfence  }
0xb8: {  	s30 =	sld [smem:$0x0];
	_ =	sdelay $0x2  }
0xb9: {  	s31 =	sshll.u32 s1, $0xD;
	s1 =	sshrl.u32 s1, $0x2  }
0xba: {  	s3 =	sand.u32 $0x4000, s31;
	s1 =	sadd.s32 s1, s30  }
0xbb: {  	s0 =	sor.u32 s3, s0;
	s1 =	sshll.u32 s1, $0x11  }
0xbc: {  	s0 =	sor.u32 s1, s0  }
0xbd: {  	s0 =	sadd.s32 $0x8F2B, s0  }
0xbe: {  	[sflag:s0] =	ssyncadd.remote.s32 $0x1  }
0xbf: {  	_ =	sfence.sel $0xFFFF  }
0xc0: {  	[dreg:$0x0] =	wrdreg $0xFFFFFFFF;
	(pc) =	sbr.abs _section_cstart, $3  }
0xc1: {  	[dreg:$0x1] =	wrdreg $0xFFFFFFFF  }
0xc2: {  	_ =	task.clear_ibuf [dreg:s7], $0x2FFFF;
	_ =	strace $0x9FFFFFFF  }
0xc3: {  	(tm) =	ssettm $0x7FFFFFFF  }
tec
execute0_lowered:
.L_overlay_start_1:
0x0: {  	(tag) =	ssettag $0x1  }
0x1: {  	s0 =	rddreg [dreg:$0x0]  }
0x2: {  	s2 =	rddreg [dreg:$0x2];
	s3 =	simm.s32 $0x0;
	s1 =	srdreg.scid  }
0x3: {  	s17 =	stileid.u32;
	s28 =	simm.s32 $0x17A20;
	s29 =	simm.s32 $0x1  }
0x4: {  	s30 =	simm.s32 $0x3E8;
	s31 =	simm.s32 $0x13BA0;
	[smem:$0x7FF] =	sst s3  }
0x5: {  	s5 =	sadd.s32 $0x65000, s0;
	s6 =	sadd.s32 $0x34200, s0;
	s7 =	sadd.s32 $0x3400, s0  }
0x6: {  	s1 =	sand.u32 $0x1, s1;
	s4 =	sshll.u32 s17, $0x1;
	s10 =	smul.u32 $0xC800, s17  }
0x7: {  	s11 =	sadd.s32 $0x186D400, s0;
	s0 =	sadd.s32 $0x7E000, s0;
	s17 =	smul.u32 $0x186A0, s17  }
0x8: {  	_ =	strace $0x80000047;
	s8 =	ssub.s32 $0x2, s1;
	s16 =	smul.u32 $0xC8000, s1  }
0x9: {  	s4 =	sor.u32 s1, s4;
	s1 =	smul.u32 $0xC350, s1;
	s9 =	sshrl.u32 s8, $0x1  }
0xa: {  	s4 =	smul.u32 $0xC350, s4;
	s13 =	sadd.s32 $0x6400, s10;
	s12 =	ssub.s32 s8, s9  }
0xb: {  	s8 =	sadd.s32 s10, s2;
	s9 =	sadd.s32 s13, s2;
	s19 =	sadd.s32 s10, s16  }
0xc: {  	s20 =	sadd.s32 s16, s13;
	s16 =	sadd.s32 s1, s17;
	s1 =	simm.s32 $0x19960  }
0xd: {  	s10 =	simm.s32 $0x3;
	s13 =	simm.s32 $0x0;
	s14 =	sshrl.u32 s4, $0x3  }
0xe: {  	s24 =	sadd.s32 $0x3E8, s4;
	s4 =	sadd.s32 s11, s4;
	s22 =	sshrl.u32 s20, $0x3  }
0xf: {  	s23 =	sadd.s32 $0xBB8, s16;
	s20 =	sadd.s32 s11, s16;
	s15 =	sadd.s32 s6, s14  }
0x10: {  	s14 =	sadd.s32 s7, s14;
	s25 =	sshrl.u32 s24, $0x3;
	[dreg:$0x6] =	wrdreg s4  }
0x11: {  	s18 =	sadd.s32 s11, s24;
	s4 =	sshrl.u32 s19, $0x3;
	[dreg:$0x4] =	wrdreg s15  }
0x12: {  	s24 =	smax.u32 s12, $0x1;
	s11 =	simm.s32 $0x2;
	[dreg:$0x5] =	wrdreg s14  }
0x13: {  	s12 =	simm.s32 $0x15AE0;
	s26 =	sadd.s32 s6, s25;
	[dreg:$0x9] =	wrdreg s18  }
0x14: {  	s14 =	sadd.s32 s7, s25;
	s21 =	sadd.s32 s0, s4;
	[dreg:$0xc] =	wrdreg s24  }
.Ltmp0:
0x15: {  	s0 =	sadd.s32 s0, s22;
	[dreg:$0x7] =	wrdreg s26;
	(pc) =	sbr.rel .LBB2_1-.Ltmp0, $4  }
0x16: {  	s25 =	sshrl.u32 s23, $0x3;
	s23 =	simm.s32 $0xC800;
	[dreg:$0x8] =	wrdreg s14  }
0x17: {  	s24 =	simm.s32 $0x5;
	s4 =	simm.s32 $0x137B8;
	[dreg:$0xa] =	wrdreg s21  }
0x18: {  	[dreg:$0xb] =	wrdreg s0;
	s26 =	sadd.s32 s25, s7;
	s14 =	sadd.s32 s25, s6  }
0x19: {  	s0 =	simm.s32 $0x12FE8;
	[dreg:$0xd] =	wrdreg s26;
	s26 =	simm.s32 $0x133D0  }
.LBB2_4:
0x1a: {  	[bflag:$0x0] =	sbarrier.arrive $0xFFFF  }
0x1b: {  	[tilespmem:s23], [sflag:$0x5] =	stream.linear.gather [spmem:s8], $0x6400, $0x38;
	[tilespmem:$0x1B8A0] =	vst v63  }
0x1c: {  	_ =	swait.ge [sflag:s24], $0x6400  }
0x1d: {  	[sflag:s24] =	ssyncset.done $0x0  }
0x1e: {  	s15 =	rddreg [dreg:$0xa];
	[sflag:s24] =	ssyncadd.s32 $0xFFFF9C00  }
0x1f: {  	[hbm4b:s15+s3] =	stream.linear.scatter [tilespmem:s23], [sflag:$0x5], $0x6400, $0x38;
	[tilespmem:$0x1B8A0] =	vst v63  }
0x20: {  	_ =	swait.ge [sflag:s24], $0x6400  }
0x21: {  	[sflag:s24] =	ssyncset.done $0x0  }
0x22: {  	[sflag:s24] =	ssyncadd.s32 $0xFFFF9C00  }
0x23: {  	[tilespmem:s23], [sflag:$0x5] =	stream.linear.gather [spmem:s9], $0x6400, $0x38;
	[tilespmem:$0x1B8A0] =	vst v63  }
0x24: {  	_ =	swait.ge [sflag:s24], $0x6400  }
0x25: {  	[sflag:s24] =	ssyncset.done $0x0  }
0x26: {  	s22 =	rddreg [dreg:$0xb];
	[sflag:s24] =	ssyncadd.s32 $0xFFFF9C00  }
0x27: {  	[hbm4b:s22+s3] =	stream.linear.scatter [tilespmem:s23], [sflag:$0x5], $0x6400, $0x38;
	[tilespmem:$0x1B8A0] =	vst v63  }
0x28: {  	_ =	swait.ge [sflag:s24], $0x6400  }
0x29: {  	s13 =	sadd.s32 $0x1, s13;
	s25 =	rddreg [dreg:$0xc]  }
0x2a: {  	p0 =	sne.s32 s13, s25  }
.Ltmp1:
0x2b: {  	_ = 	snop;
	(pc) =	sbr.rel @!p0 .LBB2_5-.Ltmp1, $3  }
0x2c: {  	_ =	sdelay $0x1  }
0x2d: {  	[sflag:s24] =	ssyncset.done $0x0  }
0x2e: {  	[sflag:s24] =	ssyncadd.s32 $0xFFFF9C00  }
.LBB2_1:
0x2f: {  	s15 =	rddreg [dreg:$0x1]  }
0x30: {  	[tilespmem:s23], [sflag:$0x5] =	stream.linear.gather [hbm4b:s15+s3], $0x6400, $0x38;
	[tilespmem:$0x1B8A0] =	vst v63  }
0x31: {  	_ =	swait.ge [sflag:s24], $0x6400  }
0x32: {  	[sflag:s24] =	ssyncset.done $0x0  }
0x33: {  	[sflag:s24] =	ssyncadd.s32 $0xFFFF9C00  }
0x34: {  	[spmem:s8] =	stream.linear.scatter [tilespmem:s23], [sflag:$0x5], $0x6400, $0x38;
	[tilespmem:$0x1B8A0] =	vst v63  }
0x35: {  	_ =	swait.ge [sflag:s24], $0x6400  }
0x36: {  	[sflag:s24] =	ssyncset.done $0x0  }
0x37: {  	[sflag:s24] =	ssyncadd.s32 $0xFFFF9C00  }
0x38: {  	[spmem:s9] =	stream.linear.scatter [tilespmem:s23], [sflag:$0x5], $0x6400, $0x38;
	[tilespmem:$0x1B8A0] =	vst v63  }
0x39: {  	_ =	swait.ge [sflag:s24], $0x6400  }
0x3a: {  	[sflag:s24] =	ssyncset.done $0x0  }
0x3b: {  	[sflag:s24] =	ssyncadd.s32 $0xFFFF9C00  }
0x3c: {  	[bflag:$0x0] =	sbarrier.arrive $0xFFFF  }
0x3d: {  	s17 =	simm.s32 $0x12C00;
	s25 =	rddreg [dreg:$0x4]  }
0x3e: {  	[tilespmem:s17], [sflag:$0x1] =	stream.linear.gather [hbm4b:s25+s3], $0x3E8, $0x38;
	[tilespmem:$0x1B8A0] =	vst v63  }
0x3f: {  	s18 =	rddreg [dreg:$0x5]  }
0x40: {  	[tilespmem:s26], [sflag:$0x1] =	stream.linear.gather [hbm4b:s18+s3], $0x3E8, $0x38;
	[tilespmem:$0x1B8A0] =	vst v63  }
0x41: {  	s19 =	rddreg [dreg:$0x6]  }
0x42: {  	[tilespmem:s28], [sflag:$0x1] =	stream.linear.gather [hbm4b:s19+s3], $0x1F40, $0x38;
	[tilespmem:$0x1B8A0] =	vst v63  }
0x43: {  	_ =	swait.ge [sflag:s29], $0x3E8  }
0x44: {  	[sflag:s29] =	ssyncset.done $0x0  }
0x45: {  	[sflag:s29] =	ssyncadd.s32 $0xFFFFFC18  }
0x46: {  	_ =	swait.ge [sflag:s29], $0x3E8  }
0x47: {  	[sflag:s29] =	ssyncset.done $0x0  }
0x48: {  	[sflag:s29] =	ssyncadd.s32 $0xFFFFFC18  }
0x49: {  	_ =	swait.ge [sflag:s29], $0x1F40  }
0x4a: {  	[sflag:s29] =	ssyncset.done $0x0  }
0x4b: {  	s21 =	rddreg [dreg:$0x7];
	[sflag:s29] =	ssyncadd.s32 $0xFFFFE0C0  }
0x4c: {  	[tilespmem:s31], [sflag:$0x3] =	stream.indirect.gather [hbm4b:s5+s30], $0x8, s17, s30, $0xb8;
	[tilespmem:$0x1B8A0] =	vst v63  }
0x4d: {  	s22 =	rddreg [dreg:$0x8]  }
0x4e: {  	[tilespmem:s0], [sflag:$0x2] =	stream.linear.gather [hbm4b:s21+s3], $0x3E8, $0x38;
	[tilespmem:$0x1B8A0] =	vst v63  }
0x4f: {  	s25 =	rddreg [dreg:$0x9]  }
0x50: {  	[tilespmem:s4], [sflag:$0x2] =	stream.linear.gather [hbm4b:s22+s3], $0x3E8, $0x38;
	[tilespmem:$0x1B8A0] =	vst v63  }
0x51: {  	s17 =	simm.s32 $0x0;
	s21 =	rddreg [dreg:$0xd];
	s22 =	smov.u32 s14  }
0x52: {  	[tilespmem:s1], [sflag:$0x2] =	stream.linear.gather [hbm4b:s25+s3], $0x1F40, $0x38;
	[tilespmem:$0x1B8A0] =	vst v63  }
.LBB2_2:
0x53: {  	_ =	swait.ge [sflag:s10], $0x1F40  }
0x54: {  	[sflag:s10] =	ssyncset.done $0x0  }
0x55: {  	[sflag:s10] =	ssyncadd.s32 $0xFFFFE0C0  }
0x56: {  	_ =	swait.ge [sflag:s11], $0x3E8  }
0x57: {  	[sflag:s11] =	ssyncset.done $0x0  }
0x58: {  	[sflag:s11] =	ssyncadd.s32 $0xFFFFFC18  }
0x59: {  	_ =	swait.ge [sflag:s11], $0x3E8  }
0x5a: {  	[sflag:s11] =	ssyncset.done $0x0  }
0x5b: {  	[sflag:s11] =	ssyncadd.s32 $0xFFFFFC18  }
0x5c: {  	_ =	swait.ge [sflag:s11], $0x1F40  }
0x5d: {  	[sflag:s11] =	ssyncset.done $0x0  }
0x5e: {  	[sflag:s11] =	ssyncadd.s32 $0xFFFFE0C0  }
0x5f: {  	[tilespmem:s12], [sflag:$0x4] =	stream.indirect.gather [hbm4b:s5+s30], $0x8, s0, s30, $0xb8;
	[tilespmem:$0x1B8A0] =	vst v63  }
0x60: {  	_ = 	snop  }
0x61: {  	[spmem:s2] =	stream.indirect.scatter.add.f32 [tilespmem:s31], [sflag:$0x5], $0x8, s26, s30, $0xb8;
	[tilespmem:$0x1B8A0] =	vst v63  }
0x62: {  	_ =	swait.ge [sflag:s24], $0x1F40  }
0x63: {  	[sflag:s24] =	ssyncset.done $0x0  }
0x64: {  	[sflag:s24] =	ssyncadd.s32 $0xFFFFE0C0  }
0x65: {  	[spmem:s2] =	stream.indirect.scatter.add.f32 [tilespmem:s28], [sflag:$0x5], $0x8, s26, s30, $0xb8;
	[tilespmem:$0x1B8A0] =	vst v63  }
0x66: {  	_ =	swait.ge [sflag:s24], $0x1F40  }
0x67: {  	p0 =	seq.s32 s17, $0xBB80;
	[sflag:s24] =	ssyncset.done $0x0  }
0x68: {  	s18 =	simm.s32 @p0 $0x4;
	[sflag:s24] =	ssyncadd.s32 $0xFFFFE0C0  }
0x69: {  	s19 =	sadd.s32 @!p0 s17, s16;
	_ =	swait.ge @p0 [sflag:s18], $0x1F40  }
0x6a: {  	s19 =	sadd.s32 @!p0 $0x7D0, s19;
	[sflag:s18] =	ssyncset.done @p0 $0x0  }
0x6b: {  	[sflag:s18] =	ssyncadd.s32 @p0 $0xFFFFE0C0;
	s18 =	sshrl.u32 @!p0 s19, $0x3  }
0x6c: {  	s25 =	simm.s32 @!p0 $0x0;
	s15 =	simm.s32 @!p0 $0x12C00;
	s19 =	sadd.s32 @!p0 s6, s18  }
0x6d: {  	[tilespmem:s15], [sflag:$0x1] =	stream.linear.gather @!p0 [hbm4b:s19+s25], $0x3E8, $0x38;
	[tilespmem:$0x1B8A0] =	vst v63  }
0x6e: {  	s18 =	sadd.s32 @!p0 s7, s18;
	s19 =	simm.s32 @!p0 $0x133D0  }
0x6f: {  	[tilespmem:s19], [sflag:$0x1] =	stream.linear.gather @!p0 [hbm4b:s18+s25], $0x3E8, $0x38;
	[tilespmem:$0x1B8A0] =	vst v63  }
0x70: {  	s18 =	sadd.s32 @!p0 s17, s20  }
0x71: {  	s19 =	simm.s32 @!p0 $0x17A20;
	s18 =	sadd.s32 @!p0 $0x7D0, s18  }
0x72: {  	[tilespmem:s19], [sflag:$0x1] =	stream.linear.gather @!p0 [hbm4b:s18+s25], $0x1F40, $0x38;
	[tilespmem:$0x1B8A0] =	vst v63  }
0x73: {  	s18 =	simm.s32 @!p0 $0x4  }
0x74: {  	_ =	swait.ge @!p0 [sflag:s18], $0x1F40  }
0x75: {  	[sflag:s18] =	ssyncset.done @!p0 $0x0  }
0x76: {  	[sflag:s18] =	ssyncadd.s32 @!p0 $0xFFFFE0C0;
	s18 =	simm.s32 @!p0 $0x1  }
0x77: {  	_ =	swait.ge @!p0 [sflag:s18], $0x3E8  }
0x78: {  	[sflag:s18] =	ssyncset.done @!p0 $0x0  }
0x79: {  	[sflag:s18] =	ssyncadd.s32 @!p0 $0xFFFFFC18  }
0x7a: {  	_ =	swait.ge @!p0 [sflag:s18], $0x3E8  }
0x7b: {  	[sflag:s18] =	ssyncset.done @!p0 $0x0  }
0x7c: {  	[sflag:s18] =	ssyncadd.s32 @!p0 $0xFFFFFC18  }
0x7d: {  	_ =	swait.ge @!p0 [sflag:s18], $0x1F40  }
0x7e: {  	[sflag:s18] =	ssyncset.done @!p0 $0x0  }
0x7f: {  	s19 =	simm.s32 @!p0 $0x13BA0;
	[sflag:s18] =	ssyncadd.s32 @!p0 $0xFFFFE0C0;
	s18 =	simm.s32 @!p0 $0x3E8  }
0x80: {  	[tilespmem:s19], [sflag:$0x3] =	stream.indirect.gather @!p0 [hbm4b:s5+s18], $0x8, s15, s18, $0xb8;
	[tilespmem:$0x1B8A0] =	vst v63  }
0x81: {  	_ = 	snop  }
0x82: {  	[spmem:s2] =	stream.indirect.scatter.add.f32 [tilespmem:s12], [sflag:$0x5], $0x8, s4, s30, $0xb8;
	[tilespmem:$0x1B8A0] =	vst v63  }
0x83: {  	_ =	swait.ge [sflag:s24], $0x1F40  }
0x84: {  	[sflag:s24] =	ssyncset.done $0x0  }
.Ltmp2:
0x85: {  	[sflag:s24] =	ssyncadd.s32 $0xFFFFE0C0;
	(pc) =	sbr.rel @p0 .LBB2_4-.Ltmp2, $4  }
0x86: {  	[spmem:s2] =	stream.indirect.scatter.add.f32 [tilespmem:s1], [sflag:$0x5], $0x8, s4, s30, $0xb8;
	[tilespmem:$0x1B8A0] =	vst v63  }
0x87: {  	_ =	swait.ge [sflag:s24], $0x1F40  }
0x88: {  	[sflag:s24] =	ssyncset.done $0x0  }
0x89: {  	[sflag:s24] =	ssyncadd.s32 $0xFFFFE0C0  }
0x8a: {  	[tilespmem:s0], [sflag:$0x2] =	stream.linear.gather [hbm4b:s22+s3], $0x3E8, $0x38;
	[tilespmem:$0x1B8A0] =	vst v63  }
.Ltmp3:
0x8b: {  	_ = 	snop;
	(pc) =	sbr.rel .LBB2_2-.Ltmp3, $4  }
0x8c: {  	s15 =	sadd.s32 s17, s20;
	s17 =	sadd.s32 $0x7D0, s17  }
0x8d: {  	[tilespmem:s4], [sflag:$0x2] =	stream.linear.gather [hbm4b:s21+s3], $0x3E8, $0x38;
	[tilespmem:$0x1B8A0] =	vst v63  }
0x8e: {  	s22 =	sadd.s32 $0xFA, s22;
	s15 =	sadd.s32 $0xBB8, s15;
	s21 =	sadd.s32 $0xFA, s21  }
0x8f: {  	[tilespmem:s1], [sflag:$0x2] =	stream.linear.gather [hbm4b:s15+s3], $0x1F40, $0x38;
	[tilespmem:$0x1B8A0] =	vst v63  }
.LBB2_5:
0x90: {  	_ =	sfence.sel $0x180000  }
0x91: {  	[bflag:$0x0] =	sbarrier.arrive $0xFFFF  }
0x92: {  	_ =	strace $0x90000047  }
0x93: {  	s0 =	stileid.u32;
	[bflag:$0x2] =	sbarrier.arrive $0xFFFF  }
0x94: {  	p0 =	sne.s32 s0, $0x0;
	s0 =	rddreg [dreg:$0x3]  }
0x95: {  	s0 =	sadd.s32 @!p0 $0x100000, s0  }
0x96: {  	[sflag:s0] =	ssyncadd.tile.s32 @!p0 $0x1;
	_ =	shalt  }
.Lfunc_end2:
_tile_overlayer_lowered:
.L_overlay_start_2:
0x97: {  	(tag) =	ssettag $0x2  }
0x98: {  	s0 =	rddreg [dreg:$0x0];
	s2 =	stileid.u32  }
0x99: {  	s1 =	rddreg [dreg:$0x1];
	p0 =	sne.s32 s2, $0x0  }
0x9a: {  	s3 =	rddreg [dreg:$0x2];
	[bflag:$0x3] =	sbarrier.arrive $0xFFFF;
	s2 =	simm.s32 @!p0 $0x1C05  }
0x9b: {  	[timem:s3], [sflag:s2] =	dma.local @!p0 [hbm:s0], s1  }
0x9c: {  	s0 =	simm.s32 @!p0 $0x5  }
0x9d: {  	_ =	swait.ge @!p0 [sflag:s0], s1  }
0x9e: {  	s1 =	ssub.s32 @!p0 $0x0, s1;
	[sflag:s0] =	ssyncset.done @!p0 $0x0  }
0x9f: {  	[sflag:s0] =	ssyncadd.s32 @!p0 s1  }
0xa0: {  	[bflag:$0x3] =	sbarrier.arrive $0xFFFF  }
0xa1: {  	_ =	shalt  }

// kernel: kernel.9.cloned.1.call-start
scs
__scs_entry_jumppad:
0x0: {  	(pc) =	sbr.rel $0x88, $3  }
0x1: {  	(tag) =	ssettag $0x0;
	lr =	simm.s32 $0x1  }
0x2: {  	[smem:$0x3F9B] =	sst lr;
	_ =	strace $0xD0000000  }
0x3: {  	_ = 	snop  }
0x4: {  	_ = 	snop  }
0x5: {  	_ = 	snop  }
0x6: {  	_ = 	snop  }
0x7: {  	_ = 	snop  }
__scs_overlays_trampoline_lowered:
0x8: {  	[smem:$0x3FAA] =	sst s0  }
0x9: {  	[smem:$0x3FAB] =	sst s1  }
0xa: {  	[smem:$0x3FAC] =	sst s2  }
0xb: {  	[smem:$0x3FAD] =	sst s3  }
0xc: {  	[smem:$0x3FAE] =	sst s4  }
0xd: {  	[smem:$0x3FAF] =	sst s5  }
0xe: {  	[smem:$0x3FB0] =	sst s6  }
0xf: {  	[smem:$0x3FB1] =	sst s7  }
0x10: {  	[smem:$0x3FB2] =	sst s8  }
0x11: {  	[smem:$0x3FB3] =	sst s9;
	s0 =	simm.s32 @!p0 $0x0  }
0x12: {  	s1 =	sld [smem:$0x3F99];
	s0 =	simm.s32 @p0 $0x1  }
0x13: {  	[smem:$0x3FB4] =	sst s0;
	s0 =	simm.s32 @!p1 $0x0  }
0x14: {  	s2 =	sld [smem:$0x3F98];
	s0 =	simm.s32 @p1 $0x1  }
0x15: {  	[smem:$0x3FB5] =	sst s0;
	s0 =	simm.s32 @!p2 $0x0  }
0x16: {  	s3 =	sld [smem:$0x3FDB];
	s0 =	simm.s32 @p2 $0x1  }
0x17: {  	s4 =	simm.s32 $0x1BF5;
	[smem:$0x3FB7] =	sst s0  }
0x18: {  	s0 =	sld [smem:$0x3F9A];
	_ =	swait.ge [sflag:s4], $0x0  }
0x19: {  	s7 =	sld [smem:$0x3F9B]  }
0x1a: {  	s8 =	sadd.s32 $0xFFFFE003, lr  }
0x1b: {  	s9 =	sadd.s32 $0xFFFFFEF7, lr;
	s5 =	simm.s32 $0xFFFFFFFF;
	p2 =	slt.u32 s8, $0xFFFFF086  }
0x1c: {  	p1 =	slt.u32 s9, $0xF7A;
	s5 =	simm.s32 @!p2 $0x0  }
0x1d: {  	s5 =	simm.s32 @p1 $0x1;
	p0 =	seq.s32 s7, s2  }
0x1e: {  	s7 =	smul.u32 @!p0 $0xF7A, s2;
	p2 =	seq.s32 @!p0 s5, $0x0  }
0x1f: {  	s9 =	smul.u32 $0xF7A, s1;
	s8 =	simm.s32 @!p0 $0x1BF5;
	p2 =	por !p2, p0  }
0x20: {  	[sflag:s8] =	ssyncset.s32 @!p0 $0xFFFFF086;
	s6 =	sadd.s32 @!p0 s3, s7;
	s7 =	simm.s32 @!p0 $0x108  }
0x21: {  	s3 =	sadd.s32 s3, s9;
	s6 =	sadd.s32 @!p0 $0x88, s6;
	s7 =	simm.s32 @p2 $0x1082  }
0x22: {  	[simem:s7], [sflag:s8] =	dma.local @!p0 [hbm:s6], $0xF7A  }
0x23: {  	s9 =	sor.u32 $0xD0000000, s2;
	s6 =	simm.s32 $0x108;
	_ =	swait.ge @!p0 [sflag:s8], $0x0  }
0x24: {  	s3 =	sadd.s32 $0x88, s3;
	s6 =	simm.s32 @!p1 $0x1082;
	[sflag:s4] =	ssyncset.s32 $0xFFFFF086  }
0x25: {  	[simem:s6], [sflag:s4] =	dma.local [hbm:s3], $0xF7A  }
0x26: {  	[smem:$0x3F9B] =	sst s1;
	(tag) =	ssettag s2;
	_ =	strace s9  }
0x27: {  	s1 =	sld [smem:$0x3FAB]  }
0x28: {  	s2 =	sld [smem:$0x3FAC]  }
0x29: {  	s4 =	sld [smem:$0x3FAE]  }
0x2a: {  	p0 =	seq.s32 s5, $0x0;
	s5 =	sld [smem:$0x3FAF]  }
0x2b: {  	s6 =	sld [smem:$0x3FB0]  }
0x2c: {  	s7 =	sld [smem:$0x3FB1]  }
0x2d: {  	s3 =	simm.s32 $0x108;
	s8 =	sld [smem:$0x3FB2]  }
0x2e: {  	s3 =	simm.s32 @!p0 $0x1082;
	s9 =	sld [smem:$0x3FB3]  }
0x2f: {  	lr =	sadd.s32 s0, s3;
	s0 =	sld [smem:$0x3FAA]  }
0x30: {  	s3 =	sld [smem:$0x3FAD]  }
0x31: {  	[smem:$0x3FB6] =	sst s10  }
0x32: {  	s10 =	sld [smem:$0x3FB4];
	_ =	sdelay $0x3  }
0x33: {  	p0 =	seq.s32 s10, $0x1;
	s10 =	sld [smem:$0x3FB6];
	_ =	sdelay $0x3  }
0x34: {  	[smem:$0x3FB6] =	sst s10  }
0x35: {  	s10 =	sld [smem:$0x3FB5];
	_ =	sdelay $0x3  }
0x36: {  	p1 =	seq.s32 s10, $0x1;
	s10 =	sld [smem:$0x3FB6];
	_ =	sdelay $0x3  }
0x37: {  	[smem:$0x3FB6] =	sst s10  }
0x38: {  	s10 =	sld [smem:$0x3FB7]  }
0x39: {  	_ = 	snop;
	(pc) =	sbr.ind lr, $3  }
0x3a: {  	_ = 	snop  }
0x3b: {  	_ = 	snop  }
0x3c: {  	p2 =	seq.s32 s10, $0x1;
	s10 =	sld [smem:$0x3FB6]  }
0x3d: {  	_ =	shalt  }
0x3e: {  	_ =	shalt  }
0x3f: {  	_ =	shalt  }
0x40: {  	_ =	shalt  }
0x41: {  	_ =	shalt  }
0x42: {  	_ =	shalt  }
0x43: {  	_ =	shalt  }
0x44: {  	_ =	shalt  }
0x45: {  	_ =	shalt  }
0x46: {  	_ =	shalt  }
0x47: {  	_ =	shalt  }
0x48: {  	_ =	shalt  }
0x49: {  	_ =	shalt  }
0x4a: {  	_ =	shalt  }
0x4b: {  	_ =	shalt  }
0x4c: {  	_ =	shalt  }
0x4d: {  	_ =	shalt  }
0x4e: {  	_ =	shalt  }
0x4f: {  	_ =	shalt  }
0x50: {  	_ =	shalt  }
0x51: {  	_ =	shalt  }
0x52: {  	_ =	shalt  }
0x53: {  	_ =	shalt  }
0x54: {  	_ =	shalt  }
0x55: {  	_ =	shalt  }
0x56: {  	_ =	shalt  }
0x57: {  	_ =	shalt  }
0x58: {  	_ =	shalt  }
0x59: {  	_ =	shalt  }
0x5a: {  	_ =	shalt  }
0x5b: {  	_ =	shalt  }
0x5c: {  	_ =	shalt  }
0x5d: {  	_ =	shalt  }
0x5e: {  	_ =	shalt  }
0x5f: {  	_ =	shalt  }
0x60: {  	_ =	shalt  }
0x61: {  	_ =	shalt  }
0x62: {  	_ =	shalt  }
0x63: {  	_ =	shalt  }
0x64: {  	_ =	shalt  }
0x65: {  	_ =	shalt  }
0x66: {  	_ =	shalt  }
0x67: {  	_ =	shalt  }
0x68: {  	_ =	shalt  }
0x69: {  	_ =	shalt  }
0x6a: {  	_ =	shalt  }
0x6b: {  	_ =	shalt  }
0x6c: {  	_ =	shalt  }
0x6d: {  	_ =	shalt  }
0x6e: {  	_ =	shalt  }
0x6f: {  	_ =	shalt  }
0x70: {  	_ =	shalt  }
0x71: {  	_ =	shalt  }
0x72: {  	_ =	shalt  }
0x73: {  	_ =	shalt  }
0x74: {  	_ =	shalt  }
0x75: {  	_ =	shalt  }
0x76: {  	_ =	shalt  }
0x77: {  	_ =	shalt  }
0x78: {  	_ =	shalt  }
0x79: {  	_ =	shalt  }
0x7a: {  	_ =	shalt  }
0x7b: {  	_ =	shalt  }
0x7c: {  	_ =	shalt  }
0x7d: {  	_ =	shalt  }
0x7e: {  	_ =	shalt  }
0x7f: {  	_ =	shalt  }
0x80: {  	_ =	shalt  }
0x81: {  	_ =	shalt  }
0x82: {  	_ =	shalt  }
0x83: {  	_ =	shalt  }
0x84: {  	_ =	shalt  }
0x85: {  	_ =	shalt  }
0x86: {  	_ =	shalt  }
0x87: {  	_ =	shalt  }
.Lfunc_end0:
.L_simem_size_0:
called_computation.1_lowered:
.L_overlay_start_0:
0x88: {  	s2 =	sld [smem:$0x3FD9]  }
0x89: {  	s3 =	sld [smem:$0x3FFE];
	_ =	sdelay $0x1  }
0x8a: {  	s1 =	srdreg.scid  }
0x8b: {  	s0 =	sand.u32 $0x1, s1  }
0x8c: {  	s17 =	sshll.u32 s0, $0xA;
	s2 =	sadd.s32 s3, s2  }
0x8d: {  	s2 =	sadd.s32 s2, s17  }
0x8e: {  	[smem:$0x3FC2] =	sst s2  }
0x8f: {  	_ = 	snop  }
0x90: {  	s2 =	sld [smem:$0x3FD0];
	(tm) =	ssettm $0x1  }
0x91: {  	s18 =	sld [smem:$0x3FFB];
	_ =	sdelay $0x3  }
0x92: {  	_ =	strace s18  }
0x93: {  	s3 =	sld [smem:$0x3FFC];
	_ =	sdelay $0x3  }
0x94: {  	_ =	strace s3  }
0x95: {  	s3 =	sld [smem:$0x3FFD];
	_ =	sdelay $0x3  }
0x96: {  	_ =	strace s3  }
0x97: {  	_ =	strace $0x8FFFFFFF  }
0x98: {  	s19 =	sld [smem:$0x3FDB];
	_ =	sdelay $0x1  }
0x99: {  	s4 =	simm.s32 $_scs_section_size  }
0x9a: {  	s5 =	simm.s32 $_size__tile_overlayer_lowered;
	s6 =	simm.s32 $_tile_overlayer_lowered  }
0x9b: {  	s22 =	simm.s32 $0x1BFF;
	s21 =	sshll.u32 s6, $0x1;
	s3 =	sadd.s32 s4, s19  }
0x9c: {  	s7 =	simm.s32 $0x0;
	s20 =	sshll.u32 s5, $0x1;
	s5 =	sadd.s32 s21, s3  }
0x9d: {  	[timem:s7], [sflag:s22] =	dma.local [hbm:s5], s20  }
0x9e: {  	_ =	swait.ge [sflag:s22], s20  }
0x9f: {  	s4 =	ssub.s32 $0x0, s20;
	[sflag:s22] =	ssyncset.done $0x0  }
0xa0: {  	[sflag:s22] =	ssyncadd.s32 s4;
	_ =	sdelay $0x1  }
0xa1: {  	s23 =	simm.s32 $0x1B8B  }
0xa2: {  	_ =	swait.ge [sflag:s23], $0x1  }
0xa3: {  	[sflag:s23] =	ssyncset.done $0x0  }
0xa4: {  	s25 =	simm.s32 $0x1B8E;
	s24 =	sld [smem:$0x3FFE];
	[sflag:s23] =	ssyncadd.s32 $0xFFFFFFFF  }
0xa5: {  	s26 =	simm.s32 $execute0_lowered;
	[smem:$0x3FD2] =	sst s25  }
0xa6: {  	s5 =	sshll.u32 s26, $0x1;
	_ =	strace $0x80000049;
	[dreg:$0x1] =	wrdreg $0xFFFFFFFF  }
0xa7: {  	s28 =	simm.s32 $_size_execute0_lowered;
	s3 =	sadd.s32 s3, s5;
	[dreg:$0x0] =	wrdreg $0x0  }
0xa8: {  	s5 =	sshll.u32 s28, $0x1;
	[dreg:$0x2] =	wrdreg s3  }
0xa9: {  	[dreg:$0x3] =	wrdreg s5  }
0xaa: {  	[dreg:$0x4] =	wrdreg $0xC0  }
0xab: {  	_ =	task [dreg:s7], $0x5FFFF  }
0xac: {  	[dreg:$0x1] =	wrdreg $0xFFFFFFFF  }
0xad: {  	[dreg:$0x0] =	wrdreg $0x60  }
0xae: {  	[dreg:$0x2] =	wrdreg s24  }
0xaf: {  	[dreg:$0x3] =	wrdreg s2  }
0xb0: {  	[dreg:$0x4] =	wrdreg $0x0  }
0xb1: {  	[dreg:$0x5] =	wrdreg $0x9  }
0xb2: {  	_ =	task.clear_ibuf [dreg:s7], $0x6FFFF;
	_ =	strace $0x90000049  }
0xb3: {  	s29 =	simm.s32 $0x9;
	_ =	strace $0x8000004B  }
0xb4: {  	_ =	swait.ge [sflag:s29], $0x1  }
0xb5: {  	[sflag:s29] =	ssyncadd.s32 $0xFFFFFFFF  }
0xb6: {  	_ =	strace $0x9000004B  }
0xb7: {  	_ =	sfence  }
0xb8: {  	s30 =	sld [smem:$0x0];
	_ =	sdelay $0x2  }
0xb9: {  	s31 =	sshll.u32 s1, $0xD;
	s1 =	sshrl.u32 s1, $0x2  }
0xba: {  	s3 =	sand.u32 $0x4000, s31;
	s1 =	sadd.s32 s1, s30  }
0xbb: {  	s0 =	sor.u32 s3, s0;
	s1 =	sshll.u32 s1, $0x11  }
0xbc: {  	s0 =	sor.u32 s1, s0  }
0xbd: {  	s0 =	sadd.s32 $0x8F2B, s0  }
0xbe: {  	[sflag:s0] =	ssyncadd.remote.s32 $0x1  }
0xbf: {  	_ =	sfence.sel $0xFFFF  }
0xc0: {  	[dreg:$0x0] =	wrdreg $0xFFFFFFFF;
	(pc) =	sbr.abs _section_cstart, $3  }
0xc1: {  	[dreg:$0x1] =	wrdreg $0xFFFFFFFF  }
0xc2: {  	_ =	task.clear_ibuf [dreg:s7], $0x2FFFF;
	_ =	strace $0x9FFFFFFF  }
0xc3: {  	(tm) =	ssettm $0x7FFFFFFF  }
tec
execute0_lowered:
.L_overlay_start_1:
0x0: {  	(tag) =	ssettag $0x1  }
0x1: {  	s0 =	rddreg [dreg:$0x0]  }
0x2: {  	s2 =	rddreg [dreg:$0x2];
	s3 =	simm.s32 $0x0;
	s1 =	srdreg.scid  }
0x3: {  	s15 =	stileid.u32;
	s20 =	simm.s32 $0xC800;
	s21 =	simm.s32 $0x5  }
0x4: {  	s22 =	simm.s32 $0x12C00;
	s23 =	simm.s32 $0x133D0;
	s28 =	simm.s32 $0x12FE8  }
0x5: {  	s29 =	simm.s32 $0x137B8;
	s30 =	simm.s32 $0x3;
	s31 =	simm.s32 $0x2  }
0x6: {  	[smem:$0x7FF] =	sst s3;
	s5 =	sadd.s32 $0x65000, s0;
	s6 =	sadd.s32 $0x34200, s0  }
0x7: {  	s7 =	sadd.s32 $0x3400, s0;
	s1 =	sand.u32 $0x1, s1;
	s10 =	smul.u32 $0xC800, s15  }
0x8: {  	s8 =	sshll.u32 s15, $0x1;
	s0 =	sadd.s32 $0x7E000, s0;
	s15 =	smul.u32 $0x186A0, s15  }
0x9: {  	_ =	strace $0x8000004A;
	s4 =	ssub.s32 $0x2, s1;
	s14 =	smul.u32 $0xC8000, s1  }
0xa: {  	s8 =	sor.u32 s1, s8;
	s1 =	smul.u32 $0xC350, s1;
	s9 =	sshrl.u32 s4, $0x1  }
0xb: {  	s11 =	sadd.s32 $0x6400, s10;
	s12 =	smul.u32 $0xC350, s8;
	s8 =	sadd.s32 s10, s2  }
0xc: {  	s4 =	ssub.s32 s4, s9;
	s9 =	sadd.s32 s11, s2;
	s10 =	sadd.s32 s10, s14  }
0xd: {  	s11 =	sadd.s32 s14, s11;
	s1 =	sadd.s32 s1, s15;
	s13 =	sshrl.u32 s12, $0x3  }
0xe: {  	s12 =	sadd.s32 $0x3E8, s12;
	s10 =	sshrl.u32 s10, $0x3;
	s11 =	sshrl.u32 s11, $0x3  }
0xf: {  	s25 =	sadd.s32 $0xBB8, s1;
	s19 =	sadd.s32 $0x7D0, s1;
	s1 =	simm.s32 $0x0  }
0x10: {  	s16 =	sadd.s32 s6, s13;
	s12 =	sshrl.u32 s12, $0x3;
	s13 =	sadd.s32 s7, s13  }
0x11: {  	s10 =	sadd.s32 s0, s10;
	s15 =	sadd.s32 s0, s11;
	s26 =	sshrl.u32 s25, $0x3  }
0x12: {  	s25 =	simm.s32 $0x3E8;
	s0 =	simm.s32 $0x15AE0;
	[dreg:$0x4] =	wrdreg s16  }
0x13: {  	[dreg:$0x5] =	wrdreg s13;
	s24 =	sadd.s32 s6, s12;
	s12 =	sadd.s32 s7, s12  }
0x14: {  	[dreg:$0x8] =	wrdreg s10;
	s16 =	smax.u32 s4, $0x1;
	s17 =	sadd.s32 s26, s7  }
0x15: {  	s18 =	sadd.s32 s26, s6;
	s26 =	simm.s32 $0x13BA0;
	[dreg:$0x6] =	wrdreg s24  }
0x16: {  	s4 =	simm.s32 $0x4;
	[dreg:$0x7] =	wrdreg s12;
	s24 =	simm.s32 $0x1  }
.LBB2_1:
0x17: {  	s10 =	rddreg [dreg:$0x1]  }
0x18: {  	[tilespmem:s20], [sflag:$0x5] =	stream.linear.gather [hbm4b:s10+s3], $0x6400, $0x38;
	[tilespmem:$0x17A20] =	vst v63  }
0x19: {  	_ =	swait.ge [sflag:s21], $0x6400  }
0x1a: {  	[sflag:s21] =	ssyncset.done $0x0  }
0x1b: {  	[sflag:s21] =	ssyncadd.s32 $0xFFFF9C00  }
0x1c: {  	[spmem:s8] =	stream.linear.scatter [tilespmem:s20], [sflag:$0x5], $0x6400, $0x38;
	[tilespmem:$0x17A20] =	vst v63  }
0x1d: {  	_ =	swait.ge [sflag:s21], $0x6400  }
0x1e: {  	[sflag:s21] =	ssyncset.done $0x0  }
0x1f: {  	[sflag:s21] =	ssyncadd.s32 $0xFFFF9C00  }
0x20: {  	[spmem:s9] =	stream.linear.scatter [tilespmem:s20], [sflag:$0x5], $0x6400, $0x38;
	[tilespmem:$0x17A20] =	vst v63  }
0x21: {  	_ =	swait.ge [sflag:s21], $0x6400  }
0x22: {  	[sflag:s21] =	ssyncset.done $0x0  }
0x23: {  	[sflag:s21] =	ssyncadd.s32 $0xFFFF9C00  }
0x24: {  	[bflag:$0x0] =	sbarrier.arrive $0xFFFF  }
0x25: {  	s13 =	rddreg [dreg:$0x4]  }
0x26: {  	[tilespmem:s22], [sflag:$0x1] =	stream.linear.gather [hbm4b:s13+s3], $0x3E8, $0x38;
	[tilespmem:$0x17A20] =	vst v63  }
0x27: {  	s14 =	rddreg [dreg:$0x5]  }
0x28: {  	[tilespmem:s23], [sflag:$0x1] =	stream.linear.gather [hbm4b:s14+s3], $0x3E8, $0x38;
	[tilespmem:$0x17A20] =	vst v63  }
0x29: {  	_ =	swait.ge [sflag:s24], $0x3E8  }
0x2a: {  	[sflag:s24] =	ssyncset.done $0x0  }
0x2b: {  	[sflag:s24] =	ssyncadd.s32 $0xFFFFFC18  }
0x2c: {  	_ =	swait.ge [sflag:s24], $0x3E8  }
0x2d: {  	[sflag:s24] =	ssyncset.done $0x0  }
0x2e: {  	[sflag:s24] =	ssyncadd.s32 $0xFFFFFC18  }
0x2f: {  	[tilespmem:s26], [sflag:$0x3] =	stream.indirect.gather [hbm4b:s5+s25], $0x8, s22, s25, $0xb8;
	[tilespmem:$0x17A20] =	vst v63  }
0x30: {  	s11 =	rddreg [dreg:$0x6]  }
0x31: {  	[tilespmem:s28], [sflag:$0x2] =	stream.linear.gather [hbm4b:s11+s3], $0x3E8, $0x38;
	[tilespmem:$0x17A20] =	vst v63  }
0x32: {  	s12 =	rddreg [dreg:$0x7]  }
0x33: {  	[tilespmem:s29], [sflag:$0x2] =	stream.linear.gather [hbm4b:s12+s3], $0x3E8, $0x38;
	[tilespmem:$0x17A20] =	vst v63  }
0x34: {  	_ =	swait.ge [sflag:s30], $0x1F40  }
0x35: {  	[sflag:s30] =	ssyncset.done $0x0  }
0x36: {  	[sflag:s30] =	ssyncadd.s32 $0xFFFFE0C0  }
0x37: {  	_ =	swait.ge [sflag:s31], $0x3E8  }
0x38: {  	[sflag:s31] =	ssyncset.done $0x0  }
0x39: {  	[sflag:s31] =	ssyncadd.s32 $0xFFFFFC18  }
0x3a: {  	_ =	swait.ge [sflag:s31], $0x3E8  }
0x3b: {  	[sflag:s31] =	ssyncset.done $0x0  }
0x3c: {  	[sflag:s31] =	ssyncadd.s32 $0xFFFFFC18  }
0x3d: {  	[tilespmem:s0], [sflag:$0x4] =	stream.indirect.gather [hbm4b:s5+s25], $0x8, s28, s25, $0xb8;
	[tilespmem:$0x17A20] =	vst v63  }
0x3e: {  	_ = 	snop  }
0x3f: {  	[spmem:s2] =	stream.indirect.scatter.add.f32 [tilespmem:s26], [sflag:$0x5], $0x8, s23, s25, $0xb8;
	[tilespmem:$0x17A20] =	vst v63  }
0x40: {  	_ =	swait.ge [sflag:s21], $0x1F40  }
0x41: {  	s13 =	sshrl.u32 s19, $0x3;
	[sflag:s21] =	ssyncset.done $0x0  }
0x42: {  	s11 =	sadd.s32 s6, s13;
	[sflag:s21] =	ssyncadd.s32 $0xFFFFE0C0  }
0x43: {  	[tilespmem:s22], [sflag:$0x1] =	stream.linear.gather [hbm4b:s11+s3], $0x3E8, $0x38;
	[tilespmem:$0x17A20] =	vst v63  }
0x44: {  	s10 =	sadd.s32 s7, s13  }
0x45: {  	[tilespmem:s23], [sflag:$0x1] =	stream.linear.gather [hbm4b:s10+s3], $0x3E8, $0x38;
	[tilespmem:$0x17A20] =	vst v63  }
0x46: {  	_ =	swait.ge [sflag:s4], $0x1F40  }
0x47: {  	[sflag:s4] =	ssyncset.done $0x0  }
0x48: {  	[sflag:s4] =	ssyncadd.s32 $0xFFFFE0C0  }
0x49: {  	_ =	swait.ge [sflag:s24], $0x3E8  }
0x4a: {  	[sflag:s24] =	ssyncset.done $0x0  }
0x4b: {  	[sflag:s24] =	ssyncadd.s32 $0xFFFFFC18  }
0x4c: {  	_ =	swait.ge [sflag:s24], $0x3E8  }
0x4d: {  	[sflag:s24] =	ssyncset.done $0x0  }
0x4e: {  	[sflag:s24] =	ssyncadd.s32 $0xFFFFFC18  }
0x4f: {  	[tilespmem:s26], [sflag:$0x3] =	stream.indirect.gather [hbm4b:s5+s25], $0x8, s22, s25, $0xb8;
	[tilespmem:$0x17A20] =	vst v63  }
0x50: {  	_ = 	snop  }
0x51: {  	[spmem:s2] =	stream.indirect.scatter.add.f32 [tilespmem:s0], [sflag:$0x5], $0x8, s29, s25, $0xb8;
	[tilespmem:$0x17A20] =	vst v63  }
0x52: {  	_ =	swait.ge [sflag:s21], $0x1F40  }
0x53: {  	s14 =	sadd.s32 $0x0, s18;
	s12 =	sadd.s32 $0x0, s17;
	[sflag:s21] =	ssyncset.done $0x0  }
0x54: {  	s11 =	sadd.s32 $0x7D0, s19;
	s10 =	simm.s32 $0xFA;
	[sflag:s21] =	ssyncadd.s32 $0xFFFFE0C0  }
0x55: {  	[tilespmem:s28], [sflag:$0x2] =	stream.linear.gather [hbm4b:s14+s3], $0x3E8, $0x38;
	[tilespmem:$0x17A20] =	vst v63  }
.LBB2_2:
0x56: {  	[tilespmem:s29], [sflag:$0x2] =	stream.linear.gather [hbm4b:s12+s3], $0x3E8, $0x38;
	[tilespmem:$0x17A20] =	vst v63  }
0x57: {  	s12 =	smov.u32 s10  }
0x58: {  	p0 =	sne.s32 s10, $0x1676;
	s10 =	sadd.s32 $0xFA, s10;
	_ =	swait.ge [sflag:s30], $0x1F40  }
0x59: {  	[sflag:s30] =	ssyncset.done $0x0  }
0x5a: {  	[sflag:s30] =	ssyncadd.s32 $0xFFFFE0C0  }
0x5b: {  	_ =	swait.ge [sflag:s31], $0x3E8  }
0x5c: {  	[sflag:s31] =	ssyncset.done $0x0  }
0x5d: {  	[sflag:s31] =	ssyncadd.s32 $0xFFFFFC18  }
0x5e: {  	_ =	swait.ge [sflag:s31], $0x3E8  }
0x5f: {  	[sflag:s31] =	ssyncset.done $0x0  }
0x60: {  	[sflag:s31] =	ssyncadd.s32 $0xFFFFFC18  }
0x61: {  	[tilespmem:s0], [sflag:$0x4] =	stream.indirect.gather [hbm4b:s5+s25], $0x8, s28, s25, $0xb8;
	[tilespmem:$0x17A20] =	vst v63  }
0x62: {  	_ = 	snop  }
0x63: {  	[spmem:s2] =	stream.indirect.scatter.add.f32 [tilespmem:s26], [sflag:$0x5], $0x8, s23, s25, $0xb8;
	[tilespmem:$0x17A20] =	vst v63  }
0x64: {  	_ =	swait.ge [sflag:s21], $0x1F40  }
0x65: {  	s13 =	sshrl.u32 s11, $0x3;
	[sflag:s21] =	ssyncset.done $0x0  }
0x66: {  	s14 =	sadd.s32 s6, s13;
	[sflag:s21] =	ssyncadd.s32 $0xFFFFE0C0  }
0x67: {  	[tilespmem:s22], [sflag:$0x1] =	stream.linear.gather [hbm4b:s14+s3], $0x3E8, $0x38;
	[tilespmem:$0x17A20] =	vst v63  }
0x68: {  	s13 =	sadd.s32 s7, s13  }
0x69: {  	[tilespmem:s23], [sflag:$0x1] =	stream.linear.gather [hbm4b:s13+s3], $0x3E8, $0x38;
	[tilespmem:$0x17A20] =	vst v63  }
0x6a: {  	_ =	swait.ge [sflag:s4], $0x1F40  }
0x6b: {  	[sflag:s4] =	ssyncset.done $0x0  }
0x6c: {  	[sflag:s4] =	ssyncadd.s32 $0xFFFFE0C0  }
0x6d: {  	_ =	swait.ge [sflag:s24], $0x3E8  }
0x6e: {  	[sflag:s24] =	ssyncset.done $0x0  }
0x6f: {  	[sflag:s24] =	ssyncadd.s32 $0xFFFFFC18  }
0x70: {  	_ =	swait.ge [sflag:s24], $0x3E8  }
0x71: {  	[sflag:s24] =	ssyncset.done $0x0  }
0x72: {  	[sflag:s24] =	ssyncadd.s32 $0xFFFFFC18  }
0x73: {  	[tilespmem:s26], [sflag:$0x3] =	stream.indirect.gather [hbm4b:s5+s25], $0x8, s22, s25, $0xb8;
	[tilespmem:$0x17A20] =	vst v63  }
0x74: {  	_ = 	snop  }
0x75: {  	[spmem:s2] =	stream.indirect.scatter.add.f32 [tilespmem:s0], [sflag:$0x5], $0x8, s29, s25, $0xb8;
	[tilespmem:$0x17A20] =	vst v63  }
.Ltmp0:
0x76: {  	_ =	swait.ge [sflag:s21], $0x1F40;
	(pc) =	sbr.rel @p0 .LBB2_2-.Ltmp0, $4  }
0x77: {  	[sflag:s21] =	ssyncset.done $0x0  }
0x78: {  	s13 =	sadd.s32 s12, s18;
	[sflag:s21] =	ssyncadd.s32 $0xFFFFE0C0  }
0x79: {  	[tilespmem:s28], [sflag:$0x2] =	stream.linear.gather [hbm4b:s13+s3], $0x3E8, $0x38;
	[tilespmem:$0x17A20] =	vst v63  }
0x7a: {  	s11 =	sadd.s32 $0x7D0, s11;
	s12 =	sadd.s32 s12, s17  }
0x7b: {  	[tilespmem:s29], [sflag:$0x2] =	stream.linear.gather [hbm4b:s12+s3], $0x3E8, $0x38;
	[tilespmem:$0x17A20] =	vst v63  }
0x7c: {  	_ =	swait.ge [sflag:s30], $0x1F40  }
0x7d: {  	[sflag:s30] =	ssyncset.done $0x0  }
0x7e: {  	[sflag:s30] =	ssyncadd.s32 $0xFFFFE0C0  }
0x7f: {  	_ =	swait.ge [sflag:s31], $0x3E8  }
0x80: {  	[sflag:s31] =	ssyncset.done $0x0  }
0x81: {  	[sflag:s31] =	ssyncadd.s32 $0xFFFFFC18  }
0x82: {  	_ =	swait.ge [sflag:s31], $0x3E8  }
0x83: {  	[sflag:s31] =	ssyncset.done $0x0  }
0x84: {  	[sflag:s31] =	ssyncadd.s32 $0xFFFFFC18  }
0x85: {  	[tilespmem:s0], [sflag:$0x4] =	stream.indirect.gather [hbm4b:s5+s25], $0x8, s28, s25, $0xb8;
	[tilespmem:$0x17A20] =	vst v63  }
0x86: {  	_ = 	snop  }
0x87: {  	[spmem:s2] =	stream.indirect.scatter.add.f32 [tilespmem:s26], [sflag:$0x5], $0x8, s23, s25, $0xb8;
	[tilespmem:$0x17A20] =	vst v63  }
0x88: {  	_ =	swait.ge [sflag:s21], $0x1F40  }
0x89: {  	[sflag:s21] =	ssyncset.done $0x0  }
0x8a: {  	[sflag:s21] =	ssyncadd.s32 $0xFFFFE0C0  }
0x8b: {  	_ =	swait.ge [sflag:s4], $0x1F40  }
0x8c: {  	[sflag:s4] =	ssyncset.done $0x0  }
0x8d: {  	[sflag:s4] =	ssyncadd.s32 $0xFFFFE0C0  }
0x8e: {  	[spmem:s2] =	stream.indirect.scatter.add.f32 [tilespmem:s0], [sflag:$0x5], $0x8, s29, s25, $0xb8;
	[tilespmem:$0x17A20] =	vst v63  }
0x8f: {  	_ =	swait.ge [sflag:s21], $0x1F40  }
0x90: {  	[sflag:s21] =	ssyncset.done $0x0  }
0x91: {  	[sflag:s21] =	ssyncadd.s32 $0xFFFFE0C0  }
0x92: {  	[bflag:$0x0] =	sbarrier.arrive $0xFFFF  }
0x93: {  	[tilespmem:s20], [sflag:$0x5] =	stream.linear.gather [spmem:s8], $0x6400, $0x38;
	[tilespmem:$0x17A20] =	vst v63  }
0x94: {  	_ =	swait.ge [sflag:s21], $0x6400  }
0x95: {  	[sflag:s21] =	ssyncset.done $0x0  }
0x96: {  	s10 =	rddreg [dreg:$0x8];
	[sflag:s21] =	ssyncadd.s32 $0xFFFF9C00  }
0x97: {  	[hbm4b:s10+s3] =	stream.linear.scatter [tilespmem:s20], [sflag:$0x5], $0x6400, $0x38;
	[tilespmem:$0x17A20] =	vst v63  }
0x98: {  	_ =	swait.ge [sflag:s21], $0x6400  }
0x99: {  	[sflag:s21] =	ssyncset.done $0x0  }
0x9a: {  	[sflag:s21] =	ssyncadd.s32 $0xFFFF9C00  }
0x9b: {  	[tilespmem:s20], [sflag:$0x5] =	stream.linear.gather [spmem:s9], $0x6400, $0x38;
	[tilespmem:$0x17A20] =	vst v63  }
0x9c: {  	s1 =	sadd.s32 $0x1, s1;
	_ =	swait.ge [sflag:s21], $0x6400  }
0x9d: {  	p0 =	sne.s32 s1, s16;
	[sflag:s21] =	ssyncset.done $0x0  }
.Ltmp1:
0x9e: {  	[sflag:s21] =	ssyncadd.s32 $0xFFFF9C00;
	(pc) =	sbr.rel @p0 .LBB2_1-.Ltmp1, $4  }
0x9f: {  	[hbm4b:s15+s3] =	stream.linear.scatter [tilespmem:s20], [sflag:$0x5], $0x6400, $0x38;
	[tilespmem:$0x17A20] =	vst v63  }
0xa0: {  	_ =	swait.ge [sflag:s21], $0x6400  }
0xa1: {  	[sflag:s21] =	ssyncset.done $0x0  }
0xa2: {  	[sflag:s21] =	ssyncadd.s32 $0xFFFF9C00  }
0xa3: {  	_ =	sfence.sel $0x180000  }
0xa4: {  	[bflag:$0x0] =	sbarrier.arrive $0xFFFF  }
0xa5: {  	_ =	strace $0x9000004A  }
0xa6: {  	s0 =	stileid.u32;
	[bflag:$0x2] =	sbarrier.arrive $0xFFFF  }
0xa7: {  	p0 =	sne.s32 s0, $0x0;
	s0 =	rddreg [dreg:$0x3]  }
0xa8: {  	s0 =	sadd.s32 @!p0 $0x100000, s0  }
0xa9: {  	[sflag:s0] =	ssyncadd.tile.s32 @!p0 $0x1;
	_ =	shalt  }
.Lfunc_end2:
_tile_overlayer_lowered:
.L_overlay_start_2:
0xaa: {  	(tag) =	ssettag $0x2  }
0xab: {  	s0 =	rddreg [dreg:$0x0];
	s2 =	stileid.u32  }
0xac: {  	s1 =	rddreg [dreg:$0x1];
	p0 =	sne.s32 s2, $0x0  }
0xad: {  	s3 =	rddreg [dreg:$0x2];
	[bflag:$0x3] =	sbarrier.arrive $0xFFFF;
	s2 =	simm.s32 @!p0 $0x1C05  }
0xae: {  	[timem:s3], [sflag:s2] =	dma.local @!p0 [hbm:s0], s1  }
0xaf: {  	s0 =	simm.s32 @!p0 $0x5  }
0xb0: {  	_ =	swait.ge @!p0 [sflag:s0], s1  }
0xb1: {  	s1 =	ssub.s32 @!p0 $0x0, s1;
	[sflag:s0] =	ssyncset.done @!p0 $0x0  }
0xb2: {  	[sflag:s0] =	ssyncadd.s32 @!p0 s1  }
0xb3: {  	[bflag:$0x3] =	sbarrier.arrive $0xFFFF  }
0xb4: {  	_ =	shalt  }

</sc_bundles>
